<compile_context>
chip_gen: v7x
topology: tpu7x:2x2x1
jax: 0.10.2.dev20260603
libtpu: 0.0.44.dev20260713+nightly
codegen_flags: <defaults>
</compile_context>

<pallas_src>
import functools

import jax
import jax.numpy as jnp
from jax import lax
from jax.experimental import pallas as pl
from jax.experimental.pallas import tpu as pltpu
from jax.experimental.pallas import tpu_sc as plsc

NC, NS, L = 2, 16, 16
NW = NC * NS
B, DIM, H, W = 32, 64, 128, 128
HW = H * W
M = 500
MP = 512
G = 8
NG = DIM // G
GMP = G * MP


@functools.partial(
    pl.kernel,
    out_type=jax.ShapeDtypeStruct((NW, 2, L), jnp.float32),
    mesh=plsc.VectorSubcoreMesh(
        core_axis_name="c", subcore_axis_name="s",
        num_cores=NC, num_subcores=NS),
    compiler_params=pltpu.CompilerParams(
        needs_layout_passes=False, use_tc_tiling_on_sc=False),
    scratch_types=[
        pltpu.VMEM((MP,), jnp.int32),
        pltpu.VMEM((MP,), jnp.int32),
        pltpu.VMEM((GMP,), jnp.int32),
        pltpu.VMEM((GMP,), jnp.float32),
        pltpu.VMEM((DIM * MP,), jnp.float32),
        pltpu.VMEM((NG, GMP), jnp.float32),
        pltpu.VMEM((2, L), jnp.float32),
        pltpu.SemaphoreType.DMA,
        pltpu.SemaphoreType.DMA,
        pltpu.SemaphoreType.DMA,
        pltpu.SemaphoreType.DMA,
        pltpu.SemaphoreType.DMA,
        pltpu.SemaphoreType.DMA,
        pltpu.SemaphoreType.DMA,
        pltpu.SemaphoreType.DMA,
        pltpu.SemaphoreType.DMA,
    ],
)
def _sc_loss(outel, indf, maskf, tgtf, out,
             ind_v, mski_v, cix_v, mask_v, tgt_v, prd_v, acc_v,
             sem0, sem1, sem2, sem3, sem4, sem5, sem6, sem7, semt):
    sems = (sem0, sem1, sem2, sem3, sem4, sem5, sem6, sem7)
    w = lax.axis_index("s") * NC + lax.axis_index("c")
    base = w * DIM

    zi = jnp.zeros((L,), jnp.int32)
    ind_v[pl.ds(MP - L, L)] = zi
    mski_v[pl.ds(MP - L, L)] = zi

    tgt_cp = pltpu.async_copy(tgtf.at[w], tgt_v, semt)
    pltpu.sync_copy(indf.at[w], ind_v.at[pl.ds(0, M)])
    pltpu.sync_copy(maskf.at[w], mski_v.at[pl.ds(0, M)])

    def split_body(j, nacc):
        iv = ind_v[pl.ds(j * L, L)]
        mk = mski_v[pl.ds(j * L, L)].astype(jnp.float32)
        mask_v[pl.ds(j * L, L)] = mk
        for k in range(G):
            cix_v[pl.ds(k * MP + j * L, L)] = iv + (k * HW)
            if k:
                mask_v[pl.ds(k * MP + j * L, L)] = mk
        return nacc + mk

    nacc = lax.fori_loop(0, MP // L, split_body,
                         jnp.zeros((L,), jnp.float32), unroll=2)

    def gather_group(g, buf, sem):
        table = outel.at[pl.ds((base + g * G) * HW, G * HW)]
        return pltpu.async_copy(table.at[cix_v], prd_v.at[buf], sem)

    def wait_group(g, buf, sem):
        table = outel.at[pl.ds((base + g * G) * HW, G * HW)]
        pltpu.make_async_copy(table.at[cix_v], prd_v.at[buf], sem).wait()

    def compute_group(buf, g, acc):
        tbase = g * GMP

        def m_body(q, acc):
            p = prd_v[buf, pl.ds(q * L, L)]
            t = tgt_v[pl.ds(tbase + q * L, L)]
            mk = mask_v[pl.ds(q * L, L)]
            d = (p - t) * mk
            a = jnp.abs(d)
            m1 = jnp.minimum(a, 1.0)
            return acc + (0.5 * m1 * m1 - 1.0 + jnp.maximum(a, 1.0))

        return lax.fori_loop(0, GMP // L, m_body, acc, unroll=4)

    for g in range(NG):
        gather_group(g, g, sems[g])
    tgt_cp.wait()

    acc = jnp.zeros((L,), jnp.float32)
    for g in range(NG):
        wait_group(g, g, sems[g])
        acc = compute_group(g, g, acc)

    acc_v[0, :] = acc
    acc_v[1, :] = nacc
    pltpu.sync_copy(acc_v, out.at[w])


def kernel(output, mask, ind, target):
    outel = output.reshape(B * DIM * HW)
    ind32 = ind.astype(jnp.int32)
    mask32 = mask.astype(jnp.int32)
    tgtT = jnp.pad(jnp.transpose(target, (0, 2, 1)),
                   ((0, 0), (0, 0), (0, MP - M)))
    tgtflat = tgtT.reshape(B, DIM * MP)
    out = _sc_loss(outel, ind32, mask32, tgtflat)
    return jnp.sum(out[:, 0]) / (jnp.sum(out[:, 1]) + 0.0001)

# --- scband reference (transcript-rebuilt; emitter-appended) ---
"""Pipeline reference for scband-reg-loss-429496730196 (READ-ONLY COPY).

The authoritative reference and input builder live on the scoring server;
editing this copy changes nothing except your own understanding.
"""

import jax, jax.numpy as jnp
import numpy as np


def setup_inputs(seed: int = 0) -> dict:
    key = jax.random.key(seed)
    k1, k2, k3, k4 = jax.random.split(key, 4)
    output = jax.random.normal(k1, (32, 64, 128, 128), dtype=jnp.float32)
    mask = jax.random.randint(k2, (32, 500), 0, 2, dtype=jnp.int64)
    ind = jax.random.randint(k3, (32, 500), 0, 128 * 128, dtype=jnp.int64)
    target = jax.random.normal(k4, (32, 500, 64), dtype=jnp.float32)
    return {"output": output, "mask": mask, "ind": ind, "target": target}


def _smooth_l1_sum(pred, gt):
    # torch smooth_l1_loss with size_average=False == sum reduction, beta=1.0
    diff = pred - gt
    absd = jnp.abs(diff)
    return jnp.sum(jnp.where(absd < 1.0, 0.5 * diff * diff, absd - 0.5))


def reference(output, mask, ind, target):
    B, dim, H, W = output.shape
    M = ind.shape[1]
    # _transpose_and_gather_feat: permute(0,2,3,1) -> view(B, H*W, dim) -> gather along dim 1
    feat = jnp.transpose(output, (0, 2, 3, 1)).reshape(B, H * W, dim)
    idx = jnp.broadcast_to(ind[:, :, None], (B, M, dim))
    pred = jnp.take_along_axis(feat, idx, axis=1)  # (B, M, dim)
    # _reg_loss
    num = mask.astype(jnp.float32).sum()
    m = jnp.broadcast_to(mask[:, :, None], (B, M, dim)).astype(jnp.float32)
    regr = pred * m
    gt_regr = target * m
    regr_loss = _smooth_l1_sum(regr, gt_regr)
    regr_loss = regr_loss / (num + 0.0001)
    return regr_loss

if __name__ == "__main__":
    import jax
    _d = setup_inputs()
    print(jax.jit(kernel)(*tuple(_d.values())))

</pallas_src>

<mosaic_0001>
#map = affine_map<(d0, d1) -> (0)>
#map1 = affine_map<(d0, d1) -> (0, 0)>
#map2 = affine_map<(d0, d1) -> (0, 0, 0)>
module attributes {stable_mosaic.version = 14 : i64} {
  func.func @_sc_loss(%arg0: i32, %arg1: i32, %arg2: memref<33554432xf32, #tpu.memory_space<hbm>>, %arg3: memref<32x500xi32, #tpu.memory_space<hbm>>, %arg4: memref<32x500xi32, #tpu.memory_space<hbm>>, %arg5: memref<32x32768xf32, #tpu.memory_space<hbm>>, %arg6: memref<32x2x16xf32, #tpu.memory_space<hbm>>, %arg7: memref<512xi32, #tpu.memory_space<vmem>>, %arg8: memref<512xi32, #tpu.memory_space<vmem>>, %arg9: memref<4096xi32, #tpu.memory_space<vmem>>, %arg10: memref<4096xf32, #tpu.memory_space<vmem>>, %arg11: memref<32768xf32, #tpu.memory_space<vmem>>, %arg12: memref<8x4096xf32, #tpu.memory_space<vmem>>, %arg13: memref<2x16xf32, #tpu.memory_space<vmem>>, %arg14: memref<!tpu.dma_semaphore, #tpu.memory_space<semaphore_mem>>, %arg15: memref<!tpu.dma_semaphore, #tpu.memory_space<semaphore_mem>>, %arg16: memref<!tpu.dma_semaphore, #tpu.memory_space<semaphore_mem>>, %arg17: memref<!tpu.dma_semaphore, #tpu.memory_space<semaphore_mem>>, %arg18: memref<!tpu.dma_semaphore, #tpu.memory_space<semaphore_mem>>, %arg19: memref<!tpu.dma_semaphore, #tpu.memory_space<semaphore_mem>>, %arg20: memref<!tpu.dma_semaphore, #tpu.memory_space<semaphore_mem>>, %arg21: memref<!tpu.dma_semaphore, #tpu.memory_space<semaphore_mem>>, %arg22: memref<!tpu.dma_semaphore, #tpu.memory_space<semaphore_mem>>) attributes {dimension_semantics = [#tpu.dimension_semantics<core_parallel>, #tpu.dimension_semantics<subcore_parallel>], iteration_bounds = array<i64: 2, 16>, scalar_prefetch = 0 : i64, scratch_operands = 16 : i64, tpu.core_type = #tpu.core_type<sc_vector_subcore>, window_params = [{transform_indices = #map}, {transform_indices = #map1}, {transform_indices = #map1}, {transform_indices = #map1}, {transform_indices = #map2}]} {
    %mul3A = arith.constant 2 : i32
    %mul3A_0 = arith.muli %arg1, %mul3A : i32
    %add3A = arith.addi %mul3A_0, %arg0 : i32
    %mul3A_1 = arith.constant 64 : i32
    %mul3A_2 = arith.muli %add3A, %mul3A_1 : i32
    %broadcast_in_dim3A = arith.constant 0 : i32
    %broadcast_in_dim3A_3 = vector.broadcast %broadcast_in_dim3A : i32 to vector<16xi32>
    %swap3A = arith.constant 496 : index
    %swap3A_4 = tpu.vector_load %arg7[%swap3A] {strides = array<i32>} : memref<512xi32, #tpu.memory_space<vmem>>, vector<16xi32>,
    tpu.vector_store %arg7[%swap3A], %broadcast_in_dim3A_3 {strides = array<i32>} : memref<512xi32, #tpu.memory_space<vmem>>, vector<16xi32>,
    %swap3A_5 = arith.constant 496 : index
    %swap3A_6 = tpu.vector_load %arg8[%swap3A_5] {strides = array<i32>} : memref<512xi32, #tpu.memory_space<vmem>>, vector<16xi32>,
    tpu.vector_store %arg8[%swap3A_5], %broadcast_in_dim3A_3 {strides = array<i32>} : memref<512xi32, #tpu.memory_space<vmem>>, vector<16xi32>,
    %dma_start3A = arith.constant 0 : i32
    %dma_start3A_7 = tpu.memref_slice %arg5[%add3A, %dma_start3A] : memref<32x32768xf32, #tpu.memory_space<hbm>> -> memref<1x32768xf32, #tpu.memory_space<hbm>>
    %dma_start3A_8 = tpu.memref_squeeze %dma_start3A_7 : memref<1x32768xf32, #tpu.memory_space<hbm>> -> memref<32768xf32, #tpu.memory_space<hbm>>
    %dma_start3A_9 = arith.constant 0 : i32
    %dma_start3A_10 = tpu.memref_slice %arg5[%add3A, %dma_start3A_9] : memref<32x32768xf32, #tpu.memory_space<hbm>> -> memref<1x32768xf32, #tpu.memory_space<hbm>>
    %dma_start3A_11 = tpu.memref_squeeze %dma_start3A_10 : memref<1x32768xf32, #tpu.memory_space<hbm>> -> memref<32768xf32, #tpu.memory_space<hbm>>
    tpu.enqueue_dma source(%dma_start3A_11 : memref<32768xf32, #tpu.memory_space<hbm>>) target(%arg11 : memref<32768xf32, #tpu.memory_space<vmem>>) target_semaphore(%arg22 : memref<!tpu.dma_semaphore, #tpu.memory_space<semaphore_mem>>)
    "tpu.region"() ({
      %run_scoped3A = tpu.sem_alloc : memref<!tpu.dma_semaphore, #tpu.memory_space<semaphore_mem>>
      %dma_start3A_258 = arith.constant 0 : i32
      %dma_start3A_259 = tpu.memref_slice %arg7[%dma_start3A_258] : memref<512xi32, #tpu.memory_space<vmem>> -> memref<500xi32, #tpu.memory_space<vmem>>
      %dma_start3A_260 = arith.constant 0 : i32
      %dma_start3A_261 = tpu.memref_slice %arg3[%add3A, %dma_start3A_260] : memref<32x500xi32, #tpu.memory_space<hbm>> -> memref<1x500xi32, #tpu.memory_space<hbm>>
      %dma_start3A_262 = tpu.memref_squeeze %dma_start3A_261 : memref<1x500xi32, #tpu.memory_space<hbm>> -> memref<500xi32, #tpu.memory_space<hbm>>
      %dma_start3A_263 = arith.constant 0 : i32
      %dma_start3A_264 = tpu.memref_slice %arg7[%dma_start3A_263] : memref<512xi32, #tpu.memory_space<vmem>> -> memref<500xi32, #tpu.memory_space<vmem>>
      %dma_start3A_265 = arith.constant 0 : i32
      %dma_start3A_266 = tpu.memref_slice %arg3[%add3A, %dma_start3A_265] : memref<32x500xi32, #tpu.memory_space<hbm>> -> memref<1x500xi32, #tpu.memory_space<hbm>>
      %dma_start3A_267 = tpu.memref_squeeze %dma_start3A_266 : memref<1x500xi32, #tpu.memory_space<hbm>> -> memref<500xi32, #tpu.memory_space<hbm>>
      tpu.enqueue_dma source(%dma_start3A_267 : memref<500xi32, #tpu.memory_space<hbm>>) target(%dma_start3A_264 : memref<500xi32, #tpu.memory_space<vmem>>) target_semaphore(%run_scoped3A : memref<!tpu.dma_semaphore, #tpu.memory_space<semaphore_mem>>)
      %dma_wait3A_268 = arith.constant 0 : i32
      %dma_wait3A_269 = tpu.memref_slice %arg7[%dma_wait3A_268] : memref<512xi32, #tpu.memory_space<vmem>> -> memref<500xi32, #tpu.memory_space<vmem>>
      %dma_wait3A_270 = arith.constant 0 : i32
      %dma_wait3A_271 = tpu.memref_slice %arg3[%add3A, %dma_wait3A_270] : memref<32x500xi32, #tpu.memory_space<hbm>> -> memref<1x500xi32, #tpu.memory_space<hbm>>
      %dma_wait3A_272 = tpu.memref_squeeze %dma_wait3A_271 : memref<1x500xi32, #tpu.memory_space<hbm>> -> memref<500xi32, #tpu.memory_space<hbm>>
      %dma_wait3A_273 = arith.constant 0 : i32
      %dma_wait3A_274 = tpu.memref_slice %arg7[%dma_wait3A_273] : memref<512xi32, #tpu.memory_space<vmem>> -> memref<500xi32, #tpu.memory_space<vmem>>
      %dma_wait3A_275 = arith.constant 0 : i32
      %dma_wait3A_276 = tpu.memref_slice %arg3[%add3A, %dma_wait3A_275] : memref<32x500xi32, #tpu.memory_space<hbm>> -> memref<1x500xi32, #tpu.memory_space<hbm>>
      %dma_wait3A_277 = tpu.memref_squeeze %dma_wait3A_276 : memref<1x500xi32, #tpu.memory_space<hbm>> -> memref<500xi32, #tpu.memory_space<hbm>>
      tpu.wait_dma2 semaphore(%run_scoped3A : memref<!tpu.dma_semaphore, #tpu.memory_space<semaphore_mem>>) src(%dma_wait3A_277 : memref<500xi32, #tpu.memory_space<hbm>>) dst(%dma_wait3A_274 : memref<500xi32, #tpu.memory_space<vmem>>)
      tpu.yield
    }) : () -> ()
    "tpu.region"() ({
      %run_scoped3A = tpu.sem_alloc : memref<!tpu.dma_semaphore, #tpu.memory_space<semaphore_mem>>
      %dma_start3A_258 = arith.constant 0 : i32
      %dma_start3A_259 = tpu.memref_slice %arg8[%dma_start3A_258] : memref<512xi32, #tpu.memory_space<vmem>> -> memref<500xi32, #tpu.memory_space<vmem>>
      %dma_start3A_260 = arith.constant 0 : i32
      %dma_start3A_261 = tpu.memref_slice %arg4[%add3A, %dma_start3A_260] : memref<32x500xi32, #tpu.memory_space<hbm>> -> memref<1x500xi32, #tpu.memory_space<hbm>>
      %dma_start3A_262 = tpu.memref_squeeze %dma_start3A_261 : memref<1x500xi32, #tpu.memory_space<hbm>> -> memref<500xi32, #tpu.memory_space<hbm>>
      %dma_start3A_263 = arith.constant 0 : i32
      %dma_start3A_264 = tpu.memref_slice %arg8[%dma_start3A_263] : memref<512xi32, #tpu.memory_space<vmem>> -> memref<500xi32, #tpu.memory_space<vmem>>
      %dma_start3A_265 = arith.constant 0 : i32
      %dma_start3A_266 = tpu.memref_slice %arg4[%add3A, %dma_start3A_265] : memref<32x500xi32, #tpu.memory_space<hbm>> -> memref<1x500xi32, #tpu.memory_space<hbm>>
      %dma_start3A_267 = tpu.memref_squeeze %dma_start3A_266 : memref<1x500xi32, #tpu.memory_space<hbm>> -> memref<500xi32, #tpu.memory_space<hbm>>
      tpu.enqueue_dma source(%dma_start3A_267 : memref<500xi32, #tpu.memory_space<hbm>>) target(%dma_start3A_264 : memref<500xi32, #tpu.memory_space<vmem>>) target_semaphore(%run_scoped3A : memref<!tpu.dma_semaphore, #tpu.memory_space<semaphore_mem>>)
      %dma_wait3A_268 = arith.constant 0 : i32
      %dma_wait3A_269 = tpu.memref_slice %arg8[%dma_wait3A_268] : memref<512xi32, #tpu.memory_space<vmem>> -> memref<500xi32, #tpu.memory_space<vmem>>
      %dma_wait3A_270 = arith.constant 0 : i32
      %dma_wait3A_271 = tpu.memref_slice %arg4[%add3A, %dma_wait3A_270] : memref<32x500xi32, #tpu.memory_space<hbm>> -> memref<1x500xi32, #tpu.memory_space<hbm>>
      %dma_wait3A_272 = tpu.memref_squeeze %dma_wait3A_271 : memref<1x500xi32, #tpu.memory_space<hbm>> -> memref<500xi32, #tpu.memory_space<hbm>>
      %dma_wait3A_273 = arith.constant 0 : i32
      %dma_wait3A_274 = tpu.memref_slice %arg8[%dma_wait3A_273] : memref<512xi32, #tpu.memory_space<vmem>> -> memref<500xi32, #tpu.memory_space<vmem>>
      %dma_wait3A_275 = arith.constant 0 : i32
      %dma_wait3A_276 = tpu.memref_slice %arg4[%add3A, %dma_wait3A_275] : memref<32x500xi32, #tpu.memory_space<hbm>> -> memref<1x500xi32, #tpu.memory_space<hbm>>
      %dma_wait3A_277 = tpu.memref_squeeze %dma_wait3A_276 : memref<1x500xi32, #tpu.memory_space<hbm>> -> memref<500xi32, #tpu.memory_space<hbm>>
      tpu.wait_dma2 semaphore(%run_scoped3A : memref<!tpu.dma_semaphore, #tpu.memory_space<semaphore_mem>>) src(%dma_wait3A_277 : memref<500xi32, #tpu.memory_space<hbm>>) dst(%dma_wait3A_274 : memref<500xi32, #tpu.memory_space<vmem>>)
      tpu.yield
    }) : () -> ()
    %broadcast_in_dim3A_12 = arith.constant 0.000000e+00 : f32
    %broadcast_in_dim3A_13 = vector.broadcast %broadcast_in_dim3A_12 : f32 to vector<16xf32>
    %scan3A = arith.constant 0 : i32
    %scan3A_14 = arith.constant 32 : i32
    %scan3A_15 = arith.addi %scan3A, %scan3A_14 : i32
    %scan3A_16 = arith.constant 2 : i32
    %scan3A_17 = scf.for %scan3A_258 = %scan3A to %scan3A_15 step %scan3A_16 iter_args(%scan3A_259 = %broadcast_in_dim3A_13) -> (vector<16xf32>)  : i32 {
      %mul3A_260 = arith.constant 16 : i32
      %mul3A_261 = arith.muli %scan3A_258, %mul3A_260 : i32
      %get3A = arith.index_cast %mul3A_261 : i32 to index
      %get3A_262 = tpu.vector_load %arg7[%get3A] {strides = array<i32>} : memref<512xi32, #tpu.memory_space<vmem>>, vector<16xi32>,
      %mul3A_263 = arith.constant 16 : i32
      %mul3A_264 = arith.muli %scan3A_258, %mul3A_263 : i32
      %get3A_265 = arith.index_cast %mul3A_264 : i32 to index
      %get3A_266 = tpu.vector_load %arg8[%get3A_265] {strides = array<i32>} : memref<512xi32, #tpu.memory_space<vmem>>, vector<16xi32>,
      %convert_element_type3A = arith.sitofp %get3A_266 : vector<16xi32> to vector<16xf32>
      %mul3A_267 = arith.constant 16 : i32
      %mul3A_268 = arith.muli %scan3A_258, %mul3A_267 : i32
      %swap3A_269 = arith.index_cast %mul3A_268 : i32 to index
      %swap3A_270 = tpu.vector_load %arg10[%swap3A_269] {strides = array<i32>} : memref<4096xf32, #tpu.memory_space<vmem>>, vector<16xf32>,
      tpu.vector_store %arg10[%swap3A_269], %convert_element_type3A {strides = array<i32>} : memref<4096xf32, #tpu.memory_space<vmem>>, vector<16xf32>,
      %add3A_271 = arith.constant 0 : i32
      %add3A_272 = vector.broadcast %add3A_271 : i32 to vector<16xi32>
      %add3A_273 = arith.addi %get3A_262, %add3A_272 : vector<16xi32>
      %mul3A_274 = arith.constant 16 : i32
      %mul3A_275 = arith.muli %scan3A_258, %mul3A_274 : i32
      %add3A_276 = arith.constant 0 : i32
      %add3A_277 = arith.addi %add3A_276, %mul3A_275 : i32
      %swap3A_278 = arith.index_cast %add3A_277 : i32 to index
      %swap3A_279 = tpu.vector_load %arg9[%swap3A_278] {strides = array<i32>} : memref<4096xi32, #tpu.memory_space<vmem>>, vector<16xi32>,
      tpu.vector_store %arg9[%swap3A_278], %add3A_273 {strides = array<i32>} : memref<4096xi32, #tpu.memory_space<vmem>>, vector<16xi32>,
      %add3A_280 = arith.constant 16384 : i32
      %add3A_281 = vector.broadcast %add3A_280 : i32 to vector<16xi32>
      %add3A_282 = arith.addi %get3A_262, %add3A_281 : vector<16xi32>
      %mul3A_283 = arith.constant 16 : i32
      %mul3A_284 = arith.muli %scan3A_258, %mul3A_283 : i32
      %add3A_285 = arith.constant 512 : i32
      %add3A_286 = arith.addi %add3A_285, %mul3A_284 : i32
      %swap3A_287 = arith.index_cast %add3A_286 : i32 to index
      %swap3A_288 = tpu.vector_load %arg9[%swap3A_287] {strides = array<i32>} : memref<4096xi32, #tpu.memory_space<vmem>>, vector<16xi32>,
      tpu.vector_store %arg9[%swap3A_287], %add3A_282 {strides = array<i32>} : memref<4096xi32, #tpu.memory_space<vmem>>, vector<16xi32>,
      %mul3A_289 = arith.constant 16 : i32
      %mul3A_290 = arith.muli %scan3A_258, %mul3A_289 : i32
      %add3A_291 = arith.constant 512 : i32
      %add3A_292 = arith.addi %add3A_291, %mul3A_290 : i32
      %swap3A_293 = arith.index_cast %add3A_292 : i32 to index
      %swap3A_294 = tpu.vector_load %arg10[%swap3A_293] {strides = array<i32>} : memref<4096xf32, #tpu.memory_space<vmem>>, vector<16xf32>,
      tpu.vector_store %arg10[%swap3A_293], %convert_element_type3A {strides = array<i32>} : memref<4096xf32, #tpu.memory_space<vmem>>, vector<16xf32>,
      %add3A_295 = arith.constant 32768 : i32
      %add3A_296 = vector.broadcast %add3A_295 : i32 to vector<16xi32>
      %add3A_297 = arith.addi %get3A_262, %add3A_296 : vector<16xi32>
      %mul3A_298 = arith.constant 16 : i32
      %mul3A_299 = arith.muli %scan3A_258, %mul3A_298 : i32
      %add3A_300 = arith.constant 1024 : i32
      %add3A_301 = arith.addi %add3A_300, %mul3A_299 : i32
      %swap3A_302 = arith.index_cast %add3A_301 : i32 to index
      %swap3A_303 = tpu.vector_load %arg9[%swap3A_302] {strides = array<i32>} : memref<4096xi32, #tpu.memory_space<vmem>>, vector<16xi32>,
      tpu.vector_store %arg9[%swap3A_302], %add3A_297 {strides = array<i32>} : memref<4096xi32, #tpu.memory_space<vmem>>, vector<16xi32>,
      %mul3A_304 = arith.constant 16 : i32
      %mul3A_305 = arith.muli %scan3A_258, %mul3A_304 : i32
      %add3A_306 = arith.constant 1024 : i32
      %add3A_307 = arith.addi %add3A_306, %mul3A_305 : i32
      %swap3A_308 = arith.index_cast %add3A_307 : i32 to index
      %swap3A_309 = tpu.vector_load %arg10[%swap3A_308] {strides = array<i32>} : memref<4096xf32, #tpu.memory_space<vmem>>, vector<16xf32>,
      tpu.vector_store %arg10[%swap3A_308], %convert_element_type3A {strides = array<i32>} : memref<4096xf32, #tpu.memory_space<vmem>>, vector<16xf32>,
      %add3A_310 = arith.constant 49152 : i32
      %add3A_311 = vector.broadcast %add3A_310 : i32 to vector<16xi32>
      %add3A_312 = arith.addi %get3A_262, %add3A_311 : vector<16xi32>
      %mul3A_313 = arith.constant 16 : i32
      %mul3A_314 = arith.muli %scan3A_258, %mul3A_313 : i32
      %add3A_315 = arith.constant 1536 : i32
      %add3A_316 = arith.addi %add3A_315, %mul3A_314 : i32
      %swap3A_317 = arith.index_cast %add3A_316 : i32 to index
      %swap3A_318 = tpu.vector_load %arg9[%swap3A_317] {strides = array<i32>} : memref<4096xi32, #tpu.memory_space<vmem>>, vector<16xi32>,
      tpu.vector_store %arg9[%swap3A_317], %add3A_312 {strides = array<i32>} : memref<4096xi32, #tpu.memory_space<vmem>>, vector<16xi32>,
      %mul3A_319 = arith.constant 16 : i32
      %mul3A_320 = arith.muli %scan3A_258, %mul3A_319 : i32
      %add3A_321 = arith.constant 1536 : i32
      %add3A_322 = arith.addi %add3A_321, %mul3A_320 : i32
      %swap3A_323 = arith.index_cast %add3A_322 : i32 to index
      %swap3A_324 = tpu.vector_load %arg10[%swap3A_323] {strides = array<i32>} : memref<4096xf32, #tpu.memory_space<vmem>>, vector<16xf32>,
      tpu.vector_store %arg10[%swap3A_323], %convert_element_type3A {strides = array<i32>} : memref<4096xf32, #tpu.memory_space<vmem>>, vector<16xf32>,
      %add3A_325 = arith.constant 65536 : i32
      %add3A_326 = vector.broadcast %add3A_325 : i32 to vector<16xi32>
      %add3A_327 = arith.addi %get3A_262, %add3A_326 : vector<16xi32>
      %mul3A_328 = arith.constant 16 : i32
      %mul3A_329 = arith.muli %scan3A_258, %mul3A_328 : i32
      %add3A_330 = arith.constant 2048 : i32
      %add3A_331 = arith.addi %add3A_330, %mul3A_329 : i32
      %swap3A_332 = arith.index_cast %add3A_331 : i32 to index
      %swap3A_333 = tpu.vector_load %arg9[%swap3A_332] {strides = array<i32>} : memref<4096xi32, #tpu.memory_space<vmem>>, vector<16xi32>,
      tpu.vector_store %arg9[%swap3A_332], %add3A_327 {strides = array<i32>} : memref<4096xi32, #tpu.memory_space<vmem>>, vector<16xi32>,
      %mul3A_334 = arith.constant 16 : i32
      %mul3A_335 = arith.muli %scan3A_258, %mul3A_334 : i32
      %add3A_336 = arith.constant 2048 : i32
      %add3A_337 = arith.addi %add3A_336, %mul3A_335 : i32
      %swap3A_338 = arith.index_cast %add3A_337 : i32 to index
      %swap3A_339 = tpu.vector_load %arg10[%swap3A_338] {strides = array<i32>} : memref<4096xf32, #tpu.memory_space<vmem>>, vector<16xf32>,
      tpu.vector_store %arg10[%swap3A_338], %convert_element_type3A {strides = array<i32>} : memref<4096xf32, #tpu.memory_space<vmem>>, vector<16xf32>,
      %add3A_340 = arith.constant 81920 : i32
      %add3A_341 = vector.broadcast %add3A_340 : i32 to vector<16xi32>
      %add3A_342 = arith.addi %get3A_262, %add3A_341 : vector<16xi32>
      %mul3A_343 = arith.constant 16 : i32
      %mul3A_344 = arith.muli %scan3A_258, %mul3A_343 : i32
      %add3A_345 = arith.constant 2560 : i32
      %add3A_346 = arith.addi %add3A_345, %mul3A_344 : i32
      %swap3A_347 = arith.index_cast %add3A_346 : i32 to index
      %swap3A_348 = tpu.vector_load %arg9[%swap3A_347] {strides = array<i32>} : memref<4096xi32, #tpu.memory_space<vmem>>, vector<16xi32>,
      tpu.vector_store %arg9[%swap3A_347], %add3A_342 {strides = array<i32>} : memref<4096xi32, #tpu.memory_space<vmem>>, vector<16xi32>,
      %mul3A_349 = arith.constant 16 : i32
      %mul3A_350 = arith.muli %scan3A_258, %mul3A_349 : i32
      %add3A_351 = arith.constant 2560 : i32
      %add3A_352 = arith.addi %add3A_351, %mul3A_350 : i32
      %swap3A_353 = arith.index_cast %add3A_352 : i32 to index
      %swap3A_354 = tpu.vector_load %arg10[%swap3A_353] {strides = array<i32>} : memref<4096xf32, #tpu.memory_space<vmem>>, vector<16xf32>,
      tpu.vector_store %arg10[%swap3A_353], %convert_element_type3A {strides = array<i32>} : memref<4096xf32, #tpu.memory_space<vmem>>, vector<16xf32>,
      %add3A_355 = arith.constant 98304 : i32
      %add3A_356 = vector.broadcast %add3A_355 : i32 to vector<16xi32>
      %add3A_357 = arith.addi %get3A_262, %add3A_356 : vector<16xi32>
      %mul3A_358 = arith.constant 16 : i32
      %mul3A_359 = arith.muli %scan3A_258, %mul3A_358 : i32
      %add3A_360 = arith.constant 3072 : i32
      %add3A_361 = arith.addi %add3A_360, %mul3A_359 : i32
      %swap3A_362 = arith.index_cast %add3A_361 : i32 to index
      %swap3A_363 = tpu.vector_load %arg9[%swap3A_362] {strides = array<i32>} : memref<4096xi32, #tpu.memory_space<vmem>>, vector<16xi32>,
      tpu.vector_store %arg9[%swap3A_362], %add3A_357 {strides = array<i32>} : memref<4096xi32, #tpu.memory_space<vmem>>, vector<16xi32>,
      %mul3A_364 = arith.constant 16 : i32
      %mul3A_365 = arith.muli %scan3A_258, %mul3A_364 : i32
      %add3A_366 = arith.constant 3072 : i32
      %add3A_367 = arith.addi %add3A_366, %mul3A_365 : i32
      %swap3A_368 = arith.index_cast %add3A_367 : i32 to index
      %swap3A_369 = tpu.vector_load %arg10[%swap3A_368] {strides = array<i32>} : memref<4096xf32, #tpu.memory_space<vmem>>, vector<16xf32>,
      tpu.vector_store %arg10[%swap3A_368], %convert_element_type3A {strides = array<i32>} : memref<4096xf32, #tpu.memory_space<vmem>>, vector<16xf32>,
      %add3A_370 = arith.constant 114688 : i32
      %add3A_371 = vector.broadcast %add3A_370 : i32 to vector<16xi32>
      %add3A_372 = arith.addi %get3A_262, %add3A_371 : vector<16xi32>
      %mul3A_373 = arith.constant 16 : i32
      %mul3A_374 = arith.muli %scan3A_258, %mul3A_373 : i32
      %add3A_375 = arith.constant 3584 : i32
      %add3A_376 = arith.addi %add3A_375, %mul3A_374 : i32
      %swap3A_377 = arith.index_cast %add3A_376 : i32 to index
      %swap3A_378 = tpu.vector_load %arg9[%swap3A_377] {strides = array<i32>} : memref<4096xi32, #tpu.memory_space<vmem>>, vector<16xi32>,
      tpu.vector_store %arg9[%swap3A_377], %add3A_372 {strides = array<i32>} : memref<4096xi32, #tpu.memory_space<vmem>>, vector<16xi32>,
      %mul3A_379 = arith.constant 16 : i32
      %mul3A_380 = arith.muli %scan3A_258, %mul3A_379 : i32
      %add3A_381 = arith.constant 3584 : i32
      %add3A_382 = arith.addi %add3A_381, %mul3A_380 : i32
      %swap3A_383 = arith.index_cast %add3A_382 : i32 to index
      %swap3A_384 = tpu.vector_load %arg10[%swap3A_383] {strides = array<i32>} : memref<4096xf32, #tpu.memory_space<vmem>>, vector<16xf32>,
      tpu.vector_store %arg10[%swap3A_383], %convert_element_type3A {strides = array<i32>} : memref<4096xf32, #tpu.memory_space<vmem>>, vector<16xf32>,
      %add3A_385 = arith.addf %scan3A_259, %convert_element_type3A : vector<16xf32>
      %scan3A_386 = arith.constant 1 : i32
      %scan3A_387 = arith.addi %scan3A_258, %scan3A_386 : i32
      %mul3A_388 = arith.constant 16 : i32
      %mul3A_389 = arith.muli %scan3A_387, %mul3A_388 : i32
      %get3A_390 = arith.index_cast %mul3A_389 : i32 to index
      %get3A_391 = tpu.vector_load %arg7[%get3A_390] {strides = array<i32>} : memref<512xi32, #tpu.memory_space<vmem>>, vector<16xi32>,
      %mul3A_392 = arith.constant 16 : i32
      %mul3A_393 = arith.muli %scan3A_387, %mul3A_392 : i32
      %get3A_394 = arith.index_cast %mul3A_393 : i32 to index
      %get3A_395 = tpu.vector_load %arg8[%get3A_394] {strides = array<i32>} : memref<512xi32, #tpu.memory_space<vmem>>, vector<16xi32>,
      %convert_element_type3A_396 = arith.sitofp %get3A_395 : vector<16xi32> to vector<16xf32>
      %mul3A_397 = arith.constant 16 : i32
      %mul3A_398 = arith.muli %scan3A_387, %mul3A_397 : i32
      %swap3A_399 = arith.index_cast %mul3A_398 : i32 to index
      %swap3A_400 = tpu.vector_load %arg10[%swap3A_399] {strides = array<i32>} : memref<4096xf32, #tpu.memory_space<vmem>>, vector<16xf32>,
      tpu.vector_store %arg10[%swap3A_399], %convert_element_type3A_396 {strides = array<i32>} : memref<4096xf32, #tpu.memory_space<vmem>>, vector<16xf32>,
      %add3A_401 = arith.constant 0 : i32
      %add3A_402 = vector.broadcast %add3A_401 : i32 to vector<16xi32>
      %add3A_403 = arith.addi %get3A_391, %add3A_402 : vector<16xi32>
      %mul3A_404 = arith.constant 16 : i32
      %mul3A_405 = arith.muli %scan3A_387, %mul3A_404 : i32
      %add3A_406 = arith.constant 0 : i32
      %add3A_407 = arith.addi %add3A_406, %mul3A_405 : i32
      %swap3A_408 = arith.index_cast %add3A_407 : i32 to index
      %swap3A_409 = tpu.vector_load %arg9[%swap3A_408] {strides = array<i32>} : memref<4096xi32, #tpu.memory_space<vmem>>, vector<16xi32>,
      tpu.vector_store %arg9[%swap3A_408], %add3A_403 {strides = array<i32>} : memref<4096xi32, #tpu.memory_space<vmem>>, vector<16xi32>,
      %add3A_410 = arith.constant 16384 : i32
      %add3A_411 = vector.broadcast %add3A_410 : i32 to vector<16xi32>
      %add3A_412 = arith.addi %get3A_391, %add3A_411 : vector<16xi32>
      %mul3A_413 = arith.constant 16 : i32
      %mul3A_414 = arith.muli %scan3A_387, %mul3A_413 : i32
      %add3A_415 = arith.constant 512 : i32
      %add3A_416 = arith.addi %add3A_415, %mul3A_414 : i32
      %swap3A_417 = arith.index_cast %add3A_416 : i32 to index
      %swap3A_418 = tpu.vector_load %arg9[%swap3A_417] {strides = array<i32>} : memref<4096xi32, #tpu.memory_space<vmem>>, vector<16xi32>,
      tpu.vector_store %arg9[%swap3A_417], %add3A_412 {strides = array<i32>} : memref<4096xi32, #tpu.memory_space<vmem>>, vector<16xi32>,
      %mul3A_419 = arith.constant 16 : i32
      %mul3A_420 = arith.muli %scan3A_387, %mul3A_419 : i32
      %add3A_421 = arith.constant 512 : i32
      %add3A_422 = arith.addi %add3A_421, %mul3A_420 : i32
      %swap3A_423 = arith.index_cast %add3A_422 : i32 to index
      %swap3A_424 = tpu.vector_load %arg10[%swap3A_423] {strides = array<i32>} : memref<4096xf32, #tpu.memory_space<vmem>>, vector<16xf32>,
      tpu.vector_store %arg10[%swap3A_423], %convert_element_type3A_396 {strides = array<i32>} : memref<4096xf32, #tpu.memory_space<vmem>>, vector<16xf32>,
      %add3A_425 = arith.constant 32768 : i32
      %add3A_426 = vector.broadcast %add3A_425 : i32 to vector<16xi32>
      %add3A_427 = arith.addi %get3A_391, %add3A_426 : vector<16xi32>
      %mul3A_428 = arith.constant 16 : i32
      %mul3A_429 = arith.muli %scan3A_387, %mul3A_428 : i32
      %add3A_430 = arith.constant 1024 : i32
      %add3A_431 = arith.addi %add3A_430, %mul3A_429 : i32
      %swap3A_432 = arith.index_cast %add3A_431 : i32 to index
      %swap3A_433 = tpu.vector_load %arg9[%swap3A_432] {strides = array<i32>} : memref<4096xi32, #tpu.memory_space<vmem>>, vector<16xi32>,
      tpu.vector_store %arg9[%swap3A_432], %add3A_427 {strides = array<i32>} : memref<4096xi32, #tpu.memory_space<vmem>>, vector<16xi32>,
      %mul3A_434 = arith.constant 16 : i32
      %mul3A_435 = arith.muli %scan3A_387, %mul3A_434 : i32
      %add3A_436 = arith.constant 1024 : i32
      %add3A_437 = arith.addi %add3A_436, %mul3A_435 : i32
      %swap3A_438 = arith.index_cast %add3A_437 : i32 to index
      %swap3A_439 = tpu.vector_load %arg10[%swap3A_438] {strides = array<i32>} : memref<4096xf32, #tpu.memory_space<vmem>>, vector<16xf32>,
      tpu.vector_store %arg10[%swap3A_438], %convert_element_type3A_396 {strides = array<i32>} : memref<4096xf32, #tpu.memory_space<vmem>>, vector<16xf32>,
      %add3A_440 = arith.constant 49152 : i32
      %add3A_441 = vector.broadcast %add3A_440 : i32 to vector<16xi32>
      %add3A_442 = arith.addi %get3A_391, %add3A_441 : vector<16xi32>
      %mul3A_443 = arith.constant 16 : i32
      %mul3A_444 = arith.muli %scan3A_387, %mul3A_443 : i32
      %add3A_445 = arith.constant 1536 : i32
      %add3A_446 = arith.addi %add3A_445, %mul3A_444 : i32
      %swap3A_447 = arith.index_cast %add3A_446 : i32 to index
      %swap3A_448 = tpu.vector_load %arg9[%swap3A_447] {strides = array<i32>} : memref<4096xi32, #tpu.memory_space<vmem>>, vector<16xi32>,
      tpu.vector_store %arg9[%swap3A_447], %add3A_442 {strides = array<i32>} : memref<4096xi32, #tpu.memory_space<vmem>>, vector<16xi32>,
      %mul3A_449 = arith.constant 16 : i32
      %mul3A_450 = arith.muli %scan3A_387, %mul3A_449 : i32
      %add3A_451 = arith.constant 1536 : i32
      %add3A_452 = arith.addi %add3A_451, %mul3A_450 : i32
      %swap3A_453 = arith.index_cast %add3A_452 : i32 to index
      %swap3A_454 = tpu.vector_load %arg10[%swap3A_453] {strides = array<i32>} : memref<4096xf32, #tpu.memory_space<vmem>>, vector<16xf32>,
      tpu.vector_store %arg10[%swap3A_453], %convert_element_type3A_396 {strides = array<i32>} : memref<4096xf32, #tpu.memory_space<vmem>>, vector<16xf32>,
      %add3A_455 = arith.constant 65536 : i32
      %add3A_456 = vector.broadcast %add3A_455 : i32 to vector<16xi32>
      %add3A_457 = arith.addi %get3A_391, %add3A_456 : vector<16xi32>
      %mul3A_458 = arith.constant 16 : i32
      %mul3A_459 = arith.muli %scan3A_387, %mul3A_458 : i32
      %add3A_460 = arith.constant 2048 : i32
      %add3A_461 = arith.addi %add3A_460, %mul3A_459 : i32
      %swap3A_462 = arith.index_cast %add3A_461 : i32 to index
      %swap3A_463 = tpu.vector_load %arg9[%swap3A_462] {strides = array<i32>} : memref<4096xi32, #tpu.memory_space<vmem>>, vector<16xi32>,
      tpu.vector_store %arg9[%swap3A_462], %add3A_457 {strides = array<i32>} : memref<4096xi32, #tpu.memory_space<vmem>>, vector<16xi32>,
      %mul3A_464 = arith.constant 16 : i32
      %mul3A_465 = arith.muli %scan3A_387, %mul3A_464 : i32
      %add3A_466 = arith.constant 2048 : i32
      %add3A_467 = arith.addi %add3A_466, %mul3A_465 : i32
      %swap3A_468 = arith.index_cast %add3A_467 : i32 to index
      %swap3A_469 = tpu.vector_load %arg10[%swap3A_468] {strides = array<i32>} : memref<4096xf32, #tpu.memory_space<vmem>>, vector<16xf32>,
      tpu.vector_store %arg10[%swap3A_468], %convert_element_type3A_396 {strides = array<i32>} : memref<4096xf32, #tpu.memory_space<vmem>>, vector<16xf32>,
      %add3A_470 = arith.constant 81920 : i32
      %add3A_471 = vector.broadcast %add3A_470 : i32 to vector<16xi32>
      %add3A_472 = arith.addi %get3A_391, %add3A_471 : vector<16xi32>
      %mul3A_473 = arith.constant 16 : i32
      %mul3A_474 = arith.muli %scan3A_387, %mul3A_473 : i32
      %add3A_475 = arith.constant 2560 : i32
      %add3A_476 = arith.addi %add3A_475, %mul3A_474 : i32
      %swap3A_477 = arith.index_cast %add3A_476 : i32 to index
      %swap3A_478 = tpu.vector_load %arg9[%swap3A_477] {strides = array<i32>} : memref<4096xi32, #tpu.memory_space<vmem>>, vector<16xi32>,
      tpu.vector_store %arg9[%swap3A_477], %add3A_472 {strides = array<i32>} : memref<4096xi32, #tpu.memory_space<vmem>>, vector<16xi32>,
      %mul3A_479 = arith.constant 16 : i32
      %mul3A_480 = arith.muli %scan3A_387, %mul3A_479 : i32
      %add3A_481 = arith.constant 2560 : i32
      %add3A_482 = arith.addi %add3A_481, %mul3A_480 : i32
      %swap3A_483 = arith.index_cast %add3A_482 : i32 to index
      %swap3A_484 = tpu.vector_load %arg10[%swap3A_483] {strides = array<i32>} : memref<4096xf32, #tpu.memory_space<vmem>>, vector<16xf32>,
      tpu.vector_store %arg10[%swap3A_483], %convert_element_type3A_396 {strides = array<i32>} : memref<4096xf32, #tpu.memory_space<vmem>>, vector<16xf32>,
      %add3A_485 = arith.constant 98304 : i32
      %add3A_486 = vector.broadcast %add3A_485 : i32 to vector<16xi32>
      %add3A_487 = arith.addi %get3A_391, %add3A_486 : vector<16xi32>
      %mul3A_488 = arith.constant 16 : i32
      %mul3A_489 = arith.muli %scan3A_387, %mul3A_488 : i32
      %add3A_490 = arith.constant 3072 : i32
      %add3A_491 = arith.addi %add3A_490, %mul3A_489 : i32
      %swap3A_492 = arith.index_cast %add3A_491 : i32 to index
      %swap3A_493 = tpu.vector_load %arg9[%swap3A_492] {strides = array<i32>} : memref<4096xi32, #tpu.memory_space<vmem>>, vector<16xi32>,
      tpu.vector_store %arg9[%swap3A_492], %add3A_487 {strides = array<i32>} : memref<4096xi32, #tpu.memory_space<vmem>>, vector<16xi32>,
      %mul3A_494 = arith.constant 16 : i32
      %mul3A_495 = arith.muli %scan3A_387, %mul3A_494 : i32
      %add3A_496 = arith.constant 3072 : i32
      %add3A_497 = arith.addi %add3A_496, %mul3A_495 : i32
      %swap3A_498 = arith.index_cast %add3A_497 : i32 to index
      %swap3A_499 = tpu.vector_load %arg10[%swap3A_498] {strides = array<i32>} : memref<4096xf32, #tpu.memory_space<vmem>>, vector<16xf32>,
      tpu.vector_store %arg10[%swap3A_498], %convert_element_type3A_396 {strides = array<i32>} : memref<4096xf32, #tpu.memory_space<vmem>>, vector<16xf32>,
      %add3A_500 = arith.constant 114688 : i32
      %add3A_501 = vector.broadcast %add3A_500 : i32 to vector<16xi32>
      %add3A_502 = arith.addi %get3A_391, %add3A_501 : vector<16xi32>
      %mul3A_503 = arith.constant 16 : i32
      %mul3A_504 = arith.muli %scan3A_387, %mul3A_503 : i32
      %add3A_505 = arith.constant 3584 : i32
      %add3A_506 = arith.addi %add3A_505, %mul3A_504 : i32
      %swap3A_507 = arith.index_cast %add3A_506 : i32 to index
      %swap3A_508 = tpu.vector_load %arg9[%swap3A_507] {strides = array<i32>} : memref<4096xi32, #tpu.memory_space<vmem>>, vector<16xi32>,
      tpu.vector_store %arg9[%swap3A_507], %add3A_502 {strides = array<i32>} : memref<4096xi32, #tpu.memory_space<vmem>>, vector<16xi32>,
      %mul3A_509 = arith.constant 16 : i32
      %mul3A_510 = arith.muli %scan3A_387, %mul3A_509 : i32
      %add3A_511 = arith.constant 3584 : i32
      %add3A_512 = arith.addi %add3A_511, %mul3A_510 : i32
      %swap3A_513 = arith.index_cast %add3A_512 : i32 to index
      %swap3A_514 = tpu.vector_load %arg10[%swap3A_513] {strides = array<i32>} : memref<4096xf32, #tpu.memory_space<vmem>>, vector<16xf32>,
      tpu.vector_store %arg10[%swap3A_513], %convert_element_type3A_396 {strides = array<i32>} : memref<4096xf32, #tpu.memory_space<vmem>>, vector<16xf32>,
      %add3A_515 = arith.addf %add3A_385, %convert_element_type3A_396 : vector<16xf32>
      scf.yield %add3A_515 : vector<16xf32>
    }
    %scan3A_18 = arith.constant 32 : i32
    %add3A_19 = arith.constant 0 : i32
    %add3A_20 = arith.addi %mul3A_2, %add3A_19 : i32
    %mul3A_21 = arith.constant 16384 : i32
    %mul3A_22 = arith.muli %add3A_20, %mul3A_21 : i32
    %dma_start3A_23 = arith.constant 0 : i32
    %dma_start3A_24 = arith.constant 0 : i32
    %dma_start3A_25 = tpu.memref_slice %arg12[%dma_start3A_23, %dma_start3A_24] : memref<8x4096xf32, #tpu.memory_space<vmem>> -> memref<1x4096xf32, #tpu.memory_space<vmem>>
    %dma_start3A_26 = tpu.memref_squeeze %dma_start3A_25 : memref<1x4096xf32, #tpu.memory_space<vmem>> -> memref<4096xf32, #tpu.memory_space<vmem>>
    %dma_start3A_27 = tpu.memref_slice %arg2[%mul3A_22] : memref<33554432xf32, #tpu.memory_space<hbm>> -> memref<131072xf32, #tpu.memory_space<hbm>>
    %dma_start3A_28 = arith.constant 0 : i32
    %dma_start3A_29 = tpu.memref_slice %dma_start3A_27[%dma_start3A_28] : memref<131072xf32, #tpu.memory_space<hbm>> -> memref<131072xf32, #tpu.memory_space<hbm>>
    tpu.enqueue_indirect_dma source(%dma_start3A_29 : memref<131072xf32, #tpu.memory_space<hbm>>) target(%dma_start3A_26 : memref<4096xf32, #tpu.memory_space<vmem>>) offsets(%arg9 : memref<4096xi32, #tpu.memory_space<vmem>>) semaphore(%arg14 : memref<!tpu.dma_semaphore, #tpu.memory_space<semaphore_mem>>)
    %add3A_30 = arith.constant 8 : i32
    %add3A_31 = arith.addi %mul3A_2, %add3A_30 : i32
    %mul3A_32 = arith.constant 16384 : i32
    %mul3A_33 = arith.muli %add3A_31, %mul3A_32 : i32
    %dma_start3A_34 = arith.constant 1 : i32
    %dma_start3A_35 = arith.constant 0 : i32
    %dma_start3A_36 = tpu.memref_slice %arg12[%dma_start3A_34, %dma_start3A_35] : memref<8x4096xf32, #tpu.memory_space<vmem>> -> memref<1x4096xf32, #tpu.memory_space<vmem>>
    %dma_start3A_37 = tpu.memref_squeeze %dma_start3A_36 : memref<1x4096xf32, #tpu.memory_space<vmem>> -> memref<4096xf32, #tpu.memory_space<vmem>>
    %dma_start3A_38 = tpu.memref_slice %arg2[%mul3A_33] : memref<33554432xf32, #tpu.memory_space<hbm>> -> memref<131072xf32, #tpu.memory_space<hbm>>
    %dma_start3A_39 = arith.constant 0 : i32
    %dma_start3A_40 = tpu.memref_slice %dma_start3A_38[%dma_start3A_39] : memref<131072xf32, #tpu.memory_space<hbm>> -> memref<131072xf32, #tpu.memory_space<hbm>>
    tpu.enqueue_indirect_dma source(%dma_start3A_40 : memref<131072xf32, #tpu.memory_space<hbm>>) target(%dma_start3A_37 : memref<4096xf32, #tpu.memory_space<vmem>>) offsets(%arg9 : memref<4096xi32, #tpu.memory_space<vmem>>) semaphore(%arg15 : memref<!tpu.dma_semaphore, #tpu.memory_space<semaphore_mem>>)
    %add3A_41 = arith.constant 16 : i32
    %add3A_42 = arith.addi %mul3A_2, %add3A_41 : i32
    %mul3A_43 = arith.constant 16384 : i32
    %mul3A_44 = arith.muli %add3A_42, %mul3A_43 : i32
    %dma_start3A_45 = arith.constant 2 : i32
    %dma_start3A_46 = arith.constant 0 : i32
    %dma_start3A_47 = tpu.memref_slice %arg12[%dma_start3A_45, %dma_start3A_46] : memref<8x4096xf32, #tpu.memory_space<vmem>> -> memref<1x4096xf32, #tpu.memory_space<vmem>>
    %dma_start3A_48 = tpu.memref_squeeze %dma_start3A_47 : memref<1x4096xf32, #tpu.memory_space<vmem>> -> memref<4096xf32, #tpu.memory_space<vmem>>
    %dma_start3A_49 = tpu.memref_slice %arg2[%mul3A_44] : memref<33554432xf32, #tpu.memory_space<hbm>> -> memref<131072xf32, #tpu.memory_space<hbm>>
    %dma_start3A_50 = arith.constant 0 : i32
    %dma_start3A_51 = tpu.memref_slice %dma_start3A_49[%dma_start3A_50] : memref<131072xf32, #tpu.memory_space<hbm>> -> memref<131072xf32, #tpu.memory_space<hbm>>
    tpu.enqueue_indirect_dma source(%dma_start3A_51 : memref<131072xf32, #tpu.memory_space<hbm>>) target(%dma_start3A_48 : memref<4096xf32, #tpu.memory_space<vmem>>) offsets(%arg9 : memref<4096xi32, #tpu.memory_space<vmem>>) semaphore(%arg16 : memref<!tpu.dma_semaphore, #tpu.memory_space<semaphore_mem>>)
    %add3A_52 = arith.constant 24 : i32
    %add3A_53 = arith.addi %mul3A_2, %add3A_52 : i32
    %mul3A_54 = arith.constant 16384 : i32
    %mul3A_55 = arith.muli %add3A_53, %mul3A_54 : i32
    %dma_start3A_56 = arith.constant 3 : i32
    %dma_start3A_57 = arith.constant 0 : i32
    %dma_start3A_58 = tpu.memref_slice %arg12[%dma_start3A_56, %dma_start3A_57] : memref<8x4096xf32, #tpu.memory_space<vmem>> -> memref<1x4096xf32, #tpu.memory_space<vmem>>
    %dma_start3A_59 = tpu.memref_squeeze %dma_start3A_58 : memref<1x4096xf32, #tpu.memory_space<vmem>> -> memref<4096xf32, #tpu.memory_space<vmem>>
    %dma_start3A_60 = tpu.memref_slice %arg2[%mul3A_55] : memref<33554432xf32, #tpu.memory_space<hbm>> -> memref<131072xf32, #tpu.memory_space<hbm>>
    %dma_start3A_61 = arith.constant 0 : i32
    %dma_start3A_62 = tpu.memref_slice %dma_start3A_60[%dma_start3A_61] : memref<131072xf32, #tpu.memory_space<hbm>> -> memref<131072xf32, #tpu.memory_space<hbm>>
    tpu.enqueue_indirect_dma source(%dma_start3A_62 : memref<131072xf32, #tpu.memory_space<hbm>>) target(%dma_start3A_59 : memref<4096xf32, #tpu.memory_space<vmem>>) offsets(%arg9 : memref<4096xi32, #tpu.memory_space<vmem>>) semaphore(%arg17 : memref<!tpu.dma_semaphore, #tpu.memory_space<semaphore_mem>>)
    %add3A_63 = arith.constant 32 : i32
    %add3A_64 = arith.addi %mul3A_2, %add3A_63 : i32
    %mul3A_65 = arith.constant 16384 : i32
    %mul3A_66 = arith.muli %add3A_64, %mul3A_65 : i32
    %dma_start3A_67 = arith.constant 4 : i32
    %dma_start3A_68 = arith.constant 0 : i32
    %dma_start3A_69 = tpu.memref_slice %arg12[%dma_start3A_67, %dma_start3A_68] : memref<8x4096xf32, #tpu.memory_space<vmem>> -> memref<1x4096xf32, #tpu.memory_space<vmem>>
    %dma_start3A_70 = tpu.memref_squeeze %dma_start3A_69 : memref<1x4096xf32, #tpu.memory_space<vmem>> -> memref<4096xf32, #tpu.memory_space<vmem>>
    %dma_start3A_71 = tpu.memref_slice %arg2[%mul3A_66] : memref<33554432xf32, #tpu.memory_space<hbm>> -> memref<131072xf32, #tpu.memory_space<hbm>>
    %dma_start3A_72 = arith.constant 0 : i32
    %dma_start3A_73 = tpu.memref_slice %dma_start3A_71[%dma_start3A_72] : memref<131072xf32, #tpu.memory_space<hbm>> -> memref<131072xf32, #tpu.memory_space<hbm>>
    tpu.enqueue_indirect_dma source(%dma_start3A_73 : memref<131072xf32, #tpu.memory_space<hbm>>) target(%dma_start3A_70 : memref<4096xf32, #tpu.memory_space<vmem>>) offsets(%arg9 : memref<4096xi32, #tpu.memory_space<vmem>>) semaphore(%arg18 : memref<!tpu.dma_semaphore, #tpu.memory_space<semaphore_mem>>)
    %add3A_74 = arith.constant 40 : i32
    %add3A_75 = arith.addi %mul3A_2, %add3A_74 : i32
    %mul3A_76 = arith.constant 16384 : i32
    %mul3A_77 = arith.muli %add3A_75, %mul3A_76 : i32
    %dma_start3A_78 = arith.constant 5 : i32
    %dma_start3A_79 = arith.constant 0 : i32
    %dma_start3A_80 = tpu.memref_slice %arg12[%dma_start3A_78, %dma_start3A_79] : memref<8x4096xf32, #tpu.memory_space<vmem>> -> memref<1x4096xf32, #tpu.memory_space<vmem>>
    %dma_start3A_81 = tpu.memref_squeeze %dma_start3A_80 : memref<1x4096xf32, #tpu.memory_space<vmem>> -> memref<4096xf32, #tpu.memory_space<vmem>>
    %dma_start3A_82 = tpu.memref_slice %arg2[%mul3A_77] : memref<33554432xf32, #tpu.memory_space<hbm>> -> memref<131072xf32, #tpu.memory_space<hbm>>
    %dma_start3A_83 = arith.constant 0 : i32
    %dma_start3A_84 = tpu.memref_slice %dma_start3A_82[%dma_start3A_83] : memref<131072xf32, #tpu.memory_space<hbm>> -> memref<131072xf32, #tpu.memory_space<hbm>>
    tpu.enqueue_indirect_dma source(%dma_start3A_84 : memref<131072xf32, #tpu.memory_space<hbm>>) target(%dma_start3A_81 : memref<4096xf32, #tpu.memory_space<vmem>>) offsets(%arg9 : memref<4096xi32, #tpu.memory_space<vmem>>) semaphore(%arg19 : memref<!tpu.dma_semaphore, #tpu.memory_space<semaphore_mem>>)
    %add3A_85 = arith.constant 48 : i32
    %add3A_86 = arith.addi %mul3A_2, %add3A_85 : i32
    %mul3A_87 = arith.constant 16384 : i32
    %mul3A_88 = arith.muli %add3A_86, %mul3A_87 : i32
    %dma_start3A_89 = arith.constant 6 : i32
    %dma_start3A_90 = arith.constant 0 : i32
    %dma_start3A_91 = tpu.memref_slice %arg12[%dma_start3A_89, %dma_start3A_90] : memref<8x4096xf32, #tpu.memory_space<vmem>> -> memref<1x4096xf32, #tpu.memory_space<vmem>>
    %dma_start3A_92 = tpu.memref_squeeze %dma_start3A_91 : memref<1x4096xf32, #tpu.memory_space<vmem>> -> memref<4096xf32, #tpu.memory_space<vmem>>
    %dma_start3A_93 = tpu.memref_slice %arg2[%mul3A_88] : memref<33554432xf32, #tpu.memory_space<hbm>> -> memref<131072xf32, #tpu.memory_space<hbm>>
    %dma_start3A_94 = arith.constant 0 : i32
    %dma_start3A_95 = tpu.memref_slice %dma_start3A_93[%dma_start3A_94] : memref<131072xf32, #tpu.memory_space<hbm>> -> memref<131072xf32, #tpu.memory_space<hbm>>
    tpu.enqueue_indirect_dma source(%dma_start3A_95 : memref<131072xf32, #tpu.memory_space<hbm>>) target(%dma_start3A_92 : memref<4096xf32, #tpu.memory_space<vmem>>) offsets(%arg9 : memref<4096xi32, #tpu.memory_space<vmem>>) semaphore(%arg20 : memref<!tpu.dma_semaphore, #tpu.memory_space<semaphore_mem>>)
    %add3A_96 = arith.constant 56 : i32
    %add3A_97 = arith.addi %mul3A_2, %add3A_96 : i32
    %mul3A_98 = arith.constant 16384 : i32
    %mul3A_99 = arith.muli %add3A_97, %mul3A_98 : i32
    %dma_start3A_100 = arith.constant 7 : i32
    %dma_start3A_101 = arith.constant 0 : i32
    %dma_start3A_102 = tpu.memref_slice %arg12[%dma_start3A_100, %dma_start3A_101] : memref<8x4096xf32, #tpu.memory_space<vmem>> -> memref<1x4096xf32, #tpu.memory_space<vmem>>
    %dma_start3A_103 = tpu.memref_squeeze %dma_start3A_102 : memref<1x4096xf32, #tpu.memory_space<vmem>> -> memref<4096xf32, #tpu.memory_space<vmem>>
    %dma_start3A_104 = tpu.memref_slice %arg2[%mul3A_99] : memref<33554432xf32, #tpu.memory_space<hbm>> -> memref<131072xf32, #tpu.memory_space<hbm>>
    %dma_start3A_105 = arith.constant 0 : i32
    %dma_start3A_106 = tpu.memref_slice %dma_start3A_104[%dma_start3A_105] : memref<131072xf32, #tpu.memory_space<hbm>> -> memref<131072xf32, #tpu.memory_space<hbm>>
    tpu.enqueue_indirect_dma source(%dma_start3A_106 : memref<131072xf32, #tpu.memory_space<hbm>>) target(%dma_start3A_103 : memref<4096xf32, #tpu.memory_space<vmem>>) offsets(%arg9 : memref<4096xi32, #tpu.memory_space<vmem>>) semaphore(%arg21 : memref<!tpu.dma_semaphore, #tpu.memory_space<semaphore_mem>>)
    %dma_wait3A = arith.constant 0 : i32
    %dma_wait3A_107 = tpu.memref_slice %arg5[%add3A, %dma_wait3A] : memref<32x32768xf32, #tpu.memory_space<hbm>> -> memref<1x32768xf32, #tpu.memory_space<hbm>>
    %dma_wait3A_108 = tpu.memref_squeeze %dma_wait3A_107 : memref<1x32768xf32, #tpu.memory_space<hbm>> -> memref<32768xf32, #tpu.memory_space<hbm>>
    %dma_wait3A_109 = arith.constant 0 : i32
    %dma_wait3A_110 = tpu.memref_slice %arg5[%add3A, %dma_wait3A_109] : memref<32x32768xf32, #tpu.memory_space<hbm>> -> memref<1x32768xf32, #tpu.memory_space<hbm>>
    %dma_wait3A_111 = tpu.memref_squeeze %dma_wait3A_110 : memref<1x32768xf32, #tpu.memory_space<hbm>> -> memref<32768xf32, #tpu.memory_space<hbm>>
    tpu.wait_dma2 semaphore(%arg22 : memref<!tpu.dma_semaphore, #tpu.memory_space<semaphore_mem>>) src(%dma_wait3A_111 : memref<32768xf32, #tpu.memory_space<hbm>>) dst(%arg11 : memref<32768xf32, #tpu.memory_space<vmem>>)
    %broadcast_in_dim3A_112 = arith.constant 0.000000e+00 : f32
    %broadcast_in_dim3A_113 = vector.broadcast %broadcast_in_dim3A_112 : f32 to vector<16xf32>
    %add3A_114 = arith.constant 0 : i32
    %add3A_115 = arith.addi %mul3A_2, %add3A_114 : i32
    %mul3A_116 = arith.constant 16384 : i32
    %mul3A_117 = arith.muli %add3A_115, %mul3A_116 : i32
    %dma_wait3A_118 = arith.constant 0 : i32
    %dma_wait3A_119 = arith.constant 0 : i32
    %dma_wait3A_120 = tpu.memref_slice %arg12[%dma_wait3A_118, %dma_wait3A_119] : memref<8x4096xf32, #tpu.memory_space<vmem>> -> memref<1x4096xf32, #tpu.memory_space<vmem>>
    %dma_wait3A_121 = tpu.memref_squeeze %dma_wait3A_120 : memref<1x4096xf32, #tpu.memory_space<vmem>> -> memref<4096xf32, #tpu.memory_space<vmem>>
    %dma_wait3A_122 = tpu.memref_slice %arg2[%mul3A_117] : memref<33554432xf32, #tpu.memory_space<hbm>> -> memref<131072xf32, #tpu.memory_space<hbm>>
    %dma_wait3A_123 = arith.constant 0 : i32
    %dma_wait3A_124 = tpu.memref_slice %dma_wait3A_122[%dma_wait3A_123] : memref<131072xf32, #tpu.memory_space<hbm>> -> memref<131072xf32, #tpu.memory_space<hbm>>
    tpu.wait_indirect_dma semaphore(%arg14 : memref<!tpu.dma_semaphore, #tpu.memory_space<semaphore_mem>>) src(%dma_wait3A_124 : memref<131072xf32, #tpu.memory_space<hbm>>) dst(%dma_wait3A_121 : memref<4096xf32, #tpu.memory_space<vmem>>)
    %scan3A_125 = arith.constant 0 : i32
    %scan3A_126 = arith.constant 256 : i32
    %scan3A_127 = arith.addi %scan3A_125, %scan3A_126 : i32
    %scan3A_128 = arith.constant 4 : i32
    %scan3A_129 = scf.for %scan3A_258 = %scan3A_125 to %scan3A_127 step %scan3A_128 iter_args(%scan3A_259 = %broadcast_in_dim3A_113) -> (vector<16xf32>)  : i32 {
      %mul3A_260 = arith.constant 16 : i32
      %mul3A_261 = arith.muli %scan3A_258, %mul3A_260 : i32
      %get3A = arith.constant 0 : i32
      %get3A_262 = arith.index_cast %get3A : i32 to index
      %get3A_263 = arith.index_cast %mul3A_261 : i32 to index
      %get3A_264 = tpu.vector_load %arg12[%get3A_262, %get3A_263] {strides = array<i32>} : memref<8x4096xf32, #tpu.memory_space<vmem>>, vector<16xf32>,
      %mul3A_265 = arith.constant 16 : i32
      %mul3A_266 = arith.muli %scan3A_258, %mul3A_265 : i32
      %add3A_267 = arith.constant 0 : i32
      %add3A_268 = arith.addi %add3A_267, %mul3A_266 : i32
      %get3A_269 = arith.index_cast %add3A_268 : i32 to index
      %get3A_270 = tpu.vector_load %arg11[%get3A_269] {strides = array<i32>} : memref<32768xf32, #tpu.memory_space<vmem>>, vector<16xf32>,
      %mul3A_271 = arith.constant 16 : i32
      %mul3A_272 = arith.muli %scan3A_258, %mul3A_271 : i32
      %get3A_273 = arith.index_cast %mul3A_272 : i32 to index
      %get3A_274 = tpu.vector_load %arg10[%get3A_273] {strides = array<i32>} : memref<4096xf32, #tpu.memory_space<vmem>>, vector<16xf32>,
      %sub3A = arith.subf %get3A_264, %get3A_270 : vector<16xf32>
      %mul3A_275 = arith.mulf %sub3A, %get3A_274 : vector<16xf32>
      %abs3A = math.absf %mul3A_275 : vector<16xf32>
      %min3A = arith.constant 1.000000e+00 : f32
      %min3A_276 = vector.broadcast %min3A : f32 to vector<16xf32>
      %min3A_277 = arith.minimumf %abs3A, %min3A_276 : vector<16xf32>
      %mul3A_278 = arith.constant 5.000000e-01 : f32
      %mul3A_279 = vector.broadcast %mul3A_278 : f32 to vector<16xf32>
      %mul3A_280 = arith.mulf %mul3A_279, %min3A_277 : vector<16xf32>
      %mul3A_281 = arith.mulf %mul3A_280, %min3A_277 : vector<16xf32>
      %sub3A_282 = arith.constant 1.000000e+00 : f32
      %sub3A_283 = vector.broadcast %sub3A_282 : f32 to vector<16xf32>
      %sub3A_284 = arith.subf %mul3A_281, %sub3A_283 : vector<16xf32>
      %max3A = arith.constant 1.000000e+00 : f32
      %max3A_285 = vector.broadcast %max3A : f32 to vector<16xf32>
      %max3A_286 = arith.maximumf %abs3A, %max3A_285 : vector<16xf32>
      %add3A_287 = arith.addf %sub3A_284, %max3A_286 : vector<16xf32>
      %add3A_288 = arith.addf %scan3A_259, %add3A_287 : vector<16xf32>
      %scan3A_289 = arith.constant 1 : i32
      %scan3A_290 = arith.addi %scan3A_258, %scan3A_289 : i32
      %mul3A_291 = arith.constant 16 : i32
      %mul3A_292 = arith.muli %scan3A_290, %mul3A_291 : i32
      %get3A_293 = arith.constant 0 : i32
      %get3A_294 = arith.index_cast %get3A_293 : i32 to index
      %get3A_295 = arith.index_cast %mul3A_292 : i32 to index
      %get3A_296 = tpu.vector_load %arg12[%get3A_294, %get3A_295] {strides = array<i32>} : memref<8x4096xf32, #tpu.memory_space<vmem>>, vector<16xf32>,
      %mul3A_297 = arith.constant 16 : i32
      %mul3A_298 = arith.muli %scan3A_290, %mul3A_297 : i32
      %add3A_299 = arith.constant 0 : i32
      %add3A_300 = arith.addi %add3A_299, %mul3A_298 : i32
      %get3A_301 = arith.index_cast %add3A_300 : i32 to index
      %get3A_302 = tpu.vector_load %arg11[%get3A_301] {strides = array<i32>} : memref<32768xf32, #tpu.memory_space<vmem>>, vector<16xf32>,
      %mul3A_303 = arith.constant 16 : i32
      %mul3A_304 = arith.muli %scan3A_290, %mul3A_303 : i32
      %get3A_305 = arith.index_cast %mul3A_304 : i32 to index
      %get3A_306 = tpu.vector_load %arg10[%get3A_305] {strides = array<i32>} : memref<4096xf32, #tpu.memory_space<vmem>>, vector<16xf32>,
      %sub3A_307 = arith.subf %get3A_296, %get3A_302 : vector<16xf32>
      %mul3A_308 = arith.mulf %sub3A_307, %get3A_306 : vector<16xf32>
      %abs3A_309 = math.absf %mul3A_308 : vector<16xf32>
      %min3A_310 = arith.constant 1.000000e+00 : f32
      %min3A_311 = vector.broadcast %min3A_310 : f32 to vector<16xf32>
      %min3A_312 = arith.minimumf %abs3A_309, %min3A_311 : vector<16xf32>
      %mul3A_313 = arith.constant 5.000000e-01 : f32
      %mul3A_314 = vector.broadcast %mul3A_313 : f32 to vector<16xf32>
      %mul3A_315 = arith.mulf %mul3A_314, %min3A_312 : vector<16xf32>
      %mul3A_316 = arith.mulf %mul3A_315, %min3A_312 : vector<16xf32>
      %sub3A_317 = arith.constant 1.000000e+00 : f32
      %sub3A_318 = vector.broadcast %sub3A_317 : f32 to vector<16xf32>
      %sub3A_319 = arith.subf %mul3A_316, %sub3A_318 : vector<16xf32>
      %max3A_320 = arith.constant 1.000000e+00 : f32
      %max3A_321 = vector.broadcast %max3A_320 : f32 to vector<16xf32>
      %max3A_322 = arith.maximumf %abs3A_309, %max3A_321 : vector<16xf32>
      %add3A_323 = arith.addf %sub3A_319, %max3A_322 : vector<16xf32>
      %add3A_324 = arith.addf %add3A_288, %add3A_323 : vector<16xf32>
      %scan3A_325 = arith.constant 2 : i32
      %scan3A_326 = arith.addi %scan3A_258, %scan3A_325 : i32
      %mul3A_327 = arith.constant 16 : i32
      %mul3A_328 = arith.muli %scan3A_326, %mul3A_327 : i32
      %get3A_329 = arith.constant 0 : i32
      %get3A_330 = arith.index_cast %get3A_329 : i32 to index
      %get3A_331 = arith.index_cast %mul3A_328 : i32 to index
      %get3A_332 = tpu.vector_load %arg12[%get3A_330, %get3A_331] {strides = array<i32>} : memref<8x4096xf32, #tpu.memory_space<vmem>>, vector<16xf32>,
      %mul3A_333 = arith.constant 16 : i32
      %mul3A_334 = arith.muli %scan3A_326, %mul3A_333 : i32
      %add3A_335 = arith.constant 0 : i32
      %add3A_336 = arith.addi %add3A_335, %mul3A_334 : i32
      %get3A_337 = arith.index_cast %add3A_336 : i32 to index
      %get3A_338 = tpu.vector_load %arg11[%get3A_337] {strides = array<i32>} : memref<32768xf32, #tpu.memory_space<vmem>>, vector<16xf32>,
      %mul3A_339 = arith.constant 16 : i32
      %mul3A_340 = arith.muli %scan3A_326, %mul3A_339 : i32
      %get3A_341 = arith.index_cast %mul3A_340 : i32 to index
      %get3A_342 = tpu.vector_load %arg10[%get3A_341] {strides = array<i32>} : memref<4096xf32, #tpu.memory_space<vmem>>, vector<16xf32>,
      %sub3A_343 = arith.subf %get3A_332, %get3A_338 : vector<16xf32>
      %mul3A_344 = arith.mulf %sub3A_343, %get3A_342 : vector<16xf32>
      %abs3A_345 = math.absf %mul3A_344 : vector<16xf32>
      %min3A_346 = arith.constant 1.000000e+00 : f32
      %min3A_347 = vector.broadcast %min3A_346 : f32 to vector<16xf32>
      %min3A_348 = arith.minimumf %abs3A_345, %min3A_347 : vector<16xf32>
      %mul3A_349 = arith.constant 5.000000e-01 : f32
      %mul3A_350 = vector.broadcast %mul3A_349 : f32 to vector<16xf32>
      %mul3A_351 = arith.mulf %mul3A_350, %min3A_348 : vector<16xf32>
      %mul3A_352 = arith.mulf %mul3A_351, %min3A_348 : vector<16xf32>
      %sub3A_353 = arith.constant 1.000000e+00 : f32
      %sub3A_354 = vector.broadcast %sub3A_353 : f32 to vector<16xf32>
      %sub3A_355 = arith.subf %mul3A_352, %sub3A_354 : vector<16xf32>
      %max3A_356 = arith.constant 1.000000e+00 : f32
      %max3A_357 = vector.broadcast %max3A_356 : f32 to vector<16xf32>
      %max3A_358 = arith.maximumf %abs3A_345, %max3A_357 : vector<16xf32>
      %add3A_359 = arith.addf %sub3A_355, %max3A_358 : vector<16xf32>
      %add3A_360 = arith.addf %add3A_324, %add3A_359 : vector<16xf32>
      %scan3A_361 = arith.constant 3 : i32
      %scan3A_362 = arith.addi %scan3A_258, %scan3A_361 : i32
      %mul3A_363 = arith.constant 16 : i32
      %mul3A_364 = arith.muli %scan3A_362, %mul3A_363 : i32
      %get3A_365 = arith.constant 0 : i32
      %get3A_366 = arith.index_cast %get3A_365 : i32 to index
      %get3A_367 = arith.index_cast %mul3A_364 : i32 to index
      %get3A_368 = tpu.vector_load %arg12[%get3A_366, %get3A_367] {strides = array<i32>} : memref<8x4096xf32, #tpu.memory_space<vmem>>, vector<16xf32>,
      %mul3A_369 = arith.constant 16 : i32
      %mul3A_370 = arith.muli %scan3A_362, %mul3A_369 : i32
      %add3A_371 = arith.constant 0 : i32
      %add3A_372 = arith.addi %add3A_371, %mul3A_370 : i32
      %get3A_373 = arith.index_cast %add3A_372 : i32 to index
      %get3A_374 = tpu.vector_load %arg11[%get3A_373] {strides = array<i32>} : memref<32768xf32, #tpu.memory_space<vmem>>, vector<16xf32>,
      %mul3A_375 = arith.constant 16 : i32
      %mul3A_376 = arith.muli %scan3A_362, %mul3A_375 : i32
      %get3A_377 = arith.index_cast %mul3A_376 : i32 to index
      %get3A_378 = tpu.vector_load %arg10[%get3A_377] {strides = array<i32>} : memref<4096xf32, #tpu.memory_space<vmem>>, vector<16xf32>,
      %sub3A_379 = arith.subf %get3A_368, %get3A_374 : vector<16xf32>
      %mul3A_380 = arith.mulf %sub3A_379, %get3A_378 : vector<16xf32>
      %abs3A_381 = math.absf %mul3A_380 : vector<16xf32>
      %min3A_382 = arith.constant 1.000000e+00 : f32
      %min3A_383 = vector.broadcast %min3A_382 : f32 to vector<16xf32>
      %min3A_384 = arith.minimumf %abs3A_381, %min3A_383 : vector<16xf32>
      %mul3A_385 = arith.constant 5.000000e-01 : f32
      %mul3A_386 = vector.broadcast %mul3A_385 : f32 to vector<16xf32>
      %mul3A_387 = arith.mulf %mul3A_386, %min3A_384 : vector<16xf32>
      %mul3A_388 = arith.mulf %mul3A_387, %min3A_384 : vector<16xf32>
      %sub3A_389 = arith.constant 1.000000e+00 : f32
      %sub3A_390 = vector.broadcast %sub3A_389 : f32 to vector<16xf32>
      %sub3A_391 = arith.subf %mul3A_388, %sub3A_390 : vector<16xf32>
      %max3A_392 = arith.constant 1.000000e+00 : f32
      %max3A_393 = vector.broadcast %max3A_392 : f32 to vector<16xf32>
      %max3A_394 = arith.maximumf %abs3A_381, %max3A_393 : vector<16xf32>
      %add3A_395 = arith.addf %sub3A_391, %max3A_394 : vector<16xf32>
      %add3A_396 = arith.addf %add3A_360, %add3A_395 : vector<16xf32>
      scf.yield %add3A_396 : vector<16xf32>
    }
    %scan3A_130 = arith.constant 256 : i32
    %add3A_131 = arith.constant 8 : i32
    %add3A_132 = arith.addi %mul3A_2, %add3A_131 : i32
    %mul3A_133 = arith.constant 16384 : i32
    %mul3A_134 = arith.muli %add3A_132, %mul3A_133 : i32
    %dma_wait3A_135 = arith.constant 1 : i32
    %dma_wait3A_136 = arith.constant 0 : i32
    %dma_wait3A_137 = tpu.memref_slice %arg12[%dma_wait3A_135, %dma_wait3A_136] : memref<8x4096xf32, #tpu.memory_space<vmem>> -> memref<1x4096xf32, #tpu.memory_space<vmem>>
    %dma_wait3A_138 = tpu.memref_squeeze %dma_wait3A_137 : memref<1x4096xf32, #tpu.memory_space<vmem>> -> memref<4096xf32, #tpu.memory_space<vmem>>
    %dma_wait3A_139 = tpu.memref_slice %arg2[%mul3A_134] : memref<33554432xf32, #tpu.memory_space<hbm>> -> memref<131072xf32, #tpu.memory_space<hbm>>
    %dma_wait3A_140 = arith.constant 0 : i32
    %dma_wait3A_141 = tpu.memref_slice %dma_wait3A_139[%dma_wait3A_140] : memref<131072xf32, #tpu.memory_space<hbm>> -> memref<131072xf32, #tpu.memory_space<hbm>>
    tpu.wait_indirect_dma semaphore(%arg15 : memref<!tpu.dma_semaphore, #tpu.memory_space<semaphore_mem>>) src(%dma_wait3A_141 : memref<131072xf32, #tpu.memory_space<hbm>>) dst(%dma_wait3A_138 : memref<4096xf32, #tpu.memory_space<vmem>>)
    %scan3A_142 = arith.constant 0 : i32
    %scan3A_143 = arith.constant 256 : i32
    %scan3A_144 = arith.addi %scan3A_142, %scan3A_143 : i32
    %scan3A_145 = arith.constant 4 : i32
    %scan3A_146 = scf.for %scan3A_258 = %scan3A_142 to %scan3A_144 step %scan3A_145 iter_args(%scan3A_259 = %scan3A_129) -> (vector<16xf32>)  : i32 {
      %mul3A_260 = arith.constant 16 : i32
      %mul3A_261 = arith.muli %scan3A_258, %mul3A_260 : i32
      %get3A = arith.constant 1 : i32
      %get3A_262 = arith.index_cast %get3A : i32 to index
      %get3A_263 = arith.index_cast %mul3A_261 : i32 to index
      %get3A_264 = tpu.vector_load %arg12[%get3A_262, %get3A_263] {strides = array<i32>} : memref<8x4096xf32, #tpu.memory_space<vmem>>, vector<16xf32>,
      %mul3A_265 = arith.constant 16 : i32
      %mul3A_266 = arith.muli %scan3A_258, %mul3A_265 : i32
      %add3A_267 = arith.constant 4096 : i32
      %add3A_268 = arith.addi %add3A_267, %mul3A_266 : i32
      %get3A_269 = arith.index_cast %add3A_268 : i32 to index
      %get3A_270 = tpu.vector_load %arg11[%get3A_269] {strides = array<i32>} : memref<32768xf32, #tpu.memory_space<vmem>>, vector<16xf32>,
      %mul3A_271 = arith.constant 16 : i32
      %mul3A_272 = arith.muli %scan3A_258, %mul3A_271 : i32
      %get3A_273 = arith.index_cast %mul3A_272 : i32 to index
      %get3A_274 = tpu.vector_load %arg10[%get3A_273] {strides = array<i32>} : memref<4096xf32, #tpu.memory_space<vmem>>, vector<16xf32>,
      %sub3A = arith.subf %get3A_264, %get3A_270 : vector<16xf32>
      %mul3A_275 = arith.mulf %sub3A, %get3A_274 : vector<16xf32>
      %abs3A = math.absf %mul3A_275 : vector<16xf32>
      %min3A = arith.constant 1.000000e+00 : f32
      %min3A_276 = vector.broadcast %min3A : f32 to vector<16xf32>
      %min3A_277 = arith.minimumf %abs3A, %min3A_276 : vector<16xf32>
      %mul3A_278 = arith.constant 5.000000e-01 : f32
      %mul3A_279 = vector.broadcast %mul3A_278 : f32 to vector<16xf32>
      %mul3A_280 = arith.mulf %mul3A_279, %min3A_277 : vector<16xf32>
      %mul3A_281 = arith.mulf %mul3A_280, %min3A_277 : vector<16xf32>
      %sub3A_282 = arith.constant 1.000000e+00 : f32
      %sub3A_283 = vector.broadcast %sub3A_282 : f32 to vector<16xf32>
      %sub3A_284 = arith.subf %mul3A_281, %sub3A_283 : vector<16xf32>
      %max3A = arith.constant 1.000000e+00 : f32
      %max3A_285 = vector.broadcast %max3A : f32 to vector<16xf32>
      %max3A_286 = arith.maximumf %abs3A, %max3A_285 : vector<16xf32>
      %add3A_287 = arith.addf %sub3A_284, %max3A_286 : vector<16xf32>
      %add3A_288 = arith.addf %scan3A_259, %add3A_287 : vector<16xf32>
      %scan3A_289 = arith.constant 1 : i32
      %scan3A_290 = arith.addi %scan3A_258, %scan3A_289 : i32
      %mul3A_291 = arith.constant 16 : i32
      %mul3A_292 = arith.muli %scan3A_290, %mul3A_291 : i32
      %get3A_293 = arith.constant 1 : i32
      %get3A_294 = arith.index_cast %get3A_293 : i32 to index
      %get3A_295 = arith.index_cast %mul3A_292 : i32 to index
      %get3A_296 = tpu.vector_load %arg12[%get3A_294, %get3A_295] {strides = array<i32>} : memref<8x4096xf32, #tpu.memory_space<vmem>>, vector<16xf32>,
      %mul3A_297 = arith.constant 16 : i32
      %mul3A_298 = arith.muli %scan3A_290, %mul3A_297 : i32
      %add3A_299 = arith.constant 4096 : i32
      %add3A_300 = arith.addi %add3A_299, %mul3A_298 : i32
      %get3A_301 = arith.index_cast %add3A_300 : i32 to index
      %get3A_302 = tpu.vector_load %arg11[%get3A_301] {strides = array<i32>} : memref<32768xf32, #tpu.memory_space<vmem>>, vector<16xf32>,
      %mul3A_303 = arith.constant 16 : i32
      %mul3A_304 = arith.muli %scan3A_290, %mul3A_303 : i32
      %get3A_305 = arith.index_cast %mul3A_304 : i32 to index
      %get3A_306 = tpu.vector_load %arg10[%get3A_305] {strides = array<i32>} : memref<4096xf32, #tpu.memory_space<vmem>>, vector<16xf32>,
      %sub3A_307 = arith.subf %get3A_296, %get3A_302 : vector<16xf32>
      %mul3A_308 = arith.mulf %sub3A_307, %get3A_306 : vector<16xf32>
      %abs3A_309 = math.absf %mul3A_308 : vector<16xf32>
      %min3A_310 = arith.constant 1.000000e+00 : f32
      %min3A_311 = vector.broadcast %min3A_310 : f32 to vector<16xf32>
      %min3A_312 = arith.minimumf %abs3A_309, %min3A_311 : vector<16xf32>
      %mul3A_313 = arith.constant 5.000000e-01 : f32
      %mul3A_314 = vector.broadcast %mul3A_313 : f32 to vector<16xf32>
      %mul3A_315 = arith.mulf %mul3A_314, %min3A_312 : vector<16xf32>
      %mul3A_316 = arith.mulf %mul3A_315, %min3A_312 : vector<16xf32>
      %sub3A_317 = arith.constant 1.000000e+00 : f32
      %sub3A_318 = vector.broadcast %sub3A_317 : f32 to vector<16xf32>
      %sub3A_319 = arith.subf %mul3A_316, %sub3A_318 : vector<16xf32>
      %max3A_320 = arith.constant 1.000000e+00 : f32
      %max3A_321 = vector.broadcast %max3A_320 : f32 to vector<16xf32>
      %max3A_322 = arith.maximumf %abs3A_309, %max3A_321 : vector<16xf32>
      %add3A_323 = arith.addf %sub3A_319, %max3A_322 : vector<16xf32>
      %add3A_324 = arith.addf %add3A_288, %add3A_323 : vector<16xf32>
      %scan3A_325 = arith.constant 2 : i32
      %scan3A_326 = arith.addi %scan3A_258, %scan3A_325 : i32
      %mul3A_327 = arith.constant 16 : i32
      %mul3A_328 = arith.muli %scan3A_326, %mul3A_327 : i32
      %get3A_329 = arith.constant 1 : i32
      %get3A_330 = arith.index_cast %get3A_329 : i32 to index
      %get3A_331 = arith.index_cast %mul3A_328 : i32 to index
      %get3A_332 = tpu.vector_load %arg12[%get3A_330, %get3A_331] {strides = array<i32>} : memref<8x4096xf32, #tpu.memory_space<vmem>>, vector<16xf32>,
      %mul3A_333 = arith.constant 16 : i32
      %mul3A_334 = arith.muli %scan3A_326, %mul3A_333 : i32
      %add3A_335 = arith.constant 4096 : i32
      %add3A_336 = arith.addi %add3A_335, %mul3A_334 : i32
      %get3A_337 = arith.index_cast %add3A_336 : i32 to index
      %get3A_338 = tpu.vector_load %arg11[%get3A_337] {strides = array<i32>} : memref<32768xf32, #tpu.memory_space<vmem>>, vector<16xf32>,
      %mul3A_339 = arith.constant 16 : i32
      %mul3A_340 = arith.muli %scan3A_326, %mul3A_339 : i32
      %get3A_341 = arith.index_cast %mul3A_340 : i32 to index
      %get3A_342 = tpu.vector_load %arg10[%get3A_341] {strides = array<i32>} : memref<4096xf32, #tpu.memory_space<vmem>>, vector<16xf32>,
      %sub3A_343 = arith.subf %get3A_332, %get3A_338 : vector<16xf32>
      %mul3A_344 = arith.mulf %sub3A_343, %get3A_342 : vector<16xf32>
      %abs3A_345 = math.absf %mul3A_344 : vector<16xf32>
      %min3A_346 = arith.constant 1.000000e+00 : f32
      %min3A_347 = vector.broadcast %min3A_346 : f32 to vector<16xf32>
      %min3A_348 = arith.minimumf %abs3A_345, %min3A_347 : vector<16xf32>
      %mul3A_349 = arith.constant 5.000000e-01 : f32
      %mul3A_350 = vector.broadcast %mul3A_349 : f32 to vector<16xf32>
      %mul3A_351 = arith.mulf %mul3A_350, %min3A_348 : vector<16xf32>
      %mul3A_352 = arith.mulf %mul3A_351, %min3A_348 : vector<16xf32>
      %sub3A_353 = arith.constant 1.000000e+00 : f32
      %sub3A_354 = vector.broadcast %sub3A_353 : f32 to vector<16xf32>
      %sub3A_355 = arith.subf %mul3A_352, %sub3A_354 : vector<16xf32>
      %max3A_356 = arith.constant 1.000000e+00 : f32
      %max3A_357 = vector.broadcast %max3A_356 : f32 to vector<16xf32>
      %max3A_358 = arith.maximumf %abs3A_345, %max3A_357 : vector<16xf32>
      %add3A_359 = arith.addf %sub3A_355, %max3A_358 : vector<16xf32>
      %add3A_360 = arith.addf %add3A_324, %add3A_359 : vector<16xf32>
      %scan3A_361 = arith.constant 3 : i32
      %scan3A_362 = arith.addi %scan3A_258, %scan3A_361 : i32
      %mul3A_363 = arith.constant 16 : i32
      %mul3A_364 = arith.muli %scan3A_362, %mul3A_363 : i32
      %get3A_365 = arith.constant 1 : i32
      %get3A_366 = arith.index_cast %get3A_365 : i32 to index
      %get3A_367 = arith.index_cast %mul3A_364 : i32 to index
      %get3A_368 = tpu.vector_load %arg12[%get3A_366, %get3A_367] {strides = array<i32>} : memref<8x4096xf32, #tpu.memory_space<vmem>>, vector<16xf32>,
      %mul3A_369 = arith.constant 16 : i32
      %mul3A_370 = arith.muli %scan3A_362, %mul3A_369 : i32
      %add3A_371 = arith.constant 4096 : i32
      %add3A_372 = arith.addi %add3A_371, %mul3A_370 : i32
      %get3A_373 = arith.index_cast %add3A_372 : i32 to index
      %get3A_374 = tpu.vector_load %arg11[%get3A_373] {strides = array<i32>} : memref<32768xf32, #tpu.memory_space<vmem>>, vector<16xf32>,
      %mul3A_375 = arith.constant 16 : i32
      %mul3A_376 = arith.muli %scan3A_362, %mul3A_375 : i32
      %get3A_377 = arith.index_cast %mul3A_376 : i32 to index
      %get3A_378 = tpu.vector_load %arg10[%get3A_377] {strides = array<i32>} : memref<4096xf32, #tpu.memory_space<vmem>>, vector<16xf32>,
      %sub3A_379 = arith.subf %get3A_368, %get3A_374 : vector<16xf32>
      %mul3A_380 = arith.mulf %sub3A_379, %get3A_378 : vector<16xf32>
      %abs3A_381 = math.absf %mul3A_380 : vector<16xf32>
      %min3A_382 = arith.constant 1.000000e+00 : f32
      %min3A_383 = vector.broadcast %min3A_382 : f32 to vector<16xf32>
      %min3A_384 = arith.minimumf %abs3A_381, %min3A_383 : vector<16xf32>
      %mul3A_385 = arith.constant 5.000000e-01 : f32
      %mul3A_386 = vector.broadcast %mul3A_385 : f32 to vector<16xf32>
      %mul3A_387 = arith.mulf %mul3A_386, %min3A_384 : vector<16xf32>
      %mul3A_388 = arith.mulf %mul3A_387, %min3A_384 : vector<16xf32>
      %sub3A_389 = arith.constant 1.000000e+00 : f32
      %sub3A_390 = vector.broadcast %sub3A_389 : f32 to vector<16xf32>
      %sub3A_391 = arith.subf %mul3A_388, %sub3A_390 : vector<16xf32>
      %max3A_392 = arith.constant 1.000000e+00 : f32
      %max3A_393 = vector.broadcast %max3A_392 : f32 to vector<16xf32>
      %max3A_394 = arith.maximumf %abs3A_381, %max3A_393 : vector<16xf32>
      %add3A_395 = arith.addf %sub3A_391, %max3A_394 : vector<16xf32>
      %add3A_396 = arith.addf %add3A_360, %add3A_395 : vector<16xf32>
      scf.yield %add3A_396 : vector<16xf32>
    }
    %scan3A_147 = arith.constant 256 : i32
    %add3A_148 = arith.constant 16 : i32
    %add3A_149 = arith.addi %mul3A_2, %add3A_148 : i32
    %mul3A_150 = arith.constant 16384 : i32
    %mul3A_151 = arith.muli %add3A_149, %mul3A_150 : i32
    %dma_wait3A_152 = arith.constant 2 : i32
    %dma_wait3A_153 = arith.constant 0 : i32
    %dma_wait3A_154 = tpu.memref_slice %arg12[%dma_wait3A_152, %dma_wait3A_153] : memref<8x4096xf32, #tpu.memory_space<vmem>> -> memref<1x4096xf32, #tpu.memory_space<vmem>>
    %dma_wait3A_155 = tpu.memref_squeeze %dma_wait3A_154 : memref<1x4096xf32, #tpu.memory_space<vmem>> -> memref<4096xf32, #tpu.memory_space<vmem>>
    %dma_wait3A_156 = tpu.memref_slice %arg2[%mul3A_151] : memref<33554432xf32, #tpu.memory_space<hbm>> -> memref<131072xf32, #tpu.memory_space<hbm>>
    %dma_wait3A_157 = arith.constant 0 : i32
    %dma_wait3A_158 = tpu.memref_slice %dma_wait3A_156[%dma_wait3A_157] : memref<131072xf32, #tpu.memory_space<hbm>> -> memref<131072xf32, #tpu.memory_space<hbm>>
    tpu.wait_indirect_dma semaphore(%arg16 : memref<!tpu.dma_semaphore, #tpu.memory_space<semaphore_mem>>) src(%dma_wait3A_158 : memref<131072xf32, #tpu.memory_space<hbm>>) dst(%dma_wait3A_155 : memref<4096xf32, #tpu.memory_space<vmem>>)
    %scan3A_159 = arith.constant 0 : i32
    %scan3A_160 = arith.constant 256 : i32
    %scan3A_161 = arith.addi %scan3A_159, %scan3A_160 : i32
    %scan3A_162 = arith.constant 4 : i32
    %scan3A_163 = scf.for %scan3A_258 = %scan3A_159 to %scan3A_161 step %scan3A_162 iter_args(%scan3A_259 = %scan3A_146) -> (vector<16xf32>)  : i32 {
      %mul3A_260 = arith.constant 16 : i32
      %mul3A_261 = arith.muli %scan3A_258, %mul3A_260 : i32
      %get3A = arith.constant 2 : i32
      %get3A_262 = arith.index_cast %get3A : i32 to index
      %get3A_263 = arith.index_cast %mul3A_261 : i32 to index
      %get3A_264 = tpu.vector_load %arg12[%get3A_262, %get3A_263] {strides = array<i32>} : memref<8x4096xf32, #tpu.memory_space<vmem>>, vector<16xf32>,
      %mul3A_265 = arith.constant 16 : i32
      %mul3A_266 = arith.muli %scan3A_258, %mul3A_265 : i32
      %add3A_267 = arith.constant 8192 : i32
      %add3A_268 = arith.addi %add3A_267, %mul3A_266 : i32
      %get3A_269 = arith.index_cast %add3A_268 : i32 to index
      %get3A_270 = tpu.vector_load %arg11[%get3A_269] {strides = array<i32>} : memref<32768xf32, #tpu.memory_space<vmem>>, vector<16xf32>,
      %mul3A_271 = arith.constant 16 : i32
      %mul3A_272 = arith.muli %scan3A_258, %mul3A_271 : i32
      %get3A_273 = arith.index_cast %mul3A_272 : i32 to index
      %get3A_274 = tpu.vector_load %arg10[%get3A_273] {strides = array<i32>} : memref<4096xf32, #tpu.memory_space<vmem>>, vector<16xf32>,
      %sub3A = arith.subf %get3A_264, %get3A_270 : vector<16xf32>
      %mul3A_275 = arith.mulf %sub3A, %get3A_274 : vector<16xf32>
      %abs3A = math.absf %mul3A_275 : vector<16xf32>
      %min3A = arith.constant 1.000000e+00 : f32
      %min3A_276 = vector.broadcast %min3A : f32 to vector<16xf32>
      %min3A_277 = arith.minimumf %abs3A, %min3A_276 : vector<16xf32>
      %mul3A_278 = arith.constant 5.000000e-01 : f32
      %mul3A_279 = vector.broadcast %mul3A_278 : f32 to vector<16xf32>
      %mul3A_280 = arith.mulf %mul3A_279, %min3A_277 : vector<16xf32>
      %mul3A_281 = arith.mulf %mul3A_280, %min3A_277 : vector<16xf32>
      %sub3A_282 = arith.constant 1.000000e+00 : f32
      %sub3A_283 = vector.broadcast %sub3A_282 : f32 to vector<16xf32>
      %sub3A_284 = arith.subf %mul3A_281, %sub3A_283 : vector<16xf32>
      %max3A = arith.constant 1.000000e+00 : f32
      %max3A_285 = vector.broadcast %max3A : f32 to vector<16xf32>
      %max3A_286 = arith.maximumf %abs3A, %max3A_285 : vector<16xf32>
      %add3A_287 = arith.addf %sub3A_284, %max3A_286 : vector<16xf32>
      %add3A_288 = arith.addf %scan3A_259, %add3A_287 : vector<16xf32>
      %scan3A_289 = arith.constant 1 : i32
      %scan3A_290 = arith.addi %scan3A_258, %scan3A_289 : i32
      %mul3A_291 = arith.constant 16 : i32
      %mul3A_292 = arith.muli %scan3A_290, %mul3A_291 : i32
      %get3A_293 = arith.constant 2 : i32
      %get3A_294 = arith.index_cast %get3A_293 : i32 to index
      %get3A_295 = arith.index_cast %mul3A_292 : i32 to index
      %get3A_296 = tpu.vector_load %arg12[%get3A_294, %get3A_295] {strides = array<i32>} : memref<8x4096xf32, #tpu.memory_space<vmem>>, vector<16xf32>,
      %mul3A_297 = arith.constant 16 : i32
      %mul3A_298 = arith.muli %scan3A_290, %mul3A_297 : i32
      %add3A_299 = arith.constant 8192 : i32
      %add3A_300 = arith.addi %add3A_299, %mul3A_298 : i32
      %get3A_301 = arith.index_cast %add3A_300 : i32 to index
      %get3A_302 = tpu.vector_load %arg11[%get3A_301] {strides = array<i32>} : memref<32768xf32, #tpu.memory_space<vmem>>, vector<16xf32>,
      %mul3A_303 = arith.constant 16 : i32
      %mul3A_304 = arith.muli %scan3A_290, %mul3A_303 : i32
      %get3A_305 = arith.index_cast %mul3A_304 : i32 to index
      %get3A_306 = tpu.vector_load %arg10[%get3A_305] {strides = array<i32>} : memref<4096xf32, #tpu.memory_space<vmem>>, vector<16xf32>,
      %sub3A_307 = arith.subf %get3A_296, %get3A_302 : vector<16xf32>
      %mul3A_308 = arith.mulf %sub3A_307, %get3A_306 : vector<16xf32>
      %abs3A_309 = math.absf %mul3A_308 : vector<16xf32>
      %min3A_310 = arith.constant 1.000000e+00 : f32
      %min3A_311 = vector.broadcast %min3A_310 : f32 to vector<16xf32>
      %min3A_312 = arith.minimumf %abs3A_309, %min3A_311 : vector<16xf32>
      %mul3A_313 = arith.constant 5.000000e-01 : f32
      %mul3A_314 = vector.broadcast %mul3A_313 : f32 to vector<16xf32>
      %mul3A_315 = arith.mulf %mul3A_314, %min3A_312 : vector<16xf32>
      %mul3A_316 = arith.mulf %mul3A_315, %min3A_312 : vector<16xf32>
      %sub3A_317 = arith.constant 1.000000e+00 : f32
      %sub3A_318 = vector.broadcast %sub3A_317 : f32 to vector<16xf32>
      %sub3A_319 = arith.subf %mul3A_316, %sub3A_318 : vector<16xf32>
      %max3A_320 = arith.constant 1.000000e+00 : f32
      %max3A_321 = vector.broadcast %max3A_320 : f32 to vector<16xf32>
      %max3A_322 = arith.maximumf %abs3A_309, %max3A_321 : vector<16xf32>
      %add3A_323 = arith.addf %sub3A_319, %max3A_322 : vector<16xf32>
      %add3A_324 = arith.addf %add3A_288, %add3A_323 : vector<16xf32>
      %scan3A_325 = arith.constant 2 : i32
      %scan3A_326 = arith.addi %scan3A_258, %scan3A_325 : i32
      %mul3A_327 = arith.constant 16 : i32
      %mul3A_328 = arith.muli %scan3A_326, %mul3A_327 : i32
      %get3A_329 = arith.constant 2 : i32
      %get3A_330 = arith.index_cast %get3A_329 : i32 to index
      %get3A_331 = arith.index_cast %mul3A_328 : i32 to index
      %get3A_332 = tpu.vector_load %arg12[%get3A_330, %get3A_331] {strides = array<i32>} : memref<8x4096xf32, #tpu.memory_space<vmem>>, vector<16xf32>,
      %mul3A_333 = arith.constant 16 : i32
      %mul3A_334 = arith.muli %scan3A_326, %mul3A_333 : i32
      %add3A_335 = arith.constant 8192 : i32
      %add3A_336 = arith.addi %add3A_335, %mul3A_334 : i32
      %get3A_337 = arith.index_cast %add3A_336 : i32 to index
      %get3A_338 = tpu.vector_load %arg11[%get3A_337] {strides = array<i32>} : memref<32768xf32, #tpu.memory_space<vmem>>, vector<16xf32>,
      %mul3A_339 = arith.constant 16 : i32
      %mul3A_340 = arith.muli %scan3A_326, %mul3A_339 : i32
      %get3A_341 = arith.index_cast %mul3A_340 : i32 to index
      %get3A_342 = tpu.vector_load %arg10[%get3A_341] {strides = array<i32>} : memref<4096xf32, #tpu.memory_space<vmem>>, vector<16xf32>,
      %sub3A_343 = arith.subf %get3A_332, %get3A_338 : vector<16xf32>
      %mul3A_344 = arith.mulf %sub3A_343, %get3A_342 : vector<16xf32>
      %abs3A_345 = math.absf %mul3A_344 : vector<16xf32>
      %min3A_346 = arith.constant 1.000000e+00 : f32
      %min3A_347 = vector.broadcast %min3A_346 : f32 to vector<16xf32>
      %min3A_348 = arith.minimumf %abs3A_345, %min3A_347 : vector<16xf32>
      %mul3A_349 = arith.constant 5.000000e-01 : f32
      %mul3A_350 = vector.broadcast %mul3A_349 : f32 to vector<16xf32>
      %mul3A_351 = arith.mulf %mul3A_350, %min3A_348 : vector<16xf32>
      %mul3A_352 = arith.mulf %mul3A_351, %min3A_348 : vector<16xf32>
      %sub3A_353 = arith.constant 1.000000e+00 : f32
      %sub3A_354 = vector.broadcast %sub3A_353 : f32 to vector<16xf32>
      %sub3A_355 = arith.subf %mul3A_352, %sub3A_354 : vector<16xf32>
      %max3A_356 = arith.constant 1.000000e+00 : f32
      %max3A_357 = vector.broadcast %max3A_356 : f32 to vector<16xf32>
      %max3A_358 = arith.maximumf %abs3A_345, %max3A_357 : vector<16xf32>
      %add3A_359 = arith.addf %sub3A_355, %max3A_358 : vector<16xf32>
      %add3A_360 = arith.addf %add3A_324, %add3A_359 : vector<16xf32>
      %scan3A_361 = arith.constant 3 : i32
      %scan3A_362 = arith.addi %scan3A_258, %scan3A_361 : i32
      %mul3A_363 = arith.constant 16 : i32
      %mul3A_364 = arith.muli %scan3A_362, %mul3A_363 : i32
      %get3A_365 = arith.constant 2 : i32
      %get3A_366 = arith.index_cast %get3A_365 : i32 to index
      %get3A_367 = arith.index_cast %mul3A_364 : i32 to index
      %get3A_368 = tpu.vector_load %arg12[%get3A_366, %get3A_367] {strides = array<i32>} : memref<8x4096xf32, #tpu.memory_space<vmem>>, vector<16xf32>,
      %mul3A_369 = arith.constant 16 : i32
      %mul3A_370 = arith.muli %scan3A_362, %mul3A_369 : i32
      %add3A_371 = arith.constant 8192 : i32
      %add3A_372 = arith.addi %add3A_371, %mul3A_370 : i32
      %get3A_373 = arith.index_cast %add3A_372 : i32 to index
      %get3A_374 = tpu.vector_load %arg11[%get3A_373] {strides = array<i32>} : memref<32768xf32, #tpu.memory_space<vmem>>, vector<16xf32>,
      %mul3A_375 = arith.constant 16 : i32
      %mul3A_376 = arith.muli %scan3A_362, %mul3A_375 : i32
      %get3A_377 = arith.index_cast %mul3A_376 : i32 to index
      %get3A_378 = tpu.vector_load %arg10[%get3A_377] {strides = array<i32>} : memref<4096xf32, #tpu.memory_space<vmem>>, vector<16xf32>,
      %sub3A_379 = arith.subf %get3A_368, %get3A_374 : vector<16xf32>
      %mul3A_380 = arith.mulf %sub3A_379, %get3A_378 : vector<16xf32>
      %abs3A_381 = math.absf %mul3A_380 : vector<16xf32>
      %min3A_382 = arith.constant 1.000000e+00 : f32
      %min3A_383 = vector.broadcast %min3A_382 : f32 to vector<16xf32>
      %min3A_384 = arith.minimumf %abs3A_381, %min3A_383 : vector<16xf32>
      %mul3A_385 = arith.constant 5.000000e-01 : f32
      %mul3A_386 = vector.broadcast %mul3A_385 : f32 to vector<16xf32>
      %mul3A_387 = arith.mulf %mul3A_386, %min3A_384 : vector<16xf32>
      %mul3A_388 = arith.mulf %mul3A_387, %min3A_384 : vector<16xf32>
      %sub3A_389 = arith.constant 1.000000e+00 : f32
      %sub3A_390 = vector.broadcast %sub3A_389 : f32 to vector<16xf32>
      %sub3A_391 = arith.subf %mul3A_388, %sub3A_390 : vector<16xf32>
      %max3A_392 = arith.constant 1.000000e+00 : f32
      %max3A_393 = vector.broadcast %max3A_392 : f32 to vector<16xf32>
      %max3A_394 = arith.maximumf %abs3A_381, %max3A_393 : vector<16xf32>
      %add3A_395 = arith.addf %sub3A_391, %max3A_394 : vector<16xf32>
      %add3A_396 = arith.addf %add3A_360, %add3A_395 : vector<16xf32>
      scf.yield %add3A_396 : vector<16xf32>
    }
    %scan3A_164 = arith.constant 256 : i32
    %add3A_165 = arith.constant 24 : i32
    %add3A_166 = arith.addi %mul3A_2, %add3A_165 : i32
    %mul3A_167 = arith.constant 16384 : i32
    %mul3A_168 = arith.muli %add3A_166, %mul3A_167 : i32
    %dma_wait3A_169 = arith.constant 3 : i32
    %dma_wait3A_170 = arith.constant 0 : i32
    %dma_wait3A_171 = tpu.memref_slice %arg12[%dma_wait3A_169, %dma_wait3A_170] : memref<8x4096xf32, #tpu.memory_space<vmem>> -> memref<1x4096xf32, #tpu.memory_space<vmem>>
    %dma_wait3A_172 = tpu.memref_squeeze %dma_wait3A_171 : memref<1x4096xf32, #tpu.memory_space<vmem>> -> memref<4096xf32, #tpu.memory_space<vmem>>
    %dma_wait3A_173 = tpu.memref_slice %arg2[%mul3A_168] : memref<33554432xf32, #tpu.memory_space<hbm>> -> memref<131072xf32, #tpu.memory_space<hbm>>
    %dma_wait3A_174 = arith.constant 0 : i32
    %dma_wait3A_175 = tpu.memref_slice %dma_wait3A_173[%dma_wait3A_174] : memref<131072xf32, #tpu.memory_space<hbm>> -> memref<131072xf32, #tpu.memory_space<hbm>>
    tpu.wait_indirect_dma semaphore(%arg17 : memref<!tpu.dma_semaphore, #tpu.memory_space<semaphore_mem>>) src(%dma_wait3A_175 : memref<131072xf32, #tpu.memory_space<hbm>>) dst(%dma_wait3A_172 : memref<4096xf32, #tpu.memory_space<vmem>>)
    %scan3A_176 = arith.constant 0 : i32
    %scan3A_177 = arith.constant 256 : i32
    %scan3A_178 = arith.addi %scan3A_176, %scan3A_177 : i32
    %scan3A_179 = arith.constant 4 : i32
    %scan3A_180 = scf.for %scan3A_258 = %scan3A_176 to %scan3A_178 step %scan3A_179 iter_args(%scan3A_259 = %scan3A_163) -> (vector<16xf32>)  : i32 {
      %mul3A_260 = arith.constant 16 : i32
      %mul3A_261 = arith.muli %scan3A_258, %mul3A_260 : i32
      %get3A = arith.constant 3 : i32
      %get3A_262 = arith.index_cast %get3A : i32 to index
      %get3A_263 = arith.index_cast %mul3A_261 : i32 to index
      %get3A_264 = tpu.vector_load %arg12[%get3A_262, %get3A_263] {strides = array<i32>} : memref<8x4096xf32, #tpu.memory_space<vmem>>, vector<16xf32>,
      %mul3A_265 = arith.constant 16 : i32
      %mul3A_266 = arith.muli %scan3A_258, %mul3A_265 : i32
      %add3A_267 = arith.constant 12288 : i32
      %add3A_268 = arith.addi %add3A_267, %mul3A_266 : i32
      %get3A_269 = arith.index_cast %add3A_268 : i32 to index
      %get3A_270 = tpu.vector_load %arg11[%get3A_269] {strides = array<i32>} : memref<32768xf32, #tpu.memory_space<vmem>>, vector<16xf32>,
      %mul3A_271 = arith.constant 16 : i32
      %mul3A_272 = arith.muli %scan3A_258, %mul3A_271 : i32
      %get3A_273 = arith.index_cast %mul3A_272 : i32 to index
      %get3A_274 = tpu.vector_load %arg10[%get3A_273] {strides = array<i32>} : memref<4096xf32, #tpu.memory_space<vmem>>, vector<16xf32>,
      %sub3A = arith.subf %get3A_264, %get3A_270 : vector<16xf32>
      %mul3A_275 = arith.mulf %sub3A, %get3A_274 : vector<16xf32>
      %abs3A = math.absf %mul3A_275 : vector<16xf32>
      %min3A = arith.constant 1.000000e+00 : f32
      %min3A_276 = vector.broadcast %min3A : f32 to vector<16xf32>
      %min3A_277 = arith.minimumf %abs3A, %min3A_276 : vector<16xf32>
      %mul3A_278 = arith.constant 5.000000e-01 : f32
      %mul3A_279 = vector.broadcast %mul3A_278 : f32 to vector<16xf32>
      %mul3A_280 = arith.mulf %mul3A_279, %min3A_277 : vector<16xf32>
      %mul3A_281 = arith.mulf %mul3A_280, %min3A_277 : vector<16xf32>
      %sub3A_282 = arith.constant 1.000000e+00 : f32
      %sub3A_283 = vector.broadcast %sub3A_282 : f32 to vector<16xf32>
      %sub3A_284 = arith.subf %mul3A_281, %sub3A_283 : vector<16xf32>
      %max3A = arith.constant 1.000000e+00 : f32
      %max3A_285 = vector.broadcast %max3A : f32 to vector<16xf32>
      %max3A_286 = arith.maximumf %abs3A, %max3A_285 : vector<16xf32>
      %add3A_287 = arith.addf %sub3A_284, %max3A_286 : vector<16xf32>
      %add3A_288 = arith.addf %scan3A_259, %add3A_287 : vector<16xf32>
      %scan3A_289 = arith.constant 1 : i32
      %scan3A_290 = arith.addi %scan3A_258, %scan3A_289 : i32
      %mul3A_291 = arith.constant 16 : i32
      %mul3A_292 = arith.muli %scan3A_290, %mul3A_291 : i32
      %get3A_293 = arith.constant 3 : i32
      %get3A_294 = arith.index_cast %get3A_293 : i32 to index
      %get3A_295 = arith.index_cast %mul3A_292 : i32 to index
      %get3A_296 = tpu.vector_load %arg12[%get3A_294, %get3A_295] {strides = array<i32>} : memref<8x4096xf32, #tpu.memory_space<vmem>>, vector<16xf32>,
      %mul3A_297 = arith.constant 16 : i32
      %mul3A_298 = arith.muli %scan3A_290, %mul3A_297 : i32
      %add3A_299 = arith.constant 12288 : i32
      %add3A_300 = arith.addi %add3A_299, %mul3A_298 : i32
      %get3A_301 = arith.index_cast %add3A_300 : i32 to index
      %get3A_302 = tpu.vector_load %arg11[%get3A_301] {strides = array<i32>} : memref<32768xf32, #tpu.memory_space<vmem>>, vector<16xf32>,
      %mul3A_303 = arith.constant 16 : i32
      %mul3A_304 = arith.muli %scan3A_290, %mul3A_303 : i32
      %get3A_305 = arith.index_cast %mul3A_304 : i32 to index
      %get3A_306 = tpu.vector_load %arg10[%get3A_305] {strides = array<i32>} : memref<4096xf32, #tpu.memory_space<vmem>>, vector<16xf32>,
      %sub3A_307 = arith.subf %get3A_296, %get3A_302 : vector<16xf32>
      %mul3A_308 = arith.mulf %sub3A_307, %get3A_306 : vector<16xf32>
      %abs3A_309 = math.absf %mul3A_308 : vector<16xf32>
      %min3A_310 = arith.constant 1.000000e+00 : f32
      %min3A_311 = vector.broadcast %min3A_310 : f32 to vector<16xf32>
      %min3A_312 = arith.minimumf %abs3A_309, %min3A_311 : vector<16xf32>
      %mul3A_313 = arith.constant 5.000000e-01 : f32
      %mul3A_314 = vector.broadcast %mul3A_313 : f32 to vector<16xf32>
      %mul3A_315 = arith.mulf %mul3A_314, %min3A_312 : vector<16xf32>
      %mul3A_316 = arith.mulf %mul3A_315, %min3A_312 : vector<16xf32>
      %sub3A_317 = arith.constant 1.000000e+00 : f32
      %sub3A_318 = vector.broadcast %sub3A_317 : f32 to vector<16xf32>
      %sub3A_319 = arith.subf %mul3A_316, %sub3A_318 : vector<16xf32>
      %max3A_320 = arith.constant 1.000000e+00 : f32
      %max3A_321 = vector.broadcast %max3A_320 : f32 to vector<16xf32>
      %max3A_322 = arith.maximumf %abs3A_309, %max3A_321 : vector<16xf32>
      %add3A_323 = arith.addf %sub3A_319, %max3A_322 : vector<16xf32>
      %add3A_324 = arith.addf %add3A_288, %add3A_323 : vector<16xf32>
      %scan3A_325 = arith.constant 2 : i32
      %scan3A_326 = arith.addi %scan3A_258, %scan3A_325 : i32
      %mul3A_327 = arith.constant 16 : i32
      %mul3A_328 = arith.muli %scan3A_326, %mul3A_327 : i32
      %get3A_329 = arith.constant 3 : i32
      %get3A_330 = arith.index_cast %get3A_329 : i32 to index
      %get3A_331 = arith.index_cast %mul3A_328 : i32 to index
      %get3A_332 = tpu.vector_load %arg12[%get3A_330, %get3A_331] {strides = array<i32>} : memref<8x4096xf32, #tpu.memory_space<vmem>>, vector<16xf32>,
      %mul3A_333 = arith.constant 16 : i32
      %mul3A_334 = arith.muli %scan3A_326, %mul3A_333 : i32
      %add3A_335 = arith.constant 12288 : i32
      %add3A_336 = arith.addi %add3A_335, %mul3A_334 : i32
      %get3A_337 = arith.index_cast %add3A_336 : i32 to index
      %get3A_338 = tpu.vector_load %arg11[%get3A_337] {strides = array<i32>} : memref<32768xf32, #tpu.memory_space<vmem>>, vector<16xf32>,
      %mul3A_339 = arith.constant 16 : i32
      %mul3A_340 = arith.muli %scan3A_326, %mul3A_339 : i32
      %get3A_341 = arith.index_cast %mul3A_340 : i32 to index
      %get3A_342 = tpu.vector_load %arg10[%get3A_341] {strides = array<i32>} : memref<4096xf32, #tpu.memory_space<vmem>>, vector<16xf32>,
      %sub3A_343 = arith.subf %get3A_332, %get3A_338 : vector<16xf32>
      %mul3A_344 = arith.mulf %sub3A_343, %get3A_342 : vector<16xf32>
      %abs3A_345 = math.absf %mul3A_344 : vector<16xf32>
      %min3A_346 = arith.constant 1.000000e+00 : f32
      %min3A_347 = vector.broadcast %min3A_346 : f32 to vector<16xf32>
      %min3A_348 = arith.minimumf %abs3A_345, %min3A_347 : vector<16xf32>
      %mul3A_349 = arith.constant 5.000000e-01 : f32
      %mul3A_350 = vector.broadcast %mul3A_349 : f32 to vector<16xf32>
      %mul3A_351 = arith.mulf %mul3A_350, %min3A_348 : vector<16xf32>
      %mul3A_352 = arith.mulf %mul3A_351, %min3A_348 : vector<16xf32>
      %sub3A_353 = arith.constant 1.000000e+00 : f32
      %sub3A_354 = vector.broadcast %sub3A_353 : f32 to vector<16xf32>
      %sub3A_355 = arith.subf %mul3A_352, %sub3A_354 : vector<16xf32>
      %max3A_356 = arith.constant 1.000000e+00 : f32
      %max3A_357 = vector.broadcast %max3A_356 : f32 to vector<16xf32>
      %max3A_358 = arith.maximumf %abs3A_345, %max3A_357 : vector<16xf32>
      %add3A_359 = arith.addf %sub3A_355, %max3A_358 : vector<16xf32>
      %add3A_360 = arith.addf %add3A_324, %add3A_359 : vector<16xf32>
      %scan3A_361 = arith.constant 3 : i32
      %scan3A_362 = arith.addi %scan3A_258, %scan3A_361 : i32
      %mul3A_363 = arith.constant 16 : i32
      %mul3A_364 = arith.muli %scan3A_362, %mul3A_363 : i32
      %get3A_365 = arith.constant 3 : i32
      %get3A_366 = arith.index_cast %get3A_365 : i32 to index
      %get3A_367 = arith.index_cast %mul3A_364 : i32 to index
      %get3A_368 = tpu.vector_load %arg12[%get3A_366, %get3A_367] {strides = array<i32>} : memref<8x4096xf32, #tpu.memory_space<vmem>>, vector<16xf32>,
      %mul3A_369 = arith.constant 16 : i32
      %mul3A_370 = arith.muli %scan3A_362, %mul3A_369 : i32
      %add3A_371 = arith.constant 12288 : i32
      %add3A_372 = arith.addi %add3A_371, %mul3A_370 : i32
      %get3A_373 = arith.index_cast %add3A_372 : i32 to index
      %get3A_374 = tpu.vector_load %arg11[%get3A_373] {strides = array<i32>} : memref<32768xf32, #tpu.memory_space<vmem>>, vector<16xf32>,
      %mul3A_375 = arith.constant 16 : i32
      %mul3A_376 = arith.muli %scan3A_362, %mul3A_375 : i32
      %get3A_377 = arith.index_cast %mul3A_376 : i32 to index
      %get3A_378 = tpu.vector_load %arg10[%get3A_377] {strides = array<i32>} : memref<4096xf32, #tpu.memory_space<vmem>>, vector<16xf32>,
      %sub3A_379 = arith.subf %get3A_368, %get3A_374 : vector<16xf32>
      %mul3A_380 = arith.mulf %sub3A_379, %get3A_378 : vector<16xf32>
      %abs3A_381 = math.absf %mul3A_380 : vector<16xf32>
      %min3A_382 = arith.constant 1.000000e+00 : f32
      %min3A_383 = vector.broadcast %min3A_382 : f32 to vector<16xf32>
      %min3A_384 = arith.minimumf %abs3A_381, %min3A_383 : vector<16xf32>
      %mul3A_385 = arith.constant 5.000000e-01 : f32
      %mul3A_386 = vector.broadcast %mul3A_385 : f32 to vector<16xf32>
      %mul3A_387 = arith.mulf %mul3A_386, %min3A_384 : vector<16xf32>
      %mul3A_388 = arith.mulf %mul3A_387, %min3A_384 : vector<16xf32>
      %sub3A_389 = arith.constant 1.000000e+00 : f32
      %sub3A_390 = vector.broadcast %sub3A_389 : f32 to vector<16xf32>
      %sub3A_391 = arith.subf %mul3A_388, %sub3A_390 : vector<16xf32>
      %max3A_392 = arith.constant 1.000000e+00 : f32
      %max3A_393 = vector.broadcast %max3A_392 : f32 to vector<16xf32>
      %max3A_394 = arith.maximumf %abs3A_381, %max3A_393 : vector<16xf32>
      %add3A_395 = arith.addf %sub3A_391, %max3A_394 : vector<16xf32>
      %add3A_396 = arith.addf %add3A_360, %add3A_395 : vector<16xf32>
      scf.yield %add3A_396 : vector<16xf32>
    }
    %scan3A_181 = arith.constant 256 : i32
    %add3A_182 = arith.constant 32 : i32
    %add3A_183 = arith.addi %mul3A_2, %add3A_182 : i32
    %mul3A_184 = arith.constant 16384 : i32
    %mul3A_185 = arith.muli %add3A_183, %mul3A_184 : i32
    %dma_wait3A_186 = arith.constant 4 : i32
    %dma_wait3A_187 = arith.constant 0 : i32
    %dma_wait3A_188 = tpu.memref_slice %arg12[%dma_wait3A_186, %dma_wait3A_187] : memref<8x4096xf32, #tpu.memory_space<vmem>> -> memref<1x4096xf32, #tpu.memory_space<vmem>>
    %dma_wait3A_189 = tpu.memref_squeeze %dma_wait3A_188 : memref<1x4096xf32, #tpu.memory_space<vmem>> -> memref<4096xf32, #tpu.memory_space<vmem>>
    %dma_wait3A_190 = tpu.memref_slice %arg2[%mul3A_185] : memref<33554432xf32, #tpu.memory_space<hbm>> -> memref<131072xf32, #tpu.memory_space<hbm>>
    %dma_wait3A_191 = arith.constant 0 : i32
    %dma_wait3A_192 = tpu.memref_slice %dma_wait3A_190[%dma_wait3A_191] : memref<131072xf32, #tpu.memory_space<hbm>> -> memref<131072xf32, #tpu.memory_space<hbm>>
    tpu.wait_indirect_dma semaphore(%arg18 : memref<!tpu.dma_semaphore, #tpu.memory_space<semaphore_mem>>) src(%dma_wait3A_192 : memref<131072xf32, #tpu.memory_space<hbm>>) dst(%dma_wait3A_189 : memref<4096xf32, #tpu.memory_space<vmem>>)
    %scan3A_193 = arith.constant 0 : i32
    %scan3A_194 = arith.constant 256 : i32
    %scan3A_195 = arith.addi %scan3A_193, %scan3A_194 : i32
    %scan3A_196 = arith.constant 4 : i32
    %scan3A_197 = scf.for %scan3A_258 = %scan3A_193 to %scan3A_195 step %scan3A_196 iter_args(%scan3A_259 = %scan3A_180) -> (vector<16xf32>)  : i32 {
      %mul3A_260 = arith.constant 16 : i32
      %mul3A_261 = arith.muli %scan3A_258, %mul3A_260 : i32
      %get3A = arith.constant 4 : i32
      %get3A_262 = arith.index_cast %get3A : i32 to index
      %get3A_263 = arith.index_cast %mul3A_261 : i32 to index
      %get3A_264 = tpu.vector_load %arg12[%get3A_262, %get3A_263] {strides = array<i32>} : memref<8x4096xf32, #tpu.memory_space<vmem>>, vector<16xf32>,
      %mul3A_265 = arith.constant 16 : i32
      %mul3A_266 = arith.muli %scan3A_258, %mul3A_265 : i32
      %add3A_267 = arith.constant 16384 : i32
      %add3A_268 = arith.addi %add3A_267, %mul3A_266 : i32
      %get3A_269 = arith.index_cast %add3A_268 : i32 to index
      %get3A_270 = tpu.vector_load %arg11[%get3A_269] {strides = array<i32>} : memref<32768xf32, #tpu.memory_space<vmem>>, vector<16xf32>,
      %mul3A_271 = arith.constant 16 : i32
      %mul3A_272 = arith.muli %scan3A_258, %mul3A_271 : i32
      %get3A_273 = arith.index_cast %mul3A_272 : i32 to index
      %get3A_274 = tpu.vector_load %arg10[%get3A_273] {strides = array<i32>} : memref<4096xf32, #tpu.memory_space<vmem>>, vector<16xf32>,
      %sub3A = arith.subf %get3A_264, %get3A_270 : vector<16xf32>
      %mul3A_275 = arith.mulf %sub3A, %get3A_274 : vector<16xf32>
      %abs3A = math.absf %mul3A_275 : vector<16xf32>
      %min3A = arith.constant 1.000000e+00 : f32
      %min3A_276 = vector.broadcast %min3A : f32 to vector<16xf32>
      %min3A_277 = arith.minimumf %abs3A, %min3A_276 : vector<16xf32>
      %mul3A_278 = arith.constant 5.000000e-01 : f32
      %mul3A_279 = vector.broadcast %mul3A_278 : f32 to vector<16xf32>
      %mul3A_280 = arith.mulf %mul3A_279, %min3A_277 : vector<16xf32>
      %mul3A_281 = arith.mulf %mul3A_280, %min3A_277 : vector<16xf32>
      %sub3A_282 = arith.constant 1.000000e+00 : f32
      %sub3A_283 = vector.broadcast %sub3A_282 : f32 to vector<16xf32>
      %sub3A_284 = arith.subf %mul3A_281, %sub3A_283 : vector<16xf32>
      %max3A = arith.constant 1.000000e+00 : f32
      %max3A_285 = vector.broadcast %max3A : f32 to vector<16xf32>
      %max3A_286 = arith.maximumf %abs3A, %max3A_285 : vector<16xf32>
      %add3A_287 = arith.addf %sub3A_284, %max3A_286 : vector<16xf32>
      %add3A_288 = arith.addf %scan3A_259, %add3A_287 : vector<16xf32>
      %scan3A_289 = arith.constant 1 : i32
      %scan3A_290 = arith.addi %scan3A_258, %scan3A_289 : i32
      %mul3A_291 = arith.constant 16 : i32
      %mul3A_292 = arith.muli %scan3A_290, %mul3A_291 : i32
      %get3A_293 = arith.constant 4 : i32
      %get3A_294 = arith.index_cast %get3A_293 : i32 to index
      %get3A_295 = arith.index_cast %mul3A_292 : i32 to index
      %get3A_296 = tpu.vector_load %arg12[%get3A_294, %get3A_295] {strides = array<i32>} : memref<8x4096xf32, #tpu.memory_space<vmem>>, vector<16xf32>,
      %mul3A_297 = arith.constant 16 : i32
      %mul3A_298 = arith.muli %scan3A_290, %mul3A_297 : i32
      %add3A_299 = arith.constant 16384 : i32
      %add3A_300 = arith.addi %add3A_299, %mul3A_298 : i32
      %get3A_301 = arith.index_cast %add3A_300 : i32 to index
      %get3A_302 = tpu.vector_load %arg11[%get3A_301] {strides = array<i32>} : memref<32768xf32, #tpu.memory_space<vmem>>, vector<16xf32>,
      %mul3A_303 = arith.constant 16 : i32
      %mul3A_304 = arith.muli %scan3A_290, %mul3A_303 : i32
      %get3A_305 = arith.index_cast %mul3A_304 : i32 to index
      %get3A_306 = tpu.vector_load %arg10[%get3A_305] {strides = array<i32>} : memref<4096xf32, #tpu.memory_space<vmem>>, vector<16xf32>,
      %sub3A_307 = arith.subf %get3A_296, %get3A_302 : vector<16xf32>
      %mul3A_308 = arith.mulf %sub3A_307, %get3A_306 : vector<16xf32>
      %abs3A_309 = math.absf %mul3A_308 : vector<16xf32>
      %min3A_310 = arith.constant 1.000000e+00 : f32
      %min3A_311 = vector.broadcast %min3A_310 : f32 to vector<16xf32>
      %min3A_312 = arith.minimumf %abs3A_309, %min3A_311 : vector<16xf32>
      %mul3A_313 = arith.constant 5.000000e-01 : f32
      %mul3A_314 = vector.broadcast %mul3A_313 : f32 to vector<16xf32>
      %mul3A_315 = arith.mulf %mul3A_314, %min3A_312 : vector<16xf32>
      %mul3A_316 = arith.mulf %mul3A_315, %min3A_312 : vector<16xf32>
      %sub3A_317 = arith.constant 1.000000e+00 : f32
      %sub3A_318 = vector.broadcast %sub3A_317 : f32 to vector<16xf32>
      %sub3A_319 = arith.subf %mul3A_316, %sub3A_318 : vector<16xf32>
      %max3A_320 = arith.constant 1.000000e+00 : f32
      %max3A_321 = vector.broadcast %max3A_320 : f32 to vector<16xf32>
      %max3A_322 = arith.maximumf %abs3A_309, %max3A_321 : vector<16xf32>
      %add3A_323 = arith.addf %sub3A_319, %max3A_322 : vector<16xf32>
      %add3A_324 = arith.addf %add3A_288, %add3A_323 : vector<16xf32>
      %scan3A_325 = arith.constant 2 : i32
      %scan3A_326 = arith.addi %scan3A_258, %scan3A_325 : i32
      %mul3A_327 = arith.constant 16 : i32
      %mul3A_328 = arith.muli %scan3A_326, %mul3A_327 : i32
      %get3A_329 = arith.constant 4 : i32
      %get3A_330 = arith.index_cast %get3A_329 : i32 to index
      %get3A_331 = arith.index_cast %mul3A_328 : i32 to index
      %get3A_332 = tpu.vector_load %arg12[%get3A_330, %get3A_331] {strides = array<i32>} : memref<8x4096xf32, #tpu.memory_space<vmem>>, vector<16xf32>,
      %mul3A_333 = arith.constant 16 : i32
      %mul3A_334 = arith.muli %scan3A_326, %mul3A_333 : i32
      %add3A_335 = arith.constant 16384 : i32
      %add3A_336 = arith.addi %add3A_335, %mul3A_334 : i32
      %get3A_337 = arith.index_cast %add3A_336 : i32 to index
      %get3A_338 = tpu.vector_load %arg11[%get3A_337] {strides = array<i32>} : memref<32768xf32, #tpu.memory_space<vmem>>, vector<16xf32>,
      %mul3A_339 = arith.constant 16 : i32
      %mul3A_340 = arith.muli %scan3A_326, %mul3A_339 : i32
      %get3A_341 = arith.index_cast %mul3A_340 : i32 to index
      %get3A_342 = tpu.vector_load %arg10[%get3A_341] {strides = array<i32>} : memref<4096xf32, #tpu.memory_space<vmem>>, vector<16xf32>,
      %sub3A_343 = arith.subf %get3A_332, %get3A_338 : vector<16xf32>
      %mul3A_344 = arith.mulf %sub3A_343, %get3A_342 : vector<16xf32>
      %abs3A_345 = math.absf %mul3A_344 : vector<16xf32>
      %min3A_346 = arith.constant 1.000000e+00 : f32
      %min3A_347 = vector.broadcast %min3A_346 : f32 to vector<16xf32>
      %min3A_348 = arith.minimumf %abs3A_345, %min3A_347 : vector<16xf32>
      %mul3A_349 = arith.constant 5.000000e-01 : f32
      %mul3A_350 = vector.broadcast %mul3A_349 : f32 to vector<16xf32>
      %mul3A_351 = arith.mulf %mul3A_350, %min3A_348 : vector<16xf32>
      %mul3A_352 = arith.mulf %mul3A_351, %min3A_348 : vector<16xf32>
      %sub3A_353 = arith.constant 1.000000e+00 : f32
      %sub3A_354 = vector.broadcast %sub3A_353 : f32 to vector<16xf32>
      %sub3A_355 = arith.subf %mul3A_352, %sub3A_354 : vector<16xf32>
      %max3A_356 = arith.constant 1.000000e+00 : f32
      %max3A_357 = vector.broadcast %max3A_356 : f32 to vector<16xf32>
      %max3A_358 = arith.maximumf %abs3A_345, %max3A_357 : vector<16xf32>
      %add3A_359 = arith.addf %sub3A_355, %max3A_358 : vector<16xf32>
      %add3A_360 = arith.addf %add3A_324, %add3A_359 : vector<16xf32>
      %scan3A_361 = arith.constant 3 : i32
      %scan3A_362 = arith.addi %scan3A_258, %scan3A_361 : i32
      %mul3A_363 = arith.constant 16 : i32
      %mul3A_364 = arith.muli %scan3A_362, %mul3A_363 : i32
      %get3A_365 = arith.constant 4 : i32
      %get3A_366 = arith.index_cast %get3A_365 : i32 to index
      %get3A_367 = arith.index_cast %mul3A_364 : i32 to index
      %get3A_368 = tpu.vector_load %arg12[%get3A_366, %get3A_367] {strides = array<i32>} : memref<8x4096xf32, #tpu.memory_space<vmem>>, vector<16xf32>,
      %mul3A_369 = arith.constant 16 : i32
      %mul3A_370 = arith.muli %scan3A_362, %mul3A_369 : i32
      %add3A_371 = arith.constant 16384 : i32
      %add3A_372 = arith.addi %add3A_371, %mul3A_370 : i32
      %get3A_373 = arith.index_cast %add3A_372 : i32 to index
      %get3A_374 = tpu.vector_load %arg11[%get3A_373] {strides = array<i32>} : memref<32768xf32, #tpu.memory_space<vmem>>, vector<16xf32>,
      %mul3A_375 = arith.constant 16 : i32
      %mul3A_376 = arith.muli %scan3A_362, %mul3A_375 : i32
      %get3A_377 = arith.index_cast %mul3A_376 : i32 to index
      %get3A_378 = tpu.vector_load %arg10[%get3A_377] {strides = array<i32>} : memref<4096xf32, #tpu.memory_space<vmem>>, vector<16xf32>,
      %sub3A_379 = arith.subf %get3A_368, %get3A_374 : vector<16xf32>
      %mul3A_380 = arith.mulf %sub3A_379, %get3A_378 : vector<16xf32>
      %abs3A_381 = math.absf %mul3A_380 : vector<16xf32>
      %min3A_382 = arith.constant 1.000000e+00 : f32
      %min3A_383 = vector.broadcast %min3A_382 : f32 to vector<16xf32>
      %min3A_384 = arith.minimumf %abs3A_381, %min3A_383 : vector<16xf32>
      %mul3A_385 = arith.constant 5.000000e-01 : f32
      %mul3A_386 = vector.broadcast %mul3A_385 : f32 to vector<16xf32>
      %mul3A_387 = arith.mulf %mul3A_386, %min3A_384 : vector<16xf32>
      %mul3A_388 = arith.mulf %mul3A_387, %min3A_384 : vector<16xf32>
      %sub3A_389 = arith.constant 1.000000e+00 : f32
      %sub3A_390 = vector.broadcast %sub3A_389 : f32 to vector<16xf32>
      %sub3A_391 = arith.subf %mul3A_388, %sub3A_390 : vector<16xf32>
      %max3A_392 = arith.constant 1.000000e+00 : f32
      %max3A_393 = vector.broadcast %max3A_392 : f32 to vector<16xf32>
      %max3A_394 = arith.maximumf %abs3A_381, %max3A_393 : vector<16xf32>
      %add3A_395 = arith.addf %sub3A_391, %max3A_394 : vector<16xf32>
      %add3A_396 = arith.addf %add3A_360, %add3A_395 : vector<16xf32>
      scf.yield %add3A_396 : vector<16xf32>
    }
    %scan3A_198 = arith.constant 256 : i32
    %add3A_199 = arith.constant 40 : i32
    %add3A_200 = arith.addi %mul3A_2, %add3A_199 : i32
    %mul3A_201 = arith.constant 16384 : i32
    %mul3A_202 = arith.muli %add3A_200, %mul3A_201 : i32
    %dma_wait3A_203 = arith.constant 5 : i32
    %dma_wait3A_204 = arith.constant 0 : i32
    %dma_wait3A_205 = tpu.memref_slice %arg12[%dma_wait3A_203, %dma_wait3A_204] : memref<8x4096xf32, #tpu.memory_space<vmem>> -> memref<1x4096xf32, #tpu.memory_space<vmem>>
    %dma_wait3A_206 = tpu.memref_squeeze %dma_wait3A_205 : memref<1x4096xf32, #tpu.memory_space<vmem>> -> memref<4096xf32, #tpu.memory_space<vmem>>
    %dma_wait3A_207 = tpu.memref_slice %arg2[%mul3A_202] : memref<33554432xf32, #tpu.memory_space<hbm>> -> memref<131072xf32, #tpu.memory_space<hbm>>
    %dma_wait3A_208 = arith.constant 0 : i32
    %dma_wait3A_209 = tpu.memref_slice %dma_wait3A_207[%dma_wait3A_208] : memref<131072xf32, #tpu.memory_space<hbm>> -> memref<131072xf32, #tpu.memory_space<hbm>>
    tpu.wait_indirect_dma semaphore(%arg19 : memref<!tpu.dma_semaphore, #tpu.memory_space<semaphore_mem>>) src(%dma_wait3A_209 : memref<131072xf32, #tpu.memory_space<hbm>>) dst(%dma_wait3A_206 : memref<4096xf32, #tpu.memory_space<vmem>>)
    %scan3A_210 = arith.constant 0 : i32
    %scan3A_211 = arith.constant 256 : i32
    %scan3A_212 = arith.addi %scan3A_210, %scan3A_211 : i32
    %scan3A_213 = arith.constant 4 : i32
    %scan3A_214 = scf.for %scan3A_258 = %scan3A_210 to %scan3A_212 step %scan3A_213 iter_args(%scan3A_259 = %scan3A_197) -> (vector<16xf32>)  : i32 {
      %mul3A_260 = arith.constant 16 : i32
      %mul3A_261 = arith.muli %scan3A_258, %mul3A_260 : i32
      %get3A = arith.constant 5 : i32
      %get3A_262 = arith.index_cast %get3A : i32 to index
      %get3A_263 = arith.index_cast %mul3A_261 : i32 to index
      %get3A_264 = tpu.vector_load %arg12[%get3A_262, %get3A_263] {strides = array<i32>} : memref<8x4096xf32, #tpu.memory_space<vmem>>, vector<16xf32>,
      %mul3A_265 = arith.constant 16 : i32
      %mul3A_266 = arith.muli %scan3A_258, %mul3A_265 : i32
      %add3A_267 = arith.constant 20480 : i32
      %add3A_268 = arith.addi %add3A_267, %mul3A_266 : i32
      %get3A_269 = arith.index_cast %add3A_268 : i32 to index
      %get3A_270 = tpu.vector_load %arg11[%get3A_269] {strides = array<i32>} : memref<32768xf32, #tpu.memory_space<vmem>>, vector<16xf32>,
      %mul3A_271 = arith.constant 16 : i32
      %mul3A_272 = arith.muli %scan3A_258, %mul3A_271 : i32
      %get3A_273 = arith.index_cast %mul3A_272 : i32 to index
      %get3A_274 = tpu.vector_load %arg10[%get3A_273] {strides = array<i32>} : memref<4096xf32, #tpu.memory_space<vmem>>, vector<16xf32>,
      %sub3A = arith.subf %get3A_264, %get3A_270 : vector<16xf32>
      %mul3A_275 = arith.mulf %sub3A, %get3A_274 : vector<16xf32>
      %abs3A = math.absf %mul3A_275 : vector<16xf32>
      %min3A = arith.constant 1.000000e+00 : f32
      %min3A_276 = vector.broadcast %min3A : f32 to vector<16xf32>
      %min3A_277 = arith.minimumf %abs3A, %min3A_276 : vector<16xf32>
      %mul3A_278 = arith.constant 5.000000e-01 : f32
      %mul3A_279 = vector.broadcast %mul3A_278 : f32 to vector<16xf32>
      %mul3A_280 = arith.mulf %mul3A_279, %min3A_277 : vector<16xf32>
      %mul3A_281 = arith.mulf %mul3A_280, %min3A_277 : vector<16xf32>
      %sub3A_282 = arith.constant 1.000000e+00 : f32
      %sub3A_283 = vector.broadcast %sub3A_282 : f32 to vector<16xf32>
      %sub3A_284 = arith.subf %mul3A_281, %sub3A_283 : vector<16xf32>
      %max3A = arith.constant 1.000000e+00 : f32
      %max3A_285 = vector.broadcast %max3A : f32 to vector<16xf32>
      %max3A_286 = arith.maximumf %abs3A, %max3A_285 : vector<16xf32>
      %add3A_287 = arith.addf %sub3A_284, %max3A_286 : vector<16xf32>
      %add3A_288 = arith.addf %scan3A_259, %add3A_287 : vector<16xf32>
      %scan3A_289 = arith.constant 1 : i32
      %scan3A_290 = arith.addi %scan3A_258, %scan3A_289 : i32
      %mul3A_291 = arith.constant 16 : i32
      %mul3A_292 = arith.muli %scan3A_290, %mul3A_291 : i32
      %get3A_293 = arith.constant 5 : i32
      %get3A_294 = arith.index_cast %get3A_293 : i32 to index
      %get3A_295 = arith.index_cast %mul3A_292 : i32 to index
      %get3A_296 = tpu.vector_load %arg12[%get3A_294, %get3A_295] {strides = array<i32>} : memref<8x4096xf32, #tpu.memory_space<vmem>>, vector<16xf32>,
      %mul3A_297 = arith.constant 16 : i32
      %mul3A_298 = arith.muli %scan3A_290, %mul3A_297 : i32
      %add3A_299 = arith.constant 20480 : i32
      %add3A_300 = arith.addi %add3A_299, %mul3A_298 : i32
      %get3A_301 = arith.index_cast %add3A_300 : i32 to index
      %get3A_302 = tpu.vector_load %arg11[%get3A_301] {strides = array<i32>} : memref<32768xf32, #tpu.memory_space<vmem>>, vector<16xf32>,
      %mul3A_303 = arith.constant 16 : i32
      %mul3A_304 = arith.muli %scan3A_290, %mul3A_303 : i32
      %get3A_305 = arith.index_cast %mul3A_304 : i32 to index
      %get3A_306 = tpu.vector_load %arg10[%get3A_305] {strides = array<i32>} : memref<4096xf32, #tpu.memory_space<vmem>>, vector<16xf32>,
      %sub3A_307 = arith.subf %get3A_296, %get3A_302 : vector<16xf32>
      %mul3A_308 = arith.mulf %sub3A_307, %get3A_306 : vector<16xf32>
      %abs3A_309 = math.absf %mul3A_308 : vector<16xf32>
      %min3A_310 = arith.constant 1.000000e+00 : f32
      %min3A_311 = vector.broadcast %min3A_310 : f32 to vector<16xf32>
      %min3A_312 = arith.minimumf %abs3A_309, %min3A_311 : vector<16xf32>
      %mul3A_313 = arith.constant 5.000000e-01 : f32
      %mul3A_314 = vector.broadcast %mul3A_313 : f32 to vector<16xf32>
      %mul3A_315 = arith.mulf %mul3A_314, %min3A_312 : vector<16xf32>
      %mul3A_316 = arith.mulf %mul3A_315, %min3A_312 : vector<16xf32>
      %sub3A_317 = arith.constant 1.000000e+00 : f32
      %sub3A_318 = vector.broadcast %sub3A_317 : f32 to vector<16xf32>
      %sub3A_319 = arith.subf %mul3A_316, %sub3A_318 : vector<16xf32>
      %max3A_320 = arith.constant 1.000000e+00 : f32
      %max3A_321 = vector.broadcast %max3A_320 : f32 to vector<16xf32>
      %max3A_322 = arith.maximumf %abs3A_309, %max3A_321 : vector<16xf32>
      %add3A_323 = arith.addf %sub3A_319, %max3A_322 : vector<16xf32>
      %add3A_324 = arith.addf %add3A_288, %add3A_323 : vector<16xf32>
      %scan3A_325 = arith.constant 2 : i32
      %scan3A_326 = arith.addi %scan3A_258, %scan3A_325 : i32
      %mul3A_327 = arith.constant 16 : i32
      %mul3A_328 = arith.muli %scan3A_326, %mul3A_327 : i32
      %get3A_329 = arith.constant 5 : i32
      %get3A_330 = arith.index_cast %get3A_329 : i32 to index
      %get3A_331 = arith.index_cast %mul3A_328 : i32 to index
      %get3A_332 = tpu.vector_load %arg12[%get3A_330, %get3A_331] {strides = array<i32>} : memref<8x4096xf32, #tpu.memory_space<vmem>>, vector<16xf32>,
      %mul3A_333 = arith.constant 16 : i32
      %mul3A_334 = arith.muli %scan3A_326, %mul3A_333 : i32
      %add3A_335 = arith.constant 20480 : i32
      %add3A_336 = arith.addi %add3A_335, %mul3A_334 : i32
      %get3A_337 = arith.index_cast %add3A_336 : i32 to index
      %get3A_338 = tpu.vector_load %arg11[%get3A_337] {strides = array<i32>} : memref<32768xf32, #tpu.memory_space<vmem>>, vector<16xf32>,
      %mul3A_339 = arith.constant 16 : i32
      %mul3A_340 = arith.muli %scan3A_326, %mul3A_339 : i32
      %get3A_341 = arith.index_cast %mul3A_340 : i32 to index
      %get3A_342 = tpu.vector_load %arg10[%get3A_341] {strides = array<i32>} : memref<4096xf32, #tpu.memory_space<vmem>>, vector<16xf32>,
      %sub3A_343 = arith.subf %get3A_332, %get3A_338 : vector<16xf32>
      %mul3A_344 = arith.mulf %sub3A_343, %get3A_342 : vector<16xf32>
      %abs3A_345 = math.absf %mul3A_344 : vector<16xf32>
      %min3A_346 = arith.constant 1.000000e+00 : f32
      %min3A_347 = vector.broadcast %min3A_346 : f32 to vector<16xf32>
      %min3A_348 = arith.minimumf %abs3A_345, %min3A_347 : vector<16xf32>
      %mul3A_349 = arith.constant 5.000000e-01 : f32
      %mul3A_350 = vector.broadcast %mul3A_349 : f32 to vector<16xf32>
      %mul3A_351 = arith.mulf %mul3A_350, %min3A_348 : vector<16xf32>
      %mul3A_352 = arith.mulf %mul3A_351, %min3A_348 : vector<16xf32>
      %sub3A_353 = arith.constant 1.000000e+00 : f32
      %sub3A_354 = vector.broadcast %sub3A_353 : f32 to vector<16xf32>
      %sub3A_355 = arith.subf %mul3A_352, %sub3A_354 : vector<16xf32>
      %max3A_356 = arith.constant 1.000000e+00 : f32
      %max3A_357 = vector.broadcast %max3A_356 : f32 to vector<16xf32>
      %max3A_358 = arith.maximumf %abs3A_345, %max3A_357 : vector<16xf32>
      %add3A_359 = arith.addf %sub3A_355, %max3A_358 : vector<16xf32>
      %add3A_360 = arith.addf %add3A_324, %add3A_359 : vector<16xf32>
      %scan3A_361 = arith.constant 3 : i32
      %scan3A_362 = arith.addi %scan3A_258, %scan3A_361 : i32
      %mul3A_363 = arith.constant 16 : i32
      %mul3A_364 = arith.muli %scan3A_362, %mul3A_363 : i32
      %get3A_365 = arith.constant 5 : i32
      %get3A_366 = arith.index_cast %get3A_365 : i32 to index
      %get3A_367 = arith.index_cast %mul3A_364 : i32 to index
      %get3A_368 = tpu.vector_load %arg12[%get3A_366, %get3A_367] {strides = array<i32>} : memref<8x4096xf32, #tpu.memory_space<vmem>>, vector<16xf32>,
      %mul3A_369 = arith.constant 16 : i32
      %mul3A_370 = arith.muli %scan3A_362, %mul3A_369 : i32
      %add3A_371 = arith.constant 20480 : i32
      %add3A_372 = arith.addi %add3A_371, %mul3A_370 : i32
      %get3A_373 = arith.index_cast %add3A_372 : i32 to index
      %get3A_374 = tpu.vector_load %arg11[%get3A_373] {strides = array<i32>} : memref<32768xf32, #tpu.memory_space<vmem>>, vector<16xf32>,
      %mul3A_375 = arith.constant 16 : i32
      %mul3A_376 = arith.muli %scan3A_362, %mul3A_375 : i32
      %get3A_377 = arith.index_cast %mul3A_376 : i32 to index
      %get3A_378 = tpu.vector_load %arg10[%get3A_377] {strides = array<i32>} : memref<4096xf32, #tpu.memory_space<vmem>>, vector<16xf32>,
      %sub3A_379 = arith.subf %get3A_368, %get3A_374 : vector<16xf32>
      %mul3A_380 = arith.mulf %sub3A_379, %get3A_378 : vector<16xf32>
      %abs3A_381 = math.absf %mul3A_380 : vector<16xf32>
      %min3A_382 = arith.constant 1.000000e+00 : f32
      %min3A_383 = vector.broadcast %min3A_382 : f32 to vector<16xf32>
      %min3A_384 = arith.minimumf %abs3A_381, %min3A_383 : vector<16xf32>
      %mul3A_385 = arith.constant 5.000000e-01 : f32
      %mul3A_386 = vector.broadcast %mul3A_385 : f32 to vector<16xf32>
      %mul3A_387 = arith.mulf %mul3A_386, %min3A_384 : vector<16xf32>
      %mul3A_388 = arith.mulf %mul3A_387, %min3A_384 : vector<16xf32>
      %sub3A_389 = arith.constant 1.000000e+00 : f32
      %sub3A_390 = vector.broadcast %sub3A_389 : f32 to vector<16xf32>
      %sub3A_391 = arith.subf %mul3A_388, %sub3A_390 : vector<16xf32>
      %max3A_392 = arith.constant 1.000000e+00 : f32
      %max3A_393 = vector.broadcast %max3A_392 : f32 to vector<16xf32>
      %max3A_394 = arith.maximumf %abs3A_381, %max3A_393 : vector<16xf32>
      %add3A_395 = arith.addf %sub3A_391, %max3A_394 : vector<16xf32>
      %add3A_396 = arith.addf %add3A_360, %add3A_395 : vector<16xf32>
      scf.yield %add3A_396 : vector<16xf32>
    }
    %scan3A_215 = arith.constant 256 : i32
    %add3A_216 = arith.constant 48 : i32
    %add3A_217 = arith.addi %mul3A_2, %add3A_216 : i32
    %mul3A_218 = arith.constant 16384 : i32
    %mul3A_219 = arith.muli %add3A_217, %mul3A_218 : i32
    %dma_wait3A_220 = arith.constant 6 : i32
    %dma_wait3A_221 = arith.constant 0 : i32
    %dma_wait3A_222 = tpu.memref_slice %arg12[%dma_wait3A_220, %dma_wait3A_221] : memref<8x4096xf32, #tpu.memory_space<vmem>> -> memref<1x4096xf32, #tpu.memory_space<vmem>>
    %dma_wait3A_223 = tpu.memref_squeeze %dma_wait3A_222 : memref<1x4096xf32, #tpu.memory_space<vmem>> -> memref<4096xf32, #tpu.memory_space<vmem>>
    %dma_wait3A_224 = tpu.memref_slice %arg2[%mul3A_219] : memref<33554432xf32, #tpu.memory_space<hbm>> -> memref<131072xf32, #tpu.memory_space<hbm>>
    %dma_wait3A_225 = arith.constant 0 : i32
    %dma_wait3A_226 = tpu.memref_slice %dma_wait3A_224[%dma_wait3A_225] : memref<131072xf32, #tpu.memory_space<hbm>> -> memref<131072xf32, #tpu.memory_space<hbm>>
    tpu.wait_indirect_dma semaphore(%arg20 : memref<!tpu.dma_semaphore, #tpu.memory_space<semaphore_mem>>) src(%dma_wait3A_226 : memref<131072xf32, #tpu.memory_space<hbm>>) dst(%dma_wait3A_223 : memref<4096xf32, #tpu.memory_space<vmem>>)
    %scan3A_227 = arith.constant 0 : i32
    %scan3A_228 = arith.constant 256 : i32
    %scan3A_229 = arith.addi %scan3A_227, %scan3A_228 : i32
    %scan3A_230 = arith.constant 4 : i32
    %scan3A_231 = scf.for %scan3A_258 = %scan3A_227 to %scan3A_229 step %scan3A_230 iter_args(%scan3A_259 = %scan3A_214) -> (vector<16xf32>)  : i32 {
      %mul3A_260 = arith.constant 16 : i32
      %mul3A_261 = arith.muli %scan3A_258, %mul3A_260 : i32
      %get3A = arith.constant 6 : i32
      %get3A_262 = arith.index_cast %get3A : i32 to index
      %get3A_263 = arith.index_cast %mul3A_261 : i32 to index
      %get3A_264 = tpu.vector_load %arg12[%get3A_262, %get3A_263] {strides = array<i32>} : memref<8x4096xf32, #tpu.memory_space<vmem>>, vector<16xf32>,
      %mul3A_265 = arith.constant 16 : i32
      %mul3A_266 = arith.muli %scan3A_258, %mul3A_265 : i32
      %add3A_267 = arith.constant 24576 : i32
      %add3A_268 = arith.addi %add3A_267, %mul3A_266 : i32
      %get3A_269 = arith.index_cast %add3A_268 : i32 to index
      %get3A_270 = tpu.vector_load %arg11[%get3A_269] {strides = array<i32>} : memref<32768xf32, #tpu.memory_space<vmem>>, vector<16xf32>,
      %mul3A_271 = arith.constant 16 : i32
      %mul3A_272 = arith.muli %scan3A_258, %mul3A_271 : i32
      %get3A_273 = arith.index_cast %mul3A_272 : i32 to index
      %get3A_274 = tpu.vector_load %arg10[%get3A_273] {strides = array<i32>} : memref<4096xf32, #tpu.memory_space<vmem>>, vector<16xf32>,
      %sub3A = arith.subf %get3A_264, %get3A_270 : vector<16xf32>
      %mul3A_275 = arith.mulf %sub3A, %get3A_274 : vector<16xf32>
      %abs3A = math.absf %mul3A_275 : vector<16xf32>
      %min3A = arith.constant 1.000000e+00 : f32
      %min3A_276 = vector.broadcast %min3A : f32 to vector<16xf32>
      %min3A_277 = arith.minimumf %abs3A, %min3A_276 : vector<16xf32>
      %mul3A_278 = arith.constant 5.000000e-01 : f32
      %mul3A_279 = vector.broadcast %mul3A_278 : f32 to vector<16xf32>
      %mul3A_280 = arith.mulf %mul3A_279, %min3A_277 : vector<16xf32>
      %mul3A_281 = arith.mulf %mul3A_280, %min3A_277 : vector<16xf32>
      %sub3A_282 = arith.constant 1.000000e+00 : f32
      %sub3A_283 = vector.broadcast %sub3A_282 : f32 to vector<16xf32>
      %sub3A_284 = arith.subf %mul3A_281, %sub3A_283 : vector<16xf32>
      %max3A = arith.constant 1.000000e+00 : f32
      %max3A_285 = vector.broadcast %max3A : f32 to vector<16xf32>
      %max3A_286 = arith.maximumf %abs3A, %max3A_285 : vector<16xf32>
      %add3A_287 = arith.addf %sub3A_284, %max3A_286 : vector<16xf32>
      %add3A_288 = arith.addf %scan3A_259, %add3A_287 : vector<16xf32>
      %scan3A_289 = arith.constant 1 : i32
      %scan3A_290 = arith.addi %scan3A_258, %scan3A_289 : i32
      %mul3A_291 = arith.constant 16 : i32
      %mul3A_292 = arith.muli %scan3A_290, %mul3A_291 : i32
      %get3A_293 = arith.constant 6 : i32
      %get3A_294 = arith.index_cast %get3A_293 : i32 to index
      %get3A_295 = arith.index_cast %mul3A_292 : i32 to index
      %get3A_296 = tpu.vector_load %arg12[%get3A_294, %get3A_295] {strides = array<i32>} : memref<8x4096xf32, #tpu.memory_space<vmem>>, vector<16xf32>,
      %mul3A_297 = arith.constant 16 : i32
      %mul3A_298 = arith.muli %scan3A_290, %mul3A_297 : i32
      %add3A_299 = arith.constant 24576 : i32
      %add3A_300 = arith.addi %add3A_299, %mul3A_298 : i32
      %get3A_301 = arith.index_cast %add3A_300 : i32 to index
      %get3A_302 = tpu.vector_load %arg11[%get3A_301] {strides = array<i32>} : memref<32768xf32, #tpu.memory_space<vmem>>, vector<16xf32>,
      %mul3A_303 = arith.constant 16 : i32
      %mul3A_304 = arith.muli %scan3A_290, %mul3A_303 : i32
      %get3A_305 = arith.index_cast %mul3A_304 : i32 to index
      %get3A_306 = tpu.vector_load %arg10[%get3A_305] {strides = array<i32>} : memref<4096xf32, #tpu.memory_space<vmem>>, vector<16xf32>,
      %sub3A_307 = arith.subf %get3A_296, %get3A_302 : vector<16xf32>
      %mul3A_308 = arith.mulf %sub3A_307, %get3A_306 : vector<16xf32>
      %abs3A_309 = math.absf %mul3A_308 : vector<16xf32>
      %min3A_310 = arith.constant 1.000000e+00 : f32
      %min3A_311 = vector.broadcast %min3A_310 : f32 to vector<16xf32>
      %min3A_312 = arith.minimumf %abs3A_309, %min3A_311 : vector<16xf32>
      %mul3A_313 = arith.constant 5.000000e-01 : f32
      %mul3A_314 = vector.broadcast %mul3A_313 : f32 to vector<16xf32>
      %mul3A_315 = arith.mulf %mul3A_314, %min3A_312 : vector<16xf32>
      %mul3A_316 = arith.mulf %mul3A_315, %min3A_312 : vector<16xf32>
      %sub3A_317 = arith.constant 1.000000e+00 : f32
      %sub3A_318 = vector.broadcast %sub3A_317 : f32 to vector<16xf32>
      %sub3A_319 = arith.subf %mul3A_316, %sub3A_318 : vector<16xf32>
      %max3A_320 = arith.constant 1.000000e+00 : f32
      %max3A_321 = vector.broadcast %max3A_320 : f32 to vector<16xf32>
      %max3A_322 = arith.maximumf %abs3A_309, %max3A_321 : vector<16xf32>
      %add3A_323 = arith.addf %sub3A_319, %max3A_322 : vector<16xf32>
      %add3A_324 = arith.addf %add3A_288, %add3A_323 : vector<16xf32>
      %scan3A_325 = arith.constant 2 : i32
      %scan3A_326 = arith.addi %scan3A_258, %scan3A_325 : i32
      %mul3A_327 = arith.constant 16 : i32
      %mul3A_328 = arith.muli %scan3A_326, %mul3A_327 : i32
      %get3A_329 = arith.constant 6 : i32
      %get3A_330 = arith.index_cast %get3A_329 : i32 to index
      %get3A_331 = arith.index_cast %mul3A_328 : i32 to index
      %get3A_332 = tpu.vector_load %arg12[%get3A_330, %get3A_331] {strides = array<i32>} : memref<8x4096xf32, #tpu.memory_space<vmem>>, vector<16xf32>,
      %mul3A_333 = arith.constant 16 : i32
      %mul3A_334 = arith.muli %scan3A_326, %mul3A_333 : i32
      %add3A_335 = arith.constant 24576 : i32
      %add3A_336 = arith.addi %add3A_335, %mul3A_334 : i32
      %get3A_337 = arith.index_cast %add3A_336 : i32 to index
      %get3A_338 = tpu.vector_load %arg11[%get3A_337] {strides = array<i32>} : memref<32768xf32, #tpu.memory_space<vmem>>, vector<16xf32>,
      %mul3A_339 = arith.constant 16 : i32
      %mul3A_340 = arith.muli %scan3A_326, %mul3A_339 : i32
      %get3A_341 = arith.index_cast %mul3A_340 : i32 to index
      %get3A_342 = tpu.vector_load %arg10[%get3A_341] {strides = array<i32>} : memref<4096xf32, #tpu.memory_space<vmem>>, vector<16xf32>,
      %sub3A_343 = arith.subf %get3A_332, %get3A_338 : vector<16xf32>
      %mul3A_344 = arith.mulf %sub3A_343, %get3A_342 : vector<16xf32>
      %abs3A_345 = math.absf %mul3A_344 : vector<16xf32>
      %min3A_346 = arith.constant 1.000000e+00 : f32
      %min3A_347 = vector.broadcast %min3A_346 : f32 to vector<16xf32>
      %min3A_348 = arith.minimumf %abs3A_345, %min3A_347 : vector<16xf32>
      %mul3A_349 = arith.constant 5.000000e-01 : f32
      %mul3A_350 = vector.broadcast %mul3A_349 : f32 to vector<16xf32>
      %mul3A_351 = arith.mulf %mul3A_350, %min3A_348 : vector<16xf32>
      %mul3A_352 = arith.mulf %mul3A_351, %min3A_348 : vector<16xf32>
      %sub3A_353 = arith.constant 1.000000e+00 : f32
      %sub3A_354 = vector.broadcast %sub3A_353 : f32 to vector<16xf32>
      %sub3A_355 = arith.subf %mul3A_352, %sub3A_354 : vector<16xf32>
      %max3A_356 = arith.constant 1.000000e+00 : f32
      %max3A_357 = vector.broadcast %max3A_356 : f32 to vector<16xf32>
      %max3A_358 = arith.maximumf %abs3A_345, %max3A_357 : vector<16xf32>
      %add3A_359 = arith.addf %sub3A_355, %max3A_358 : vector<16xf32>
      %add3A_360 = arith.addf %add3A_324, %add3A_359 : vector<16xf32>
      %scan3A_361 = arith.constant 3 : i32
      %scan3A_362 = arith.addi %scan3A_258, %scan3A_361 : i32
      %mul3A_363 = arith.constant 16 : i32
      %mul3A_364 = arith.muli %scan3A_362, %mul3A_363 : i32
      %get3A_365 = arith.constant 6 : i32
      %get3A_366 = arith.index_cast %get3A_365 : i32 to index
      %get3A_367 = arith.index_cast %mul3A_364 : i32 to index
      %get3A_368 = tpu.vector_load %arg12[%get3A_366, %get3A_367] {strides = array<i32>} : memref<8x4096xf32, #tpu.memory_space<vmem>>, vector<16xf32>,
      %mul3A_369 = arith.constant 16 : i32
      %mul3A_370 = arith.muli %scan3A_362, %mul3A_369 : i32
      %add3A_371 = arith.constant 24576 : i32
      %add3A_372 = arith.addi %add3A_371, %mul3A_370 : i32
      %get3A_373 = arith.index_cast %add3A_372 : i32 to index
      %get3A_374 = tpu.vector_load %arg11[%get3A_373] {strides = array<i32>} : memref<32768xf32, #tpu.memory_space<vmem>>, vector<16xf32>,
      %mul3A_375 = arith.constant 16 : i32
      %mul3A_376 = arith.muli %scan3A_362, %mul3A_375 : i32
      %get3A_377 = arith.index_cast %mul3A_376 : i32 to index
      %get3A_378 = tpu.vector_load %arg10[%get3A_377] {strides = array<i32>} : memref<4096xf32, #tpu.memory_space<vmem>>, vector<16xf32>,
      %sub3A_379 = arith.subf %get3A_368, %get3A_374 : vector<16xf32>
      %mul3A_380 = arith.mulf %sub3A_379, %get3A_378 : vector<16xf32>
      %abs3A_381 = math.absf %mul3A_380 : vector<16xf32>
      %min3A_382 = arith.constant 1.000000e+00 : f32
      %min3A_383 = vector.broadcast %min3A_382 : f32 to vector<16xf32>
      %min3A_384 = arith.minimumf %abs3A_381, %min3A_383 : vector<16xf32>
      %mul3A_385 = arith.constant 5.000000e-01 : f32
      %mul3A_386 = vector.broadcast %mul3A_385 : f32 to vector<16xf32>
      %mul3A_387 = arith.mulf %mul3A_386, %min3A_384 : vector<16xf32>
      %mul3A_388 = arith.mulf %mul3A_387, %min3A_384 : vector<16xf32>
      %sub3A_389 = arith.constant 1.000000e+00 : f32
      %sub3A_390 = vector.broadcast %sub3A_389 : f32 to vector<16xf32>
      %sub3A_391 = arith.subf %mul3A_388, %sub3A_390 : vector<16xf32>
      %max3A_392 = arith.constant 1.000000e+00 : f32
      %max3A_393 = vector.broadcast %max3A_392 : f32 to vector<16xf32>
      %max3A_394 = arith.maximumf %abs3A_381, %max3A_393 : vector<16xf32>
      %add3A_395 = arith.addf %sub3A_391, %max3A_394 : vector<16xf32>
      %add3A_396 = arith.addf %add3A_360, %add3A_395 : vector<16xf32>
      scf.yield %add3A_396 : vector<16xf32>
    }
    %scan3A_232 = arith.constant 256 : i32
    %add3A_233 = arith.constant 56 : i32
    %add3A_234 = arith.addi %mul3A_2, %add3A_233 : i32
    %mul3A_235 = arith.constant 16384 : i32
    %mul3A_236 = arith.muli %add3A_234, %mul3A_235 : i32
    %dma_wait3A_237 = arith.constant 7 : i32
    %dma_wait3A_238 = arith.constant 0 : i32
    %dma_wait3A_239 = tpu.memref_slice %arg12[%dma_wait3A_237, %dma_wait3A_238] : memref<8x4096xf32, #tpu.memory_space<vmem>> -> memref<1x4096xf32, #tpu.memory_space<vmem>>
    %dma_wait3A_240 = tpu.memref_squeeze %dma_wait3A_239 : memref<1x4096xf32, #tpu.memory_space<vmem>> -> memref<4096xf32, #tpu.memory_space<vmem>>
    %dma_wait3A_241 = tpu.memref_slice %arg2[%mul3A_236] : memref<33554432xf32, #tpu.memory_space<hbm>> -> memref<131072xf32, #tpu.memory_space<hbm>>
    %dma_wait3A_242 = arith.constant 0 : i32
    %dma_wait3A_243 = tpu.memref_slice %dma_wait3A_241[%dma_wait3A_242] : memref<131072xf32, #tpu.memory_space<hbm>> -> memref<131072xf32, #tpu.memory_space<hbm>>
    tpu.wait_indirect_dma semaphore(%arg21 : memref<!tpu.dma_semaphore, #tpu.memory_space<semaphore_mem>>) src(%dma_wait3A_243 : memref<131072xf32, #tpu.memory_space<hbm>>) dst(%dma_wait3A_240 : memref<4096xf32, #tpu.memory_space<vmem>>)
    %scan3A_244 = arith.constant 0 : i32
    %scan3A_245 = arith.constant 256 : i32
    %scan3A_246 = arith.addi %scan3A_244, %scan3A_245 : i32
    %scan3A_247 = arith.constant 4 : i32
    %scan3A_248 = scf.for %scan3A_258 = %scan3A_244 to %scan3A_246 step %scan3A_247 iter_args(%scan3A_259 = %scan3A_231) -> (vector<16xf32>)  : i32 {
      %mul3A_260 = arith.constant 16 : i32
      %mul3A_261 = arith.muli %scan3A_258, %mul3A_260 : i32
      %get3A = arith.constant 7 : i32
      %get3A_262 = arith.index_cast %get3A : i32 to index
      %get3A_263 = arith.index_cast %mul3A_261 : i32 to index
      %get3A_264 = tpu.vector_load %arg12[%get3A_262, %get3A_263] {strides = array<i32>} : memref<8x4096xf32, #tpu.memory_space<vmem>>, vector<16xf32>,
      %mul3A_265 = arith.constant 16 : i32
      %mul3A_266 = arith.muli %scan3A_258, %mul3A_265 : i32
      %add3A_267 = arith.constant 28672 : i32
      %add3A_268 = arith.addi %add3A_267, %mul3A_266 : i32
      %get3A_269 = arith.index_cast %add3A_268 : i32 to index
      %get3A_270 = tpu.vector_load %arg11[%get3A_269] {strides = array<i32>} : memref<32768xf32, #tpu.memory_space<vmem>>, vector<16xf32>,
      %mul3A_271 = arith.constant 16 : i32
      %mul3A_272 = arith.muli %scan3A_258, %mul3A_271 : i32
      %get3A_273 = arith.index_cast %mul3A_272 : i32 to index
      %get3A_274 = tpu.vector_load %arg10[%get3A_273] {strides = array<i32>} : memref<4096xf32, #tpu.memory_space<vmem>>, vector<16xf32>,
      %sub3A = arith.subf %get3A_264, %get3A_270 : vector<16xf32>
      %mul3A_275 = arith.mulf %sub3A, %get3A_274 : vector<16xf32>
      %abs3A = math.absf %mul3A_275 : vector<16xf32>
      %min3A = arith.constant 1.000000e+00 : f32
      %min3A_276 = vector.broadcast %min3A : f32 to vector<16xf32>
      %min3A_277 = arith.minimumf %abs3A, %min3A_276 : vector<16xf32>
      %mul3A_278 = arith.constant 5.000000e-01 : f32
      %mul3A_279 = vector.broadcast %mul3A_278 : f32 to vector<16xf32>
      %mul3A_280 = arith.mulf %mul3A_279, %min3A_277 : vector<16xf32>
      %mul3A_281 = arith.mulf %mul3A_280, %min3A_277 : vector<16xf32>
      %sub3A_282 = arith.constant 1.000000e+00 : f32
      %sub3A_283 = vector.broadcast %sub3A_282 : f32 to vector<16xf32>
      %sub3A_284 = arith.subf %mul3A_281, %sub3A_283 : vector<16xf32>
      %max3A = arith.constant 1.000000e+00 : f32
      %max3A_285 = vector.broadcast %max3A : f32 to vector<16xf32>
      %max3A_286 = arith.maximumf %abs3A, %max3A_285 : vector<16xf32>
      %add3A_287 = arith.addf %sub3A_284, %max3A_286 : vector<16xf32>
      %add3A_288 = arith.addf %scan3A_259, %add3A_287 : vector<16xf32>
      %scan3A_289 = arith.constant 1 : i32
      %scan3A_290 = arith.addi %scan3A_258, %scan3A_289 : i32
      %mul3A_291 = arith.constant 16 : i32
      %mul3A_292 = arith.muli %scan3A_290, %mul3A_291 : i32
      %get3A_293 = arith.constant 7 : i32
      %get3A_294 = arith.index_cast %get3A_293 : i32 to index
      %get3A_295 = arith.index_cast %mul3A_292 : i32 to index
      %get3A_296 = tpu.vector_load %arg12[%get3A_294, %get3A_295] {strides = array<i32>} : memref<8x4096xf32, #tpu.memory_space<vmem>>, vector<16xf32>,
      %mul3A_297 = arith.constant 16 : i32
      %mul3A_298 = arith.muli %scan3A_290, %mul3A_297 : i32
      %add3A_299 = arith.constant 28672 : i32
      %add3A_300 = arith.addi %add3A_299, %mul3A_298 : i32
      %get3A_301 = arith.index_cast %add3A_300 : i32 to index
      %get3A_302 = tpu.vector_load %arg11[%get3A_301] {strides = array<i32>} : memref<32768xf32, #tpu.memory_space<vmem>>, vector<16xf32>,
      %mul3A_303 = arith.constant 16 : i32
      %mul3A_304 = arith.muli %scan3A_290, %mul3A_303 : i32
      %get3A_305 = arith.index_cast %mul3A_304 : i32 to index
      %get3A_306 = tpu.vector_load %arg10[%get3A_305] {strides = array<i32>} : memref<4096xf32, #tpu.memory_space<vmem>>, vector<16xf32>,
      %sub3A_307 = arith.subf %get3A_296, %get3A_302 : vector<16xf32>
      %mul3A_308 = arith.mulf %sub3A_307, %get3A_306 : vector<16xf32>
      %abs3A_309 = math.absf %mul3A_308 : vector<16xf32>
      %min3A_310 = arith.constant 1.000000e+00 : f32
      %min3A_311 = vector.broadcast %min3A_310 : f32 to vector<16xf32>
      %min3A_312 = arith.minimumf %abs3A_309, %min3A_311 : vector<16xf32>
      %mul3A_313 = arith.constant 5.000000e-01 : f32
      %mul3A_314 = vector.broadcast %mul3A_313 : f32 to vector<16xf32>
      %mul3A_315 = arith.mulf %mul3A_314, %min3A_312 : vector<16xf32>
      %mul3A_316 = arith.mulf %mul3A_315, %min3A_312 : vector<16xf32>
      %sub3A_317 = arith.constant 1.000000e+00 : f32
      %sub3A_318 = vector.broadcast %sub3A_317 : f32 to vector<16xf32>
      %sub3A_319 = arith.subf %mul3A_316, %sub3A_318 : vector<16xf32>
      %max3A_320 = arith.constant 1.000000e+00 : f32
      %max3A_321 = vector.broadcast %max3A_320 : f32 to vector<16xf32>
      %max3A_322 = arith.maximumf %abs3A_309, %max3A_321 : vector<16xf32>
      %add3A_323 = arith.addf %sub3A_319, %max3A_322 : vector<16xf32>
      %add3A_324 = arith.addf %add3A_288, %add3A_323 : vector<16xf32>
      %scan3A_325 = arith.constant 2 : i32
      %scan3A_326 = arith.addi %scan3A_258, %scan3A_325 : i32
      %mul3A_327 = arith.constant 16 : i32
      %mul3A_328 = arith.muli %scan3A_326, %mul3A_327 : i32
      %get3A_329 = arith.constant 7 : i32
      %get3A_330 = arith.index_cast %get3A_329 : i32 to index
      %get3A_331 = arith.index_cast %mul3A_328 : i32 to index
      %get3A_332 = tpu.vector_load %arg12[%get3A_330, %get3A_331] {strides = array<i32>} : memref<8x4096xf32, #tpu.memory_space<vmem>>, vector<16xf32>,
      %mul3A_333 = arith.constant 16 : i32
      %mul3A_334 = arith.muli %scan3A_326, %mul3A_333 : i32
      %add3A_335 = arith.constant 28672 : i32
      %add3A_336 = arith.addi %add3A_335, %mul3A_334 : i32
      %get3A_337 = arith.index_cast %add3A_336 : i32 to index
      %get3A_338 = tpu.vector_load %arg11[%get3A_337] {strides = array<i32>} : memref<32768xf32, #tpu.memory_space<vmem>>, vector<16xf32>,
      %mul3A_339 = arith.constant 16 : i32
      %mul3A_340 = arith.muli %scan3A_326, %mul3A_339 : i32
      %get3A_341 = arith.index_cast %mul3A_340 : i32 to index
      %get3A_342 = tpu.vector_load %arg10[%get3A_341] {strides = array<i32>} : memref<4096xf32, #tpu.memory_space<vmem>>, vector<16xf32>,
      %sub3A_343 = arith.subf %get3A_332, %get3A_338 : vector<16xf32>
      %mul3A_344 = arith.mulf %sub3A_343, %get3A_342 : vector<16xf32>
      %abs3A_345 = math.absf %mul3A_344 : vector<16xf32>
      %min3A_346 = arith.constant 1.000000e+00 : f32
      %min3A_347 = vector.broadcast %min3A_346 : f32 to vector<16xf32>
      %min3A_348 = arith.minimumf %abs3A_345, %min3A_347 : vector<16xf32>
      %mul3A_349 = arith.constant 5.000000e-01 : f32
      %mul3A_350 = vector.broadcast %mul3A_349 : f32 to vector<16xf32>
      %mul3A_351 = arith.mulf %mul3A_350, %min3A_348 : vector<16xf32>
      %mul3A_352 = arith.mulf %mul3A_351, %min3A_348 : vector<16xf32>
      %sub3A_353 = arith.constant 1.000000e+00 : f32
      %sub3A_354 = vector.broadcast %sub3A_353 : f32 to vector<16xf32>
      %sub3A_355 = arith.subf %mul3A_352, %sub3A_354 : vector<16xf32>
      %max3A_356 = arith.constant 1.000000e+00 : f32
      %max3A_357 = vector.broadcast %max3A_356 : f32 to vector<16xf32>
      %max3A_358 = arith.maximumf %abs3A_345, %max3A_357 : vector<16xf32>
      %add3A_359 = arith.addf %sub3A_355, %max3A_358 : vector<16xf32>
      %add3A_360 = arith.addf %add3A_324, %add3A_359 : vector<16xf32>
      %scan3A_361 = arith.constant 3 : i32
      %scan3A_362 = arith.addi %scan3A_258, %scan3A_361 : i32
      %mul3A_363 = arith.constant 16 : i32
      %mul3A_364 = arith.muli %scan3A_362, %mul3A_363 : i32
      %get3A_365 = arith.constant 7 : i32
      %get3A_366 = arith.index_cast %get3A_365 : i32 to index
      %get3A_367 = arith.index_cast %mul3A_364 : i32 to index
      %get3A_368 = tpu.vector_load %arg12[%get3A_366, %get3A_367] {strides = array<i32>} : memref<8x4096xf32, #tpu.memory_space<vmem>>, vector<16xf32>,
      %mul3A_369 = arith.constant 16 : i32
      %mul3A_370 = arith.muli %scan3A_362, %mul3A_369 : i32
      %add3A_371 = arith.constant 28672 : i32
      %add3A_372 = arith.addi %add3A_371, %mul3A_370 : i32
      %get3A_373 = arith.index_cast %add3A_372 : i32 to index
      %get3A_374 = tpu.vector_load %arg11[%get3A_373] {strides = array<i32>} : memref<32768xf32, #tpu.memory_space<vmem>>, vector<16xf32>,
      %mul3A_375 = arith.constant 16 : i32
      %mul3A_376 = arith.muli %scan3A_362, %mul3A_375 : i32
      %get3A_377 = arith.index_cast %mul3A_376 : i32 to index
      %get3A_378 = tpu.vector_load %arg10[%get3A_377] {strides = array<i32>} : memref<4096xf32, #tpu.memory_space<vmem>>, vector<16xf32>,
      %sub3A_379 = arith.subf %get3A_368, %get3A_374 : vector<16xf32>
      %mul3A_380 = arith.mulf %sub3A_379, %get3A_378 : vector<16xf32>
      %abs3A_381 = math.absf %mul3A_380 : vector<16xf32>
      %min3A_382 = arith.constant 1.000000e+00 : f32
      %min3A_383 = vector.broadcast %min3A_382 : f32 to vector<16xf32>
      %min3A_384 = arith.minimumf %abs3A_381, %min3A_383 : vector<16xf32>
      %mul3A_385 = arith.constant 5.000000e-01 : f32
      %mul3A_386 = vector.broadcast %mul3A_385 : f32 to vector<16xf32>
      %mul3A_387 = arith.mulf %mul3A_386, %min3A_384 : vector<16xf32>
      %mul3A_388 = arith.mulf %mul3A_387, %min3A_384 : vector<16xf32>
      %sub3A_389 = arith.constant 1.000000e+00 : f32
      %sub3A_390 = vector.broadcast %sub3A_389 : f32 to vector<16xf32>
      %sub3A_391 = arith.subf %mul3A_388, %sub3A_390 : vector<16xf32>
      %max3A_392 = arith.constant 1.000000e+00 : f32
      %max3A_393 = vector.broadcast %max3A_392 : f32 to vector<16xf32>
      %max3A_394 = arith.maximumf %abs3A_381, %max3A_393 : vector<16xf32>
      %add3A_395 = arith.addf %sub3A_391, %max3A_394 : vector<16xf32>
      %add3A_396 = arith.addf %add3A_360, %add3A_395 : vector<16xf32>
      scf.yield %add3A_396 : vector<16xf32>
    }
    %scan3A_249 = arith.constant 256 : i32
    %swap3A_250 = arith.constant 0 : i32
    %swap3A_251 = arith.index_cast %swap3A_250 : i32 to index
    %swap3A_252 = arith.constant 0 : index
    %swap3A_253 = tpu.vector_load %arg13[%swap3A_251, %swap3A_252] {strides = array<i32>} : memref<2x16xf32, #tpu.memory_space<vmem>>, vector<16xf32>,
    tpu.vector_store %arg13[%swap3A_251, %swap3A_252], %scan3A_248 {strides = array<i32>} : memref<2x16xf32, #tpu.memory_space<vmem>>, vector<16xf32>,
    %swap3A_254 = arith.constant 1 : i32
    %swap3A_255 = arith.index_cast %swap3A_254 : i32 to index
    %swap3A_256 = arith.constant 0 : index
    %swap3A_257 = tpu.vector_load %arg13[%swap3A_255, %swap3A_256] {strides = array<i32>} : memref<2x16xf32, #tpu.memory_space<vmem>>, vector<16xf32>,
    tpu.vector_store %arg13[%swap3A_255, %swap3A_256], %scan3A_17 {strides = array<i32>} : memref<2x16xf32, #tpu.memory_space<vmem>>, vector<16xf32>,
    "tpu.region"() ({
      %run_scoped3A = tpu.sem_alloc : memref<!tpu.dma_semaphore, #tpu.memory_space<semaphore_mem>>
      %dma_start3A_258 = arith.constant 0 : i32
      %dma_start3A_259 = arith.constant 0 : i32
      %dma_start3A_260 = tpu.memref_slice %arg6[%add3A, %dma_start3A_258, %dma_start3A_259] : memref<32x2x16xf32, #tpu.memory_space<hbm>> -> memref<1x2x16xf32, #tpu.memory_space<hbm>>
      %dma_start3A_261 = tpu.memref_squeeze %dma_start3A_260 : memref<1x2x16xf32, #tpu.memory_space<hbm>> -> memref<2x16xf32, #tpu.memory_space<hbm>>
      %dma_start3A_262 = arith.constant 0 : i32
      %dma_start3A_263 = arith.constant 0 : i32
      %dma_start3A_264 = tpu.memref_slice %arg6[%add3A, %dma_start3A_262, %dma_start3A_263] : memref<32x2x16xf32, #tpu.memory_space<hbm>> -> memref<1x2x16xf32, #tpu.memory_space<hbm>>
      %dma_start3A_265 = tpu.memref_squeeze %dma_start3A_264 : memref<1x2x16xf32, #tpu.memory_space<hbm>> -> memref<2x16xf32, #tpu.memory_space<hbm>>
      tpu.enqueue_dma source(%arg13 : memref<2x16xf32, #tpu.memory_space<vmem>>) target(%dma_start3A_265 : memref<2x16xf32, #tpu.memory_space<hbm>>) target_semaphore(%run_scoped3A : memref<!tpu.dma_semaphore, #tpu.memory_space<semaphore_mem>>)
      %dma_wait3A_266 = arith.constant 0 : i32
      %dma_wait3A_267 = arith.constant 0 : i32
      %dma_wait3A_268 = tpu.memref_slice %arg6[%add3A, %dma_wait3A_266, %dma_wait3A_267] : memref<32x2x16xf32, #tpu.memory_space<hbm>> -> memref<1x2x16xf32, #tpu.memory_space<hbm>>
      %dma_wait3A_269 = tpu.memref_squeeze %dma_wait3A_268 : memref<1x2x16xf32, #tpu.memory_space<hbm>> -> memref<2x16xf32, #tpu.memory_space<hbm>>
      %dma_wait3A_270 = arith.constant 0 : i32
      %dma_wait3A_271 = arith.constant 0 : i32
      %dma_wait3A_272 = tpu.memref_slice %arg6[%add3A, %dma_wait3A_270, %dma_wait3A_271] : memref<32x2x16xf32, #tpu.memory_space<hbm>> -> memref<1x2x16xf32, #tpu.memory_space<hbm>>
      %dma_wait3A_273 = tpu.memref_squeeze %dma_wait3A_272 : memref<1x2x16xf32, #tpu.memory_space<hbm>> -> memref<2x16xf32, #tpu.memory_space<hbm>>
      tpu.wait_dma2 semaphore(%run_scoped3A : memref<!tpu.dma_semaphore, #tpu.memory_space<semaphore_mem>>) src(%arg13 : memref<2x16xf32, #tpu.memory_space<vmem>>) dst(%dma_wait3A_273 : memref<2x16xf32, #tpu.memory_space<hbm>>)
      tpu.yield
    }) : () -> ()
    return
  }
}

</mosaic_0001>

<sc_bundles>
// kernel: kernel.3.cloned.1.call-start
scs
__scs_entry_jumppad:
0x0: {  	(pc) =	sbr.rel $0x88, $3  }
0x1: {  	(tag) =	ssettag $0x0;
	lr =	simm.s32 $0x1  }
0x2: {  	[smem:$0x3F9D] =	sst lr;
	_ =	strace $0xD0000000  }
0x3: {  	_ = 	snop  }
0x4: {  	_ = 	snop  }
0x5: {  	_ = 	snop  }
0x6: {  	_ = 	snop  }
0x7: {  	_ = 	snop  }
__scs_overlays_trampoline_lowered:
0x8: {  	[smem:$0x3FAC] =	sst s0  }
0x9: {  	[smem:$0x3FAD] =	sst s1  }
0xa: {  	[smem:$0x3FAE] =	sst s2  }
0xb: {  	[smem:$0x3FAF] =	sst s3  }
0xc: {  	[smem:$0x3FB0] =	sst s4  }
0xd: {  	[smem:$0x3FB1] =	sst s5  }
0xe: {  	[smem:$0x3FB2] =	sst s6  }
0xf: {  	[smem:$0x3FB3] =	sst s7  }
0x10: {  	[smem:$0x3FB4] =	sst s8  }
0x11: {  	[smem:$0x3FB5] =	sst s9;
	s0 =	simm.s32 @!p0 $0x0  }
0x12: {  	s1 =	sld [smem:$0x3F9B];
	s0 =	simm.s32 @p0 $0x1  }
0x13: {  	[smem:$0x3FB6] =	sst s0;
	s0 =	simm.s32 @!p1 $0x0  }
0x14: {  	s2 =	sld [smem:$0x3F9A];
	s0 =	simm.s32 @p1 $0x1  }
0x15: {  	[smem:$0x3FB7] =	sst s0;
	s0 =	simm.s32 @!p2 $0x0  }
0x16: {  	s3 =	sld [smem:$0x3FDB];
	s0 =	simm.s32 @p2 $0x1  }
0x17: {  	s4 =	simm.s32 $0x1BF5;
	[smem:$0x3FB9] =	sst s0  }
0x18: {  	s0 =	sld [smem:$0x3F9C];
	_ =	swait.ge [sflag:s4], $0x0  }
0x19: {  	s7 =	sld [smem:$0x3F9D]  }
0x1a: {  	s8 =	sadd.s32 $0xFFFFE003, lr  }
0x1b: {  	s9 =	sadd.s32 $0xFFFFFEF7, lr;
	s5 =	simm.s32 $0xFFFFFFFF;
	p2 =	slt.u32 s8, $0xFFFFF086  }
0x1c: {  	p1 =	slt.u32 s9, $0xF7A;
	s5 =	simm.s32 @!p2 $0x0  }
0x1d: {  	s5 =	simm.s32 @p1 $0x1;
	p0 =	seq.s32 s7, s2  }
0x1e: {  	s7 =	smul.u32 @!p0 $0xF7A, s2;
	p2 =	seq.s32 @!p0 s5, $0x0  }
0x1f: {  	s9 =	smul.u32 $0xF7A, s1;
	s8 =	simm.s32 @!p0 $0x1BF5;
	p2 =	por !p2, p0  }
0x20: {  	[sflag:s8] =	ssyncset.s32 @!p0 $0xFFFFF086;
	s6 =	sadd.s32 @!p0 s3, s7;
	s7 =	simm.s32 @!p0 $0x108  }
0x21: {  	s3 =	sadd.s32 s3, s9;
	s6 =	sadd.s32 @!p0 $0x88, s6;
	s7 =	simm.s32 @p2 $0x1082  }
0x22: {  	[simem:s7], [sflag:s8] =	dma.local @!p0 [hbm:s6], $0xF7A  }
0x23: {  	s9 =	sor.u32 $0xD0000000, s2;
	s6 =	simm.s32 $0x108;
	_ =	swait.ge @!p0 [sflag:s8], $0x0  }
0x24: {  	s3 =	sadd.s32 $0x88, s3;
	s6 =	simm.s32 @!p1 $0x1082;
	[sflag:s4] =	ssyncset.s32 $0xFFFFF086  }
0x25: {  	[simem:s6], [sflag:s4] =	dma.local [hbm:s3], $0xF7A  }
0x26: {  	[smem:$0x3F9D] =	sst s1;
	(tag) =	ssettag s2;
	_ =	strace s9  }
0x27: {  	s1 =	sld [smem:$0x3FAD]  }
0x28: {  	s2 =	sld [smem:$0x3FAE]  }
0x29: {  	s4 =	sld [smem:$0x3FB0]  }
0x2a: {  	p0 =	seq.s32 s5, $0x0;
	s5 =	sld [smem:$0x3FB1]  }
0x2b: {  	s6 =	sld [smem:$0x3FB2]  }
0x2c: {  	s7 =	sld [smem:$0x3FB3]  }
0x2d: {  	s3 =	simm.s32 $0x108;
	s8 =	sld [smem:$0x3FB4]  }
0x2e: {  	s3 =	simm.s32 @!p0 $0x1082;
	s9 =	sld [smem:$0x3FB5]  }
0x2f: {  	lr =	sadd.s32 s0, s3;
	s0 =	sld [smem:$0x3FAC]  }
0x30: {  	s3 =	sld [smem:$0x3FAF]  }
0x31: {  	[smem:$0x3FB8] =	sst s10  }
0x32: {  	s10 =	sld [smem:$0x3FB6];
	_ =	sdelay $0x3  }
0x33: {  	p0 =	seq.s32 s10, $0x1;
	s10 =	sld [smem:$0x3FB8];
	_ =	sdelay $0x3  }
0x34: {  	[smem:$0x3FB8] =	sst s10  }
0x35: {  	s10 =	sld [smem:$0x3FB7];
	_ =	sdelay $0x3  }
0x36: {  	p1 =	seq.s32 s10, $0x1;
	s10 =	sld [smem:$0x3FB8];
	_ =	sdelay $0x3  }
0x37: {  	[smem:$0x3FB8] =	sst s10  }
0x38: {  	s10 =	sld [smem:$0x3FB9]  }
0x39: {  	_ = 	snop;
	(pc) =	sbr.ind lr, $3  }
0x3a: {  	_ = 	snop  }
0x3b: {  	_ = 	snop  }
0x3c: {  	p2 =	seq.s32 s10, $0x1;
	s10 =	sld [smem:$0x3FB8]  }
0x3d: {  	_ =	shalt  }
0x3e: {  	_ =	shalt  }
0x3f: {  	_ =	shalt  }
0x40: {  	_ =	shalt  }
0x41: {  	_ =	shalt  }
0x42: {  	_ =	shalt  }
0x43: {  	_ =	shalt  }
0x44: {  	_ =	shalt  }
0x45: {  	_ =	shalt  }
0x46: {  	_ =	shalt  }
0x47: {  	_ =	shalt  }
0x48: {  	_ =	shalt  }
0x49: {  	_ =	shalt  }
0x4a: {  	_ =	shalt  }
0x4b: {  	_ =	shalt  }
0x4c: {  	_ =	shalt  }
0x4d: {  	_ =	shalt  }
0x4e: {  	_ =	shalt  }
0x4f: {  	_ =	shalt  }
0x50: {  	_ =	shalt  }
0x51: {  	_ =	shalt  }
0x52: {  	_ =	shalt  }
0x53: {  	_ =	shalt  }
0x54: {  	_ =	shalt  }
0x55: {  	_ =	shalt  }
0x56: {  	_ =	shalt  }
0x57: {  	_ =	shalt  }
0x58: {  	_ =	shalt  }
0x59: {  	_ =	shalt  }
0x5a: {  	_ =	shalt  }
0x5b: {  	_ =	shalt  }
0x5c: {  	_ =	shalt  }
0x5d: {  	_ =	shalt  }
0x5e: {  	_ =	shalt  }
0x5f: {  	_ =	shalt  }
0x60: {  	_ =	shalt  }
0x61: {  	_ =	shalt  }
0x62: {  	_ =	shalt  }
0x63: {  	_ =	shalt  }
0x64: {  	_ =	shalt  }
0x65: {  	_ =	shalt  }
0x66: {  	_ =	shalt  }
0x67: {  	_ =	shalt  }
0x68: {  	_ =	shalt  }
0x69: {  	_ =	shalt  }
0x6a: {  	_ =	shalt  }
0x6b: {  	_ =	shalt  }
0x6c: {  	_ =	shalt  }
0x6d: {  	_ =	shalt  }
0x6e: {  	_ =	shalt  }
0x6f: {  	_ =	shalt  }
0x70: {  	_ =	shalt  }
0x71: {  	_ =	shalt  }
0x72: {  	_ =	shalt  }
0x73: {  	_ =	shalt  }
0x74: {  	_ =	shalt  }
0x75: {  	_ =	shalt  }
0x76: {  	_ =	shalt  }
0x77: {  	_ =	shalt  }
0x78: {  	_ =	shalt  }
0x79: {  	_ =	shalt  }
0x7a: {  	_ =	shalt  }
0x7b: {  	_ =	shalt  }
0x7c: {  	_ =	shalt  }
0x7d: {  	_ =	shalt  }
0x7e: {  	_ =	shalt  }
0x7f: {  	_ =	shalt  }
0x80: {  	_ =	shalt  }
0x81: {  	_ =	shalt  }
0x82: {  	_ =	shalt  }
0x83: {  	_ =	shalt  }
0x84: {  	_ =	shalt  }
0x85: {  	_ =	shalt  }
0x86: {  	_ =	shalt  }
0x87: {  	_ =	shalt  }
.Lfunc_end0:
.L_simem_size_0:
called_computation_lowered:
.L_overlay_start_0:
0x88: {  	s2 =	sld [smem:$0x3FD9]  }
0x89: {  	s3 =	sld [smem:$0x3FFE];
	_ =	sdelay $0x1  }
0x8a: {  	s1 =	srdreg.scid  }
0x8b: {  	s0 =	sand.u32 $0x1, s1  }
0x8c: {  	s17 =	sshll.u32 s0, $0xA;
	s2 =	sadd.s32 s3, s2  }
0x8d: {  	s2 =	sadd.s32 s2, s17  }
0x8e: {  	[smem:$0x3FC4] =	sst s2  }
0x8f: {  	_ = 	snop  }
0x90: {  	s2 =	sld [smem:$0x3FC9];
	(tm) =	ssettm $0x1  }
0x91: {  	s18 =	sld [smem:$0x3FFB];
	_ =	sdelay $0x3  }
0x92: {  	_ =	strace s18  }
0x93: {  	s3 =	sld [smem:$0x3FFC];
	_ =	sdelay $0x3  }
0x94: {  	_ =	strace s3  }
0x95: {  	s3 =	sld [smem:$0x3FFD];
	_ =	sdelay $0x3  }
0x96: {  	_ =	strace s3  }
0x97: {  	_ =	strace $0x8FFFFFFF  }
0x98: {  	s19 =	sld [smem:$0x3FDB];
	_ =	sdelay $0x1  }
0x99: {  	s4 =	simm.s32 $_scs_section_size  }
0x9a: {  	s5 =	simm.s32 $_size__tile_overlayer_lowered;
	s6 =	simm.s32 $_tile_overlayer_lowered  }
0x9b: {  	s22 =	simm.s32 $0x1BFF;
	s21 =	sshll.u32 s6, $0x1;
	s3 =	sadd.s32 s4, s19  }
0x9c: {  	s7 =	simm.s32 $0x0;
	s20 =	sshll.u32 s5, $0x1;
	s5 =	sadd.s32 s21, s3  }
0x9d: {  	[timem:s7], [sflag:s22] =	dma.local [hbm:s5], s20  }
0x9e: {  	_ =	swait.ge [sflag:s22], s20  }
0x9f: {  	s4 =	ssub.s32 $0x0, s20;
	[sflag:s22] =	ssyncset.done $0x0  }
0xa0: {  	[sflag:s22] =	ssyncadd.s32 s4;
	_ =	sdelay $0x1  }
0xa1: {  	s23 =	simm.s32 $0x1B8B  }
0xa2: {  	_ =	swait.ge [sflag:s23], $0x1  }
0xa3: {  	[sflag:s23] =	ssyncset.done $0x0  }
0xa4: {  	s25 =	simm.s32 $0x1B8E;
	s24 =	sld [smem:$0x3FFE];
	[sflag:s23] =	ssyncadd.s32 $0xFFFFFFFF  }
0xa5: {  	s26 =	simm.s32 $execute0_lowered;
	[smem:$0x3FD2] =	sst s25  }
0xa6: {  	s5 =	sshll.u32 s26, $0x1;
	_ =	strace $0x80000046;
	[dreg:$0x1] =	wrdreg $0xFFFFFFFF  }
0xa7: {  	s28 =	simm.s32 $_size_execute0_lowered;
	s3 =	sadd.s32 s3, s5;
	[dreg:$0x0] =	wrdreg $0x0  }
0xa8: {  	s5 =	sshll.u32 s28, $0x1;
	[dreg:$0x2] =	wrdreg s3  }
0xa9: {  	[dreg:$0x3] =	wrdreg s5  }
0xaa: {  	[dreg:$0x4] =	wrdreg $0xC0  }
0xab: {  	_ =	task [dreg:s7], $0x5FFFF  }
0xac: {  	[dreg:$0x1] =	wrdreg $0xFFFFFFFF  }
0xad: {  	[dreg:$0x0] =	wrdreg $0x60  }
0xae: {  	[dreg:$0x2] =	wrdreg s2  }
0xaf: {  	[dreg:$0x3] =	wrdreg s24  }
0xb0: {  	[dreg:$0x4] =	wrdreg $0x9  }
0xb1: {  	_ =	task.clear_ibuf [dreg:s7], $0x5FFFF;
	_ =	strace $0x90000046  }
0xb2: {  	s29 =	simm.s32 $0x9;
	_ =	strace $0x80000048  }
0xb3: {  	_ =	swait.ge [sflag:s29], $0x1  }
0xb4: {  	[sflag:s29] =	ssyncadd.s32 $0xFFFFFFFF  }
0xb5: {  	_ =	strace $0x90000048  }
0xb6: {  	_ =	sfence  }
0xb7: {  	s30 =	sld [smem:$0x0];
	_ =	sdelay $0x2  }
0xb8: {  	s31 =	sshll.u32 s1, $0xD;
	s1 =	sshrl.u32 s1, $0x2  }
0xb9: {  	s3 =	sand.u32 $0x4000, s31;
	s1 =	sadd.s32 s1, s30  }
0xba: {  	s0 =	sor.u32 s3, s0;
	s1 =	sshll.u32 s1, $0x11  }
0xbb: {  	s0 =	sor.u32 s1, s0  }
0xbc: {  	s0 =	sadd.s32 $0x8F2B, s0  }
0xbd: {  	[sflag:s0] =	ssyncadd.remote.s32 $0x1  }
0xbe: {  	_ =	sfence.sel $0xFFFF  }
0xbf: {  	[dreg:$0x0] =	wrdreg $0xFFFFFFFF;
	(pc) =	sbr.abs _section_cstart, $3  }
0xc0: {  	[dreg:$0x1] =	wrdreg $0xFFFFFFFF  }
0xc1: {  	_ =	task.clear_ibuf [dreg:s7], $0x2FFFF;
	_ =	strace $0x9FFFFFFF  }
0xc2: {  	(tm) =	ssettm $0x7FFFFFFF  }
0xc3: {  	_ =	shalt  }
tec
execute0_lowered:
.L_overlay_start_1:
0x0: {  	(tag) =	ssettag $0x1  }
0x1: {  	s0 =	rddreg [dreg:$0x0]  }
0x2: {  	s1 =	srdreg.scid;
	s2 =	stileid.u32  }
0x3: {  	s3 =	rddreg [dreg:$0x1];
	s17 =	simm.s32 $0xA;
	s19 =	simm.s32 $0x1000  }
0x4: {  	s20 =	simm.s32 $0x400;
	s30 =	simm.s32 $0x9;
	s31 =	simm.s32 $0x1  }
0x5: {  	s16 =	simm.s32 $0x4;
	s18 =	simm.s32 $0x5;
	s21 =	simm.s32 $0x6  }
0x6: {  	s22 =	simm.s32 $0x7;
	s1 =	sand.u32 $0x1, s1;
	s4 =	sshll.u32 s2, $0x1  }
0x7: {  	s23 =	simm.s32 $0x8;
	s2 =	simm.s32 $0x0;
	s4 =	sor.u32 s1, s4  }
0x8: {  	[smem:$0x7FF] =	sst s2;
	s1 =	ssub.s32 $0x2, s1;
	s5 =	smul.u32 $0x3F, s4  }
0x9: {  	_ =	strace $0x80000047;
	s6 =	sshll.u32 s4, $0x2;
	s25 =	sshrl.u32 s1, $0x1  }
0xa: {  	s7 =	sshll.u32 s4, $0xC;
	s26 =	sshll.u32 s4, $0x11;
	s14 =	sadd.s32 s6, s3  }
0xb: {  	s1 =	ssub.s32 s1, s25;
	s6 =	sadd.s32 s0, s26;
	s0 =	simm.s32 $0x3  }
0xc: {  	s25 =	simm.s32 $0x0;
	s5 =	sadd.s32 s5, s3;
	s3 =	sadd.s32 s3, s7  }
0xd: {  	s7 =	sadd.s32 $0x4000, s6;
	s8 =	sadd.s32 $0x8000, s6;
	s9 =	sadd.s32 $0xC000, s6  }
0xe: {  	s10 =	sadd.s32 $0x10000, s6;
	s11 =	sadd.s32 $0x14000, s6;
	s12 =	sadd.s32 $0x18000, s6  }
0xf: {  	s13 =	sadd.s32 $0x1C000, s6;
	[dreg:$0x3] =	wrdreg s3;
	s28 =	sadd.s32 $0x20800, s5  }
0x10: {  	s14 =	sadd.s32 $0x21000, s14;
	s29 =	sadd.s32 $0x20000, s5;
	[dreg:$0x4] =	wrdreg s28  }
0x11: {  	v0 =	vimm.s32 $0x0;
	s15 =	smax.u32 s1, $0x1;
	s1 =	simm.s32 $0x2;
	[dreg:$0x5] =	wrdreg s29  }
.LBB2_1:
0x12: {  	[tilespmem:$0x1F0] =	vst v0  }
0x13: {  	[tilespmem:$0x3F0] =	vst v0;
	s3 =	rddreg [dreg:$0x3];
	s4 =	simm.s32 $0x2400  }
0x14: {  	[tilespmem:s4], [sflag:$0x9] =	stream.linear.gather [hbm4b:s3+s2], $0x8000, $0x38;
	[tilespmem:$0x12420] =	vst v63  }
0x15: {  	s5 =	rddreg [dreg:$0x4]  }
0x16: {  	[tilespmem:s2], [sflag:$0xA] =	stream.linear.gather [hbm4b:s5+s2], $0x1F4, $0x38;
	[tilespmem:$0x12420] =	vst v63  }
0x17: {  	_ =	swait.ge [sflag:s17], $0x1F4  }
0x18: {  	[sflag:s17] =	ssyncset.done $0x0  }
0x19: {  	s26 =	simm.s32 $0x200;
	s24 =	rddreg [dreg:$0x5];
	[sflag:s17] =	ssyncadd.s32 $0xFFFFFE0C  }
0x1a: {  	[tilespmem:s26], [sflag:$0xA] =	stream.linear.gather [hbm4b:s24+s2], $0x1F4, $0x38;
	[tilespmem:$0x12420] =	vst v63  }
0x1b: {  	_ =	swait.ge [sflag:s17], $0x1F4  }
0x1c: {  	[sflag:s17] =	ssyncset.done $0x0  }
0x1d: {  	s26 =	simm.s32 $0x210;
	[sflag:s17] =	ssyncadd.s32 $0xFFFFFE0C  }
0x1e: {  	v1 =	vld [tilespmem:s26+$0xFFFFFFF0];
	_ =	sdelay $0x1  }
0x1f: {  	s28 =	simm.s32 $0x10  }
0x20: {  	v2 =	vld [tilespmem:s28+$0xFFFFFFF0];
	_ =	sdelay $0x1  }
0x21: {  	v1 =	vcvt.s32.f32 v1  }
0x22: {  	s29 =	simm.s32 $0x1C00  }
0x23: {  	s24 =	simm.s32 $0xC00;
	[tilespmem:s29+$0xFFFFF800] =	vst v1  }
0x24: {  	v3 =	vadd.s32 $0x4000, v2;
	[tilespmem:s24+$0xFFFFF800] =	vst v2  }
0x25: {  	[tilespmem:s24+$0xFFFFFA00] =	vst v3  }
0x26: {  	v3 =	vadd.s32 $0x8000, v2;
	[tilespmem:s29+$0xFFFFFA00] =	vst v1  }
0x27: {  	[tilespmem:s24+$0xFFFFFC00] =	vst v3  }
0x28: {  	v3 =	vadd.s32 $0xC000, v2;
	[tilespmem:s29+$0xFFFFFC00] =	vst v1  }
0x29: {  	[tilespmem:s24+$0xFFFFFE00] =	vst v3  }
0x2a: {  	v3 =	vadd.s32 $0x10000, v2;
	[tilespmem:s29+$0xFFFFFE00] =	vst v1  }
0x2b: {  	[tilespmem:s24+$0x0] =	vst v3  }
0x2c: {  	v3 =	vadd.s32 $0x14000, v2;
	[tilespmem:s29+$0x0] =	vst v1  }
0x2d: {  	[tilespmem:s24+$0x200] =	vst v3  }
0x2e: {  	v3 =	vadd.s32 $0x18000, v2;
	[tilespmem:s29+$0x200] =	vst v1  }
0x2f: {  	[tilespmem:s24+$0x400] =	vst v3  }
0x30: {  	v2 =	vadd.s32 $0x1C000, v2;
	[tilespmem:s29+$0x400] =	vst v1  }
0x31: {  	[tilespmem:s24+$0x600] =	vst v2  }
0x32: {  	[tilespmem:s29+$0x600] =	vst v1  }
0x33: {  	v2 =	vld [tilespmem:s26+$0x0];
	_ =	sdelay $0x2  }
0x34: {  	v3 =	vld [tilespmem:s28+$0x0];
	_ =	sdelay $0x1  }
0x35: {  	v2 =	vcvt.s32.f32 v2;
	_ =	sdelay $0x1  }
0x36: {  	[tilespmem:s29+$0xFFFFF810] =	vst v2  }
0x37: {  	v4 =	vadd.s32 $0x4000, v3;
	[tilespmem:s24+$0xFFFFF810] =	vst v3  }
0x38: {  	[tilespmem:s24+$0xFFFFFA10] =	vst v4  }
0x39: {  	v4 =	vadd.s32 $0x8000, v3;
	[tilespmem:s29+$0xFFFFFA10] =	vst v2  }
0x3a: {  	[tilespmem:s24+$0xFFFFFC10] =	vst v4  }
0x3b: {  	v4 =	vadd.s32 $0xC000, v3;
	[tilespmem:s29+$0xFFFFFC10] =	vst v2  }
0x3c: {  	[tilespmem:s24+$0xFFFFFE10] =	vst v4  }
0x3d: {  	v4 =	vadd.s32 $0x10000, v3;
	[tilespmem:s29+$0xFFFFFE10] =	vst v2  }
0x3e: {  	[tilespmem:s24+$0x10] =	vst v4  }
0x3f: {  	v5 =	vadd.s32 $0x14000, v3;
	v4 =	vimm.f32 $0.0e+00;
	[tilespmem:s29+$0x10] =	vst v2  }
0x40: {  	v1 =	vadd.f32 v1, v4;
	[tilespmem:s24+$0x210] =	vst v5  }
0x41: {  	v4 =	vadd.s32 $0x18000, v3;
	[tilespmem:s29+$0x210] =	vst v2  }
0x42: {  	s3 =	simm.s32 $0x0;
	s4 =	simm.s32 $0xC20;
	s5 =	simm.s32 $0x1C20;
	v3 =	vadd.s32 $0x1C000, v3;
	v1 =	vadd.f32 v2, v1;
	[tilespmem:s24+$0x410] =	vst v4  }
.LBB2_2:
0x43: {  	s3 =	sadd.s32 $0x2, s3;
	[tilespmem:s29+$0x410] =	vst v2;
	s28 =	sadd.s32 $0x20, s28;
	s26 =	sadd.s32 $0x20, s26  }
0x44: {  	p0 =	slt.u32 s3, $0x1E;
	[tilespmem:s24+$0x610] =	vst v3;
	s24 =	smov.u32 s4  }
0x45: {  	[tilespmem:s29+$0x610] =	vst v2;
	s29 =	smov.u32 s5  }
0x46: {  	v2 =	vld [tilespmem:s26+$0xFFFFFFF0];
	_ =	sdelay $0x1  }
0x47: {  	v3 =	vld [tilespmem:s28+$0xFFFFFFF0];
	_ =	sdelay $0x2  }
0x48: {  	v2 =	vcvt.s32.f32 v2;
	_ =	sdelay $0x1  }
0x49: {  	[tilespmem:s5+$0xFFFFF800] =	vst v2;
	v4 =	vadd.s32 $0x4000, v3  }
0x4a: {  	[tilespmem:s4+$0xFFFFF800] =	vst v3  }
0x4b: {  	[tilespmem:s4+$0xFFFFFA00] =	vst v4;
	v4 =	vadd.s32 $0x8000, v3  }
0x4c: {  	[tilespmem:s5+$0xFFFFFA00] =	vst v2  }
0x4d: {  	[tilespmem:s4+$0xFFFFFC00] =	vst v4;
	v4 =	vadd.s32 $0xC000, v3  }
0x4e: {  	[tilespmem:s5+$0xFFFFFC00] =	vst v2  }
0x4f: {  	[tilespmem:s4+$0xFFFFFE00] =	vst v4;
	v4 =	vadd.s32 $0x10000, v3  }
0x50: {  	[tilespmem:s5+$0xFFFFFE00] =	vst v2  }
0x51: {  	[tilespmem:s4+$0x0] =	vst v4;
	v4 =	vadd.s32 $0x14000, v3  }
0x52: {  	[tilespmem:s5+$0x0] =	vst v2  }
0x53: {  	[tilespmem:s4+$0x200] =	vst v4;
	v4 =	vadd.s32 $0x18000, v3  }
0x54: {  	[tilespmem:s5+$0x200] =	vst v2  }
0x55: {  	v3 =	vadd.s32 $0x1C000, v3;
	[tilespmem:s4+$0x400] =	vst v4  }
0x56: {  	[tilespmem:s5+$0x400] =	vst v2  }
0x57: {  	[tilespmem:s4+$0x600] =	vst v3  }
0x58: {  	[tilespmem:s5+$0x600] =	vst v2  }
0x59: {  	v3 =	vld [tilespmem:s26+$0x0];
	_ =	sdelay $0x1  }
0x5a: {  	v4 =	vld [tilespmem:s28+$0x0];
	_ =	sdelay $0x2  }
0x5b: {  	v1 =	vadd.f32 v2, v1;
	v2 =	vcvt.s32.f32 v3;
	_ =	sdelay $0x1  }
0x5c: {  	[tilespmem:s5+$0xFFFFF810] =	vst v2;
	v3 =	vadd.s32 $0x4000, v4;
	v1 =	vadd.f32 v2, v1  }
0x5d: {  	v5 =	vadd.s32 $0x8000, v4;
	[tilespmem:s4+$0xFFFFF810] =	vst v4  }
0x5e: {  	[tilespmem:s4+$0xFFFFFA10] =	vst v3  }
0x5f: {  	v3 =	vadd.s32 $0xC000, v4;
	[tilespmem:s5+$0xFFFFFA10] =	vst v2  }
0x60: {  	[tilespmem:s4+$0xFFFFFC10] =	vst v5  }
0x61: {  	v5 =	vadd.s32 $0x10000, v4;
	[tilespmem:s5+$0xFFFFFC10] =	vst v2  }
0x62: {  	[tilespmem:s4+$0xFFFFFE10] =	vst v3  }
0x63: {  	v3 =	vadd.s32 $0x14000, v4;
	[tilespmem:s5+$0xFFFFFE10] =	vst v2  }
.Ltmp0:
0x64: {  	[tilespmem:s4+$0x10] =	vst v5;
	(pc) =	sbr.rel @p0 .LBB2_2-.Ltmp0, $4  }
0x65: {  	v5 =	vadd.s32 $0x18000, v4;
	[tilespmem:s5+$0x10] =	vst v2  }
0x66: {  	[tilespmem:s4+$0x210] =	vst v3  }
0x67: {  	v3 =	vadd.s32 $0x1C000, v4;
	[tilespmem:s5+$0x210] =	vst v2  }
0x68: {  	s4 =	sadd.s32 $0x20, s4;
	s5 =	sadd.s32 $0x20, s5;
	[tilespmem:s24+$0x410] =	vst v5  }
0x69: {  	[tilespmem:s29+$0x410] =	vst v2  }
0x6a: {  	[tilespmem:s24+$0x610] =	vst v3  }
0x6b: {  	s3 =	simm.s32 $0xA400;
	[tilespmem:s29+$0x610] =	vst v2  }
0x6c: {  	[tilespmem:s3], [sflag:$0x1] =	stream.indirect.gather [hbm4b:s6+s19], $0x1, s20, s19, $0xb8;
	[tilespmem:$0x12420] =	vst v63  }
0x6d: {  	s26 =	simm.s32 $0xB400  }
0x6e: {  	[tilespmem:s26], [sflag:$0x2] =	stream.indirect.gather [hbm4b:s7+s19], $0x1, s20, s19, $0xb8;
	[tilespmem:$0x12420] =	vst v63  }
0x6f: {  	s28 =	simm.s32 $0xC400  }
0x70: {  	[tilespmem:s28], [sflag:$0x3] =	stream.indirect.gather [hbm4b:s8+s19], $0x1, s20, s19, $0xb8;
	[tilespmem:$0x12420] =	vst v63  }
0x71: {  	s29 =	simm.s32 $0xD400  }
0x72: {  	[tilespmem:s29], [sflag:$0x4] =	stream.indirect.gather [hbm4b:s9+s19], $0x1, s20, s19, $0xb8;
	[tilespmem:$0x12420] =	vst v63  }
0x73: {  	s4 =	simm.s32 $0xE400  }
0x74: {  	[tilespmem:s4], [sflag:$0x5] =	stream.indirect.gather [hbm4b:s10+s19], $0x1, s20, s19, $0xb8;
	[tilespmem:$0x12420] =	vst v63  }
0x75: {  	s5 =	simm.s32 $0xF400  }
0x76: {  	[tilespmem:s5], [sflag:$0x6] =	stream.indirect.gather [hbm4b:s11+s19], $0x1, s20, s19, $0xb8;
	[tilespmem:$0x12420] =	vst v63  }
0x77: {  	s24 =	simm.s32 $0x10400  }
0x78: {  	[tilespmem:s24], [sflag:$0x7] =	stream.indirect.gather [hbm4b:s12+s19], $0x1, s20, s19, $0xb8;
	[tilespmem:$0x12420] =	vst v63  }
0x79: {  	s26 =	simm.s32 $0x11400  }
0x7a: {  	[tilespmem:s26], [sflag:$0x8] =	stream.indirect.gather [hbm4b:s13+s19], $0x1, s20, s19, $0xb8;
	[tilespmem:$0x12420] =	vst v63  }
0x7b: {  	_ =	swait.ge [sflag:s30], $0x8000  }
0x7c: {  	[sflag:s30] =	ssyncset.done $0x0  }
0x7d: {  	[sflag:s30] =	ssyncadd.s32 $0xFFFF8000  }
0x7e: {  	_ =	swait.ge [sflag:s31], $0x1000  }
0x7f: {  	[sflag:s31] =	ssyncset.done $0x0  }
0x80: {  	s28 =	simm.s32 $0xA420;
	[sflag:s31] =	ssyncadd.s32 $0xFFFFF000  }
0x81: {  	s4 =	simm.s32 $0x2420;
	v2 =	vld [tilespmem:s28+$0xFFFFFFE0]  }
0x82: {  	s5 =	simm.s32 $0x1420;
	v3 =	vld [tilespmem:s4+$0xFFFFFFE0]  }
0x83: {  	v4 =	vld [tilespmem:s5+$0x0]  }
0x84: {  	v5 =	vld [tilespmem:s5+$0xFFFFFFF0]  }
0x85: {  	v6 =	vld [tilespmem:s28+$0x0]  }
0x86: {  	v7 =	vld [tilespmem:s28+$0xFFFFFFF0]  }
0x87: {  	v8 =	vld [tilespmem:s4+$0xFFFFFFF0]  }
0x88: {  	v9 =	vld [tilespmem:s5+$0xFFFFFFE0]  }
0x89: {  	v10 =	vld [tilespmem:s4+$0x0]  }
0x8a: {  	v11 =	vld [tilespmem:s28+$0x10]  }
0x8b: {  	v2 =	vsub.f32 v2, v3;
	v3 =	vld [tilespmem:s4+$0x10];
	_ =	sdelay $0x1  }
0x8c: {  	s29 =	simm.s32 $0xA460;
	v7 =	vsub.f32 v7, v8;
	v8 =	vld [tilespmem:s5+$0x10];
	v2 =	vmul.f32 v9, v2  }
0x8d: {  	s24 =	simm.s32 $0x2460;
	v6 =	vsub.f32 v6, v10;
	v9 =	vld [tilespmem:s29+$0xFFFFFFE0]  }
0x8e: {  	v5 =	vmul.f32 v5, v7;
	v7 =	vld [tilespmem:s24+$0xFFFFFFE0];
	v10 =	vand.u32 $0x7FFFFFFF, v2  }
0x8f: {  	v4 =	vmul.f32 v4, v6;
	v12 =	vmin.f32 v10, $1.000000000e+00;
	v3 =	vsub.f32 v11, v3  }
0x90: {  	v14 =	vld [tilespmem:s29+$0xFFFFFFF0];
	v11 =	vand.u32 $0x7FFFFFFF, v5;
	v6 =	vmul.f32 $5.000000000e-01, v12  }
0x91: {  	s26 =	simm.s32 $0x1460;
	v15 =	vld [tilespmem:s24+$0xFFFFFFF0];
	v13 =	vand.u32 $0x7FFFFFFF, v4;
	v5 =	vmin.f32 v11, $1.000000000e+00;
	v4 =	vmul.f32 v8, v3  }
0x92: {  	v17 =	vld [tilespmem:s26+$0xFFFFFFE0];
	v8 =	vmul.f32 $5.000000000e-01, v5;
	v6 =	vmul.f32 v6, v12;
	v12 =	vmin.f32 v13, $1.000000000e+00  }
0x93: {  	v2 =	vld [tilespmem:s26+$0x0];
	v7 =	vsub.f32 v9, v7;
	v9 =	vmul.f32 $5.000000000e-01, v12;
	v4 =	vand.u32 $0x7FFFFFFF, v4  }
0x94: {  	v3 =	vld [tilespmem:s26+$0xFFFFFFF0];
	v8 =	vmul.f32 v8, v5;
	v6 =	vadd.f32 $-1.000000000e+00, v6;
	v16 =	vmin.f32 v4, $1.000000000e+00  }
0x95: {  	v10 =	vmax.f32 v10, $1.000000000e+00;
	v5 =	vld [tilespmem:s29+$0x0];
	v12 =	vmul.f32 v9, v12;
	v18 =	vmul.f32 $5.000000000e-01, v16  }
0x96: {  	v19 =	vimm.f32 $0.0e+00;
	v8 =	vadd.f32 $-1.000000000e+00, v8;
	v9 =	vld [tilespmem:s24+$0x0];
	v10 =	vadd.f32 v6, v10  }
0x97: {  	v11 =	vmax.f32 v11, $1.000000000e+00;
	v6 =	vld [tilespmem:s29+$0x10];
	v20 =	vadd.f32 $-1.000000000e+00, v12;
	v12 =	vmul.f32 v18, v16  }
0x98: {  	v63 =	vadd.f32 v8, v11;
	v8 =	vld [tilespmem:s24+$0x10];
	v62 =	vadd.f32 v10, v19  }
0x99: {  	v11 =	vsub.f32 v14, v15;
	v14 =	vmax.f32 v13, $1.000000000e+00;
	v10 =	vadd.f32 $-1.000000000e+00, v12  }
0x9a: {  	s3 =	simm.s32 $0x4;
	s4 =	simm.s32 $0xA4A0;
	v12 =	vmul.f32 v17, v7;
	v7 =	vld [tilespmem:s26+$0x10];
	v14 =	vadd.f32 v20, v14;
	v13 =	vadd.f32 v63, v62  }
.LBB2_4:
0x9b: {  	v15 =	vld [tilespmem:s4+$0xFFFFFFE0];
	v3 =	vmul.f32 v3, v11;
	v5 =	vsub.f32 v5, v9;
	s24 =	sadd.s32 $0x40, s24;
	v4 =	vmax.f32 v4, $1.000000000e+00  }
0x9c: {  	v9 =	vld [tilespmem:s24+$0xFFFFFFE0];
	v11 =	vand.u32 $0x7FFFFFFF, v12;
	v12 =	vadd.f32 v14, v13;
	v4 =	vadd.f32 v10, v4  }
0x9d: {  	s26 =	sadd.s32 $0x40, s26;
	v10 =	vmin.f32 v11, $1.000000000e+00;
	v5 =	vmul.f32 v2, v5;
	v6 =	vsub.f32 v6, v8  }
0x9e: {  	v13 =	vand.u32 $0x7FFFFFFF, v3;
	v2 =	vld [tilespmem:s26+$0x0];
	v8 =	vmul.f32 $5.000000000e-01, v10;
	v12 =	vadd.f32 v4, v12  }
0x9f: {  	v14 =	vmin.f32 v13, $1.000000000e+00;
	v3 =	vld [tilespmem:s26+$0xFFFFFFF0];
	v16 =	vand.u32 $0x7FFFFFFF, v5;
	v4 =	vmul.f32 v7, v6  }
0xa0: {  	v7 =	vmul.f32 $5.000000000e-01, v14;
	v5 =	vld [tilespmem:s4+$0x0];
	v6 =	vmul.f32 v8, v10;
	v8 =	vmin.f32 v16, $1.000000000e+00  }
0xa1: {  	s3 =	sadd.s32 $0x4, s3;
	v15 =	vsub.f32 v15, v9;
	v10 =	vld [tilespmem:s4+$0xFFFFFFF0];
	v9 =	vmul.f32 $5.000000000e-01, v8;
	v4 =	vand.u32 $0x7FFFFFFF, v4  }
0xa2: {  	p0 =	slt.u32 s3, $0xFC;
	v7 =	vmul.f32 v7, v14;
	v17 =	vld [tilespmem:s24+$0xFFFFFFF0];
	v6 =	vadd.f32 $-1.000000000e+00, v6;
	v14 =	vmin.f32 v4, $1.000000000e+00  }
0xa3: {  	v11 =	vmax.f32 v11, $1.000000000e+00;
	v18 =	vld [tilespmem:s26+$0xFFFFFFE0];
	v8 =	vmul.f32 v9, v8;
	v19 =	vmul.f32 $5.000000000e-01, v14  }
.Ltmp1:
0xa4: {  	v7 =	vadd.f32 $-1.000000000e+00, v7;
	v9 =	vld [tilespmem:s24+$0x0];
	v11 =	vadd.f32 v6, v11;
	(pc) =	sbr.rel @p0 .LBB2_4-.Ltmp1, $4  }
0xa5: {  	v13 =	vmax.f32 v13, $1.000000000e+00;
	v6 =	vld [tilespmem:s4+$0x10];
	v20 =	vadd.f32 $-1.000000000e+00, v8;
	v14 =	vmul.f32 v19, v14  }
0xa6: {  	v13 =	vadd.f32 v7, v13;
	v8 =	vld [tilespmem:s24+$0x10];
	v19 =	vadd.f32 v11, v12  }
0xa7: {  	v16 =	vmax.f32 v16, $1.000000000e+00;
	v11 =	vsub.f32 v10, v17;
	v10 =	vadd.f32 $-1.000000000e+00, v14  }
0xa8: {  	s4 =	sadd.s32 $0x40, s4;
	v14 =	vadd.f32 v20, v16;
	v12 =	vmul.f32 v18, v15;
	v7 =	vld [tilespmem:s26+$0x10];
	v13 =	vadd.f32 v13, v19  }
0xa9: {  	_ =	swait.ge [sflag:s1], $0x1000;
	v5 =	vsub.f32 v5, v9  }
0xaa: {  	v3 =	vmul.f32 v3, v11;
	v4 =	vmax.f32 v4, $1.000000000e+00;
	[sflag:s1] =	ssyncset.done $0x0;
	v9 =	vand.u32 $0x7FFFFFFF, v12  }
0xab: {  	s3 =	simm.s32 $0xB430;
	v11 =	vadd.f32 v14, v13;
	[sflag:s1] =	ssyncadd.s32 $0xFFFFF000;
	v12 =	vmin.f32 v9, $1.000000000e+00;
	v2 =	vmul.f32 v2, v5  }
0xac: {  	s4 =	simm.s32 $0x3430;
	v4 =	vadd.f32 v10, v4;
	v3 =	vand.u32 $0x7FFFFFFF, v3;
	v5 =	vld [tilespmem:s3+$0xFFFFFFD0];
	v10 =	vmul.f32 $5.000000000e-01, v12  }
0xad: {  	s5 =	simm.s32 $0x1420;
	v6 =	vsub.f32 v6, v8;
	v13 =	vld [tilespmem:s4+$0xFFFFFFD0];
	v8 =	vmin.f32 v3, $1.000000000e+00;
	v2 =	vand.u32 $0x7FFFFFFF, v2  }
0xae: {  	v16 =	vld [tilespmem:s5+$0xFFFFFFF0];
	v10 =	vmul.f32 v10, v12;
	v12 =	vmul.f32 $5.000000000e-01, v8;
	v15 =	vmin.f32 v2, $1.000000000e+00  }
0xaf: {  	v9 =	vmax.f32 v9, $1.000000000e+00;
	v17 =	vld [tilespmem:s3+$0xFFFFFFF0];
	v6 =	vmul.f32 v7, v6;
	v7 =	vmul.f32 $5.000000000e-01, v15  }
0xb0: {  	v4 =	vadd.f32 v4, v11;
	v11 =	vld [tilespmem:s3+$0xFFFFFFE0];
	v10 =	vadd.f32 $-1.000000000e+00, v10;
	v8 =	vmul.f32 v12, v8  }
0xb1: {  	v3 =	vmax.f32 v3, $1.000000000e+00;
	v19 =	vld [tilespmem:s4+$0xFFFFFFF0];
	v6 =	vand.u32 $0x7FFFFFFF, v6;
	v7 =	vmul.f32 v7, v15  }
0xb2: {  	v12 =	vld [tilespmem:s4+$0xFFFFFFE0];
	v15 =	vmin.f32 v6, $1.000000000e+00;
	v9 =	vadd.f32 v10, v9;
	v8 =	vadd.f32 $-1.000000000e+00, v8  }
0xb3: {  	v5 =	vsub.f32 v5, v13;
	v10 =	vld [tilespmem:s5+$0xFFFFFFE0];
	v18 =	vmul.f32 $5.000000000e-01, v15;
	v7 =	vadd.f32 $-1.000000000e+00, v7  }
0xb4: {  	v13 =	vld [tilespmem:s4+$0x0];
	v4 =	vadd.f32 v9, v4;
	v3 =	vadd.f32 v8, v3  }
0xb5: {  	v2 =	vmax.f32 v2, $1.000000000e+00;
	v8 =	vld [tilespmem:s3+$0x0];
	v9 =	vmul.f32 v18, v15  }
0xb6: {  	v14 =	vld [tilespmem:s5+$0x0];
	v2 =	vadd.f32 v7, v2;
	v3 =	vadd.f32 v3, v4  }
0xb7: {  	v6 =	vmax.f32 v6, $1.000000000e+00;
	v4 =	vadd.f32 $-1.000000000e+00, v9  }
0xb8: {  	s29 =	simm.s32 $0xB470;
	v7 =	vsub.f32 v11, v12;
	v9 =	vld [tilespmem:s5+$0x10];
	v5 =	vmul.f32 v10, v5;
	v2 =	vadd.f32 v2, v3  }
0xb9: {  	s24 =	simm.s32 $0x3470;
	v10 =	vld [tilespmem:s29+$0xFFFFFFD0];
	v3 =	vsub.f32 v17, v19;
	v4 =	vadd.f32 v4, v6  }
0xba: {  	v6 =	vmul.f32 v16, v7;
	v7 =	vld [tilespmem:s24+$0xFFFFFFD0];
	v5 =	vand.u32 $0x7FFFFFFF, v5;
	v8 =	vsub.f32 v8, v13  }
0xbb: {  	v11 =	vmin.f32 v5, $1.000000000e+00;
	v3 =	vmul.f32 v14, v3;
	v12 =	vadd.f32 v4, v2  }
0xbc: {  	v59 =	vld [tilespmem:s24+$0xFFFFFFE0];
	s3 =	simm.s32 $0x1460;
	v6 =	vand.u32 $0x7FFFFFFF, v6;
	v60 =	vmax.f32 v5, $1.000000000e+00;
	v4 =	vmul.f32 $5.000000000e-01, v11  }
0xbd: {  	v2 =	vld [tilespmem:s3+$0x0];
	v13 =	vmin.f32 v6, $1.000000000e+00;
	v8 =	vmul.f32 v9, v8;
	v14 =	vand.u32 $0x7FFFFFFF, v3  }
0xbe: {  	v5 =	vld [tilespmem:s29+$0xFFFFFFF0];
	v9 =	vmul.f32 v4, v11;
	v11 =	vmul.f32 $5.000000000e-01, v13;
	v15 =	vmin.f32 v14, $1.000000000e+00  }
0xbf: {  	v3 =	vld [tilespmem:s3+$0xFFFFFFF0];
	v7 =	vsub.f32 v10, v7;
	v4 =	vand.u32 $0x7FFFFFFF, v8;
	v58 =	vmul.f32 $5.000000000e-01, v15  }
0xc0: {  	v10 =	vld [tilespmem:s29+$0xFFFFFFE0];
	v8 =	vadd.f32 $-1.000000000e+00, v9;
	v9 =	vmul.f32 v11, v13;
	v11 =	vmin.f32 v4, $1.000000000e+00  }
0xc1: {  	v13 =	vld [tilespmem:s3+$0xFFFFFFE0];
	v15 =	vmul.f32 v58, v15;
	v61 =	vmul.f32 $5.000000000e-01, v11  }
0xc2: {  	v8 =	vadd.f32 v8, v60;
	v62 =	vadd.f32 $-1.000000000e+00, v9;
	v9 =	vld [tilespmem:s24+$0xFFFFFFF0]  }
0xc3: {  	v63 =	vmax.f32 v6, $1.000000000e+00;
	v6 =	vld [tilespmem:s29+$0x0];
	v15 =	vadd.f32 $-1.000000000e+00, v15;
	v16 =	vmul.f32 v61, v11  }
0xc4: {  	v20 =	vadd.f32 v8, v12;
	v18 =	vadd.f32 v62, v63;
	v8 =	vld [tilespmem:s24+$0x0]  }
0xc5: {  	v14 =	vmax.f32 v14, $1.000000000e+00;
	v11 =	vsub.f32 v10, v59;
	v10 =	vadd.f32 $-1.000000000e+00, v16  }
0xc6: {  	s4 =	simm.s32 $0x4;
	s5 =	simm.s32 $0xB4B0;
	v12 =	vmul.f32 v13, v7;
	v7 =	vld [tilespmem:s3+$0x10];
	v14 =	vadd.f32 v15, v14;
	v13 =	vadd.f32 v18, v20  }
.LBB2_6:
0xc7: {  	v15 =	vld [tilespmem:s5+$0xFFFFFFD0];
	v3 =	vmul.f32 v3, v11;
	v5 =	vsub.f32 v5, v9;
	s24 =	sadd.s32 $0x40, s24;
	v4 =	vmax.f32 v4, $1.000000000e+00  }
0xc8: {  	v9 =	vld [tilespmem:s24+$0xFFFFFFD0];
	v11 =	vand.u32 $0x7FFFFFFF, v12;
	v12 =	vadd.f32 v14, v13;
	v4 =	vadd.f32 v10, v4  }
0xc9: {  	s3 =	sadd.s32 $0x40, s3;
	v10 =	vmin.f32 v11, $1.000000000e+00;
	v5 =	vmul.f32 v2, v5;
	v6 =	vsub.f32 v6, v8  }
0xca: {  	v13 =	vand.u32 $0x7FFFFFFF, v3;
	v2 =	vld [tilespmem:s3+$0x0];
	v8 =	vmul.f32 $5.000000000e-01, v10;
	v12 =	vadd.f32 v4, v12  }
0xcb: {  	v14 =	vmin.f32 v13, $1.000000000e+00;
	v3 =	vld [tilespmem:s3+$0xFFFFFFF0];
	v16 =	vand.u32 $0x7FFFFFFF, v5;
	v4 =	vmul.f32 v7, v6  }
0xcc: {  	v7 =	vmul.f32 $5.000000000e-01, v14;
	v5 =	vld [tilespmem:s5+$0xFFFFFFF0];
	v6 =	vmul.f32 v8, v10;
	v8 =	vmin.f32 v16, $1.000000000e+00  }
0xcd: {  	s4 =	sadd.s32 $0x4, s4;
	v15 =	vsub.f32 v15, v9;
	v10 =	vld [tilespmem:s5+$0xFFFFFFE0];
	v9 =	vmul.f32 $5.000000000e-01, v8;
	v4 =	vand.u32 $0x7FFFFFFF, v4  }
0xce: {  	p0 =	slt.u32 s4, $0xFC;
	v7 =	vmul.f32 v7, v14;
	v17 =	vld [tilespmem:s24+$0xFFFFFFE0];
	v6 =	vadd.f32 $-1.000000000e+00, v6;
	v14 =	vmin.f32 v4, $1.000000000e+00  }
0xcf: {  	v11 =	vmax.f32 v11, $1.000000000e+00;
	v18 =	vld [tilespmem:s3+$0xFFFFFFE0];
	v8 =	vmul.f32 v9, v8;
	v19 =	vmul.f32 $5.000000000e-01, v14  }
.Ltmp2:
0xd0: {  	v7 =	vadd.f32 $-1.000000000e+00, v7;
	v9 =	vld [tilespmem:s24+$0xFFFFFFF0];
	v11 =	vadd.f32 v6, v11;
	(pc) =	sbr.rel @p0 .LBB2_6-.Ltmp2, $4  }
0xd1: {  	v13 =	vmax.f32 v13, $1.000000000e+00;
	v6 =	vld [tilespmem:s5+$0x0];
	v20 =	vadd.f32 $-1.000000000e+00, v8;
	v14 =	vmul.f32 v19, v14  }
0xd2: {  	v13 =	vadd.f32 v7, v13;
	v8 =	vld [tilespmem:s24+$0x0];
	v19 =	vadd.f32 v11, v12  }
0xd3: {  	v16 =	vmax.f32 v16, $1.000000000e+00;
	v11 =	vsub.f32 v10, v17;
	v10 =	vadd.f32 $-1.000000000e+00, v14  }
0xd4: {  	s5 =	sadd.s32 $0x40, s5;
	v14 =	vadd.f32 v20, v16;
	v12 =	vmul.f32 v18, v15;
	v7 =	vld [tilespmem:s3+$0x10];
	v13 =	vadd.f32 v13, v19  }
0xd5: {  	_ =	swait.ge [sflag:s0], $0x1000;
	v5 =	vsub.f32 v5, v9  }
0xd6: {  	v3 =	vmul.f32 v3, v11;
	v4 =	vmax.f32 v4, $1.000000000e+00;
	[sflag:s0] =	ssyncset.done $0x0;
	v9 =	vand.u32 $0x7FFFFFFF, v12  }
0xd7: {  	s3 =	simm.s32 $0xC430;
	v11 =	vadd.f32 v14, v13;
	[sflag:s0] =	ssyncadd.s32 $0xFFFFF000;
	v12 =	vmin.f32 v9, $1.000000000e+00;
	v2 =	vmul.f32 v2, v5  }
0xd8: {  	s4 =	simm.s32 $0x4430;
	v4 =	vadd.f32 v10, v4;
	v3 =	vand.u32 $0x7FFFFFFF, v3;
	v5 =	vld [tilespmem:s3+$0xFFFFFFD0];
	v10 =	vmul.f32 $5.000000000e-01, v12  }
0xd9: {  	s5 =	simm.s32 $0x1420;
	v6 =	vsub.f32 v6, v8;
	v13 =	vld [tilespmem:s4+$0xFFFFFFD0];
	v8 =	vmin.f32 v3, $1.000000000e+00;
	v2 =	vand.u32 $0x7FFFFFFF, v2  }
0xda: {  	v16 =	vld [tilespmem:s5+$0xFFFFFFF0];
	v10 =	vmul.f32 v10, v12;
	v12 =	vmul.f32 $5.000000000e-01, v8;
	v15 =	vmin.f32 v2, $1.000000000e+00  }
0xdb: {  	v9 =	vmax.f32 v9, $1.000000000e+00;
	v17 =	vld [tilespmem:s3+$0xFFFFFFF0];
	v6 =	vmul.f32 v7, v6;
	v7 =	vmul.f32 $5.000000000e-01, v15  }
0xdc: {  	v4 =	vadd.f32 v4, v11;
	v11 =	vld [tilespmem:s3+$0xFFFFFFE0];
	v10 =	vadd.f32 $-1.000000000e+00, v10;
	v8 =	vmul.f32 v12, v8  }
0xdd: {  	v3 =	vmax.f32 v3, $1.000000000e+00;
	v19 =	vld [tilespmem:s4+$0xFFFFFFF0];
	v6 =	vand.u32 $0x7FFFFFFF, v6;
	v7 =	vmul.f32 v7, v15  }
0xde: {  	v12 =	vld [tilespmem:s4+$0xFFFFFFE0];
	v15 =	vmin.f32 v6, $1.000000000e+00;
	v9 =	vadd.f32 v10, v9;
	v8 =	vadd.f32 $-1.000000000e+00, v8  }
0xdf: {  	v5 =	vsub.f32 v5, v13;
	v10 =	vld [tilespmem:s5+$0xFFFFFFE0];
	v18 =	vmul.f32 $5.000000000e-01, v15;
	v7 =	vadd.f32 $-1.000000000e+00, v7  }
0xe0: {  	v13 =	vld [tilespmem:s4+$0x0];
	v4 =	vadd.f32 v9, v4;
	v3 =	vadd.f32 v8, v3  }
0xe1: {  	v2 =	vmax.f32 v2, $1.000000000e+00;
	v8 =	vld [tilespmem:s3+$0x0];
	v9 =	vmul.f32 v18, v15  }
0xe2: {  	v14 =	vld [tilespmem:s5+$0x0];
	v2 =	vadd.f32 v7, v2;
	v3 =	vadd.f32 v3, v4  }
0xe3: {  	v6 =	vmax.f32 v6, $1.000000000e+00;
	v4 =	vadd.f32 $-1.000000000e+00, v9  }
0xe4: {  	s29 =	simm.s32 $0xC470;
	v7 =	vsub.f32 v11, v12;
	v9 =	vld [tilespmem:s5+$0x10];
	v5 =	vmul.f32 v10, v5;
	v2 =	vadd.f32 v2, v3  }
0xe5: {  	s24 =	simm.s32 $0x4470;
	v10 =	vld [tilespmem:s29+$0xFFFFFFD0];
	v3 =	vsub.f32 v17, v19;
	v4 =	vadd.f32 v4, v6  }
0xe6: {  	v6 =	vmul.f32 v16, v7;
	v7 =	vld [tilespmem:s24+$0xFFFFFFD0];
	v5 =	vand.u32 $0x7FFFFFFF, v5;
	v8 =	vsub.f32 v8, v13  }
0xe7: {  	v11 =	vmin.f32 v5, $1.000000000e+00;
	v3 =	vmul.f32 v14, v3;
	v12 =	vadd.f32 v4, v2  }
0xe8: {  	v59 =	vld [tilespmem:s24+$0xFFFFFFE0];
	s3 =	simm.s32 $0x1460;
	v6 =	vand.u32 $0x7FFFFFFF, v6;
	v60 =	vmax.f32 v5, $1.000000000e+00;
	v4 =	vmul.f32 $5.000000000e-01, v11  }
0xe9: {  	v2 =	vld [tilespmem:s3+$0x0];
	v13 =	vmin.f32 v6, $1.000000000e+00;
	v8 =	vmul.f32 v9, v8;
	v14 =	vand.u32 $0x7FFFFFFF, v3  }
0xea: {  	v5 =	vld [tilespmem:s29+$0xFFFFFFF0];
	v9 =	vmul.f32 v4, v11;
	v11 =	vmul.f32 $5.000000000e-01, v13;
	v15 =	vmin.f32 v14, $1.000000000e+00  }
0xeb: {  	v3 =	vld [tilespmem:s3+$0xFFFFFFF0];
	v7 =	vsub.f32 v10, v7;
	v4 =	vand.u32 $0x7FFFFFFF, v8;
	v58 =	vmul.f32 $5.000000000e-01, v15  }
0xec: {  	v10 =	vld [tilespmem:s29+$0xFFFFFFE0];
	v8 =	vadd.f32 $-1.000000000e+00, v9;
	v9 =	vmul.f32 v11, v13;
	v11 =	vmin.f32 v4, $1.000000000e+00  }
0xed: {  	v13 =	vld [tilespmem:s3+$0xFFFFFFE0];
	v15 =	vmul.f32 v58, v15;
	v61 =	vmul.f32 $5.000000000e-01, v11  }
0xee: {  	v8 =	vadd.f32 v8, v60;
	v62 =	vadd.f32 $-1.000000000e+00, v9;
	v9 =	vld [tilespmem:s24+$0xFFFFFFF0]  }
0xef: {  	v63 =	vmax.f32 v6, $1.000000000e+00;
	v6 =	vld [tilespmem:s29+$0x0];
	v15 =	vadd.f32 $-1.000000000e+00, v15;
	v16 =	vmul.f32 v61, v11  }
0xf0: {  	v20 =	vadd.f32 v8, v12;
	v18 =	vadd.f32 v62, v63;
	v8 =	vld [tilespmem:s24+$0x0]  }
0xf1: {  	v14 =	vmax.f32 v14, $1.000000000e+00;
	v11 =	vsub.f32 v10, v59;
	v10 =	vadd.f32 $-1.000000000e+00, v16  }
0xf2: {  	s4 =	simm.s32 $0x4;
	s5 =	simm.s32 $0xC4B0;
	v12 =	vmul.f32 v13, v7;
	v7 =	vld [tilespmem:s3+$0x10];
	v14 =	vadd.f32 v15, v14;
	v13 =	vadd.f32 v18, v20  }
.LBB2_8:
0xf3: {  	v15 =	vld [tilespmem:s5+$0xFFFFFFD0];
	v3 =	vmul.f32 v3, v11;
	v5 =	vsub.f32 v5, v9;
	s24 =	sadd.s32 $0x40, s24;
	v4 =	vmax.f32 v4, $1.000000000e+00  }
0xf4: {  	v9 =	vld [tilespmem:s24+$0xFFFFFFD0];
	v11 =	vand.u32 $0x7FFFFFFF, v12;
	v12 =	vadd.f32 v14, v13;
	v4 =	vadd.f32 v10, v4  }
0xf5: {  	s3 =	sadd.s32 $0x40, s3;
	v10 =	vmin.f32 v11, $1.000000000e+00;
	v5 =	vmul.f32 v2, v5;
	v6 =	vsub.f32 v6, v8  }
0xf6: {  	v13 =	vand.u32 $0x7FFFFFFF, v3;
	v2 =	vld [tilespmem:s3+$0x0];
	v8 =	vmul.f32 $5.000000000e-01, v10;
	v12 =	vadd.f32 v4, v12  }
0xf7: {  	v14 =	vmin.f32 v13, $1.000000000e+00;
	v3 =	vld [tilespmem:s3+$0xFFFFFFF0];
	v16 =	vand.u32 $0x7FFFFFFF, v5;
	v4 =	vmul.f32 v7, v6  }
0xf8: {  	v7 =	vmul.f32 $5.000000000e-01, v14;
	v5 =	vld [tilespmem:s5+$0xFFFFFFF0];
	v6 =	vmul.f32 v8, v10;
	v8 =	vmin.f32 v16, $1.000000000e+00  }
0xf9: {  	s4 =	sadd.s32 $0x4, s4;
	v15 =	vsub.f32 v15, v9;
	v10 =	vld [tilespmem:s5+$0xFFFFFFE0];
	v9 =	vmul.f32 $5.000000000e-01, v8;
	v4 =	vand.u32 $0x7FFFFFFF, v4  }
0xfa: {  	p0 =	slt.u32 s4, $0xFC;
	v7 =	vmul.f32 v7, v14;
	v17 =	vld [tilespmem:s24+$0xFFFFFFE0];
	v6 =	vadd.f32 $-1.000000000e+00, v6;
	v14 =	vmin.f32 v4, $1.000000000e+00  }
0xfb: {  	v11 =	vmax.f32 v11, $1.000000000e+00;
	v18 =	vld [tilespmem:s3+$0xFFFFFFE0];
	v8 =	vmul.f32 v9, v8;
	v19 =	vmul.f32 $5.000000000e-01, v14  }
.Ltmp3:
0xfc: {  	v7 =	vadd.f32 $-1.000000000e+00, v7;
	v9 =	vld [tilespmem:s24+$0xFFFFFFF0];
	v11 =	vadd.f32 v6, v11;
	(pc) =	sbr.rel @p0 .LBB2_8-.Ltmp3, $4  }
0xfd: {  	v13 =	vmax.f32 v13, $1.000000000e+00;
	v6 =	vld [tilespmem:s5+$0x0];
	v20 =	vadd.f32 $-1.000000000e+00, v8;
	v14 =	vmul.f32 v19, v14  }
0xfe: {  	v13 =	vadd.f32 v7, v13;
	v8 =	vld [tilespmem:s24+$0x0];
	v19 =	vadd.f32 v11, v12  }
0xff: {  	v16 =	vmax.f32 v16, $1.000000000e+00;
	v11 =	vsub.f32 v10, v17;
	v10 =	vadd.f32 $-1.000000000e+00, v14  }
0x100: {  	s5 =	sadd.s32 $0x40, s5;
	v14 =	vadd.f32 v20, v16;
	v12 =	vmul.f32 v18, v15;
	v7 =	vld [tilespmem:s3+$0x10];
	v13 =	vadd.f32 v13, v19  }
0x101: {  	_ =	swait.ge [sflag:s16], $0x1000;
	v5 =	vsub.f32 v5, v9  }
0x102: {  	v3 =	vmul.f32 v3, v11;
	v4 =	vmax.f32 v4, $1.000000000e+00;
	[sflag:s16] =	ssyncset.done $0x0;
	v9 =	vand.u32 $0x7FFFFFFF, v12  }
0x103: {  	s3 =	simm.s32 $0xD430;
	v11 =	vadd.f32 v14, v13;
	[sflag:s16] =	ssyncadd.s32 $0xFFFFF000;
	v12 =	vmin.f32 v9, $1.000000000e+00;
	v2 =	vmul.f32 v2, v5  }
0x104: {  	s4 =	simm.s32 $0x5430;
	v4 =	vadd.f32 v10, v4;
	v3 =	vand.u32 $0x7FFFFFFF, v3;
	v5 =	vld [tilespmem:s3+$0xFFFFFFD0];
	v10 =	vmul.f32 $5.000000000e-01, v12  }
0x105: {  	s5 =	simm.s32 $0x1420;
	v6 =	vsub.f32 v6, v8;
	v13 =	vld [tilespmem:s4+$0xFFFFFFD0];
	v8 =	vmin.f32 v3, $1.000000000e+00;
	v2 =	vand.u32 $0x7FFFFFFF, v2  }
0x106: {  	v16 =	vld [tilespmem:s5+$0xFFFFFFF0];
	v10 =	vmul.f32 v10, v12;
	v12 =	vmul.f32 $5.000000000e-01, v8;
	v15 =	vmin.f32 v2, $1.000000000e+00  }
0x107: {  	v9 =	vmax.f32 v9, $1.000000000e+00;
	v17 =	vld [tilespmem:s3+$0xFFFFFFF0];
	v6 =	vmul.f32 v7, v6;
	v7 =	vmul.f32 $5.000000000e-01, v15  }
0x108: {  	v4 =	vadd.f32 v4, v11;
	v11 =	vld [tilespmem:s3+$0xFFFFFFE0];
	v10 =	vadd.f32 $-1.000000000e+00, v10;
	v8 =	vmul.f32 v12, v8  }
0x109: {  	v3 =	vmax.f32 v3, $1.000000000e+00;
	v19 =	vld [tilespmem:s4+$0xFFFFFFF0];
	v6 =	vand.u32 $0x7FFFFFFF, v6;
	v7 =	vmul.f32 v7, v15  }
0x10a: {  	v12 =	vld [tilespmem:s4+$0xFFFFFFE0];
	v15 =	vmin.f32 v6, $1.000000000e+00;
	v9 =	vadd.f32 v10, v9;
	v8 =	vadd.f32 $-1.000000000e+00, v8  }
0x10b: {  	v5 =	vsub.f32 v5, v13;
	v10 =	vld [tilespmem:s5+$0xFFFFFFE0];
	v18 =	vmul.f32 $5.000000000e-01, v15;
	v7 =	vadd.f32 $-1.000000000e+00, v7  }
0x10c: {  	v13 =	vld [tilespmem:s4+$0x0];
	v4 =	vadd.f32 v9, v4;
	v3 =	vadd.f32 v8, v3  }
0x10d: {  	v2 =	vmax.f32 v2, $1.000000000e+00;
	v8 =	vld [tilespmem:s3+$0x0];
	v9 =	vmul.f32 v18, v15  }
0x10e: {  	v14 =	vld [tilespmem:s5+$0x0];
	v2 =	vadd.f32 v7, v2;
	v3 =	vadd.f32 v3, v4  }
0x10f: {  	v6 =	vmax.f32 v6, $1.000000000e+00;
	v4 =	vadd.f32 $-1.000000000e+00, v9  }
0x110: {  	s29 =	simm.s32 $0xD470;
	v7 =	vsub.f32 v11, v12;
	v9 =	vld [tilespmem:s5+$0x10];
	v5 =	vmul.f32 v10, v5;
	v2 =	vadd.f32 v2, v3  }
0x111: {  	s24 =	simm.s32 $0x5470;
	v10 =	vld [tilespmem:s29+$0xFFFFFFD0];
	v3 =	vsub.f32 v17, v19;
	v4 =	vadd.f32 v4, v6  }
0x112: {  	v6 =	vmul.f32 v16, v7;
	v7 =	vld [tilespmem:s24+$0xFFFFFFD0];
	v5 =	vand.u32 $0x7FFFFFFF, v5;
	v8 =	vsub.f32 v8, v13  }
0x113: {  	v11 =	vmin.f32 v5, $1.000000000e+00;
	v3 =	vmul.f32 v14, v3;
	v12 =	vadd.f32 v4, v2  }
0x114: {  	v59 =	vld [tilespmem:s24+$0xFFFFFFE0];
	s3 =	simm.s32 $0x1460;
	v6 =	vand.u32 $0x7FFFFFFF, v6;
	v60 =	vmax.f32 v5, $1.000000000e+00;
	v4 =	vmul.f32 $5.000000000e-01, v11  }
0x115: {  	v2 =	vld [tilespmem:s3+$0x0];
	v13 =	vmin.f32 v6, $1.000000000e+00;
	v8 =	vmul.f32 v9, v8;
	v14 =	vand.u32 $0x7FFFFFFF, v3  }
0x116: {  	v5 =	vld [tilespmem:s29+$0xFFFFFFF0];
	v9 =	vmul.f32 v4, v11;
	v11 =	vmul.f32 $5.000000000e-01, v13;
	v15 =	vmin.f32 v14, $1.000000000e+00  }
0x117: {  	v3 =	vld [tilespmem:s3+$0xFFFFFFF0];
	v7 =	vsub.f32 v10, v7;
	v4 =	vand.u32 $0x7FFFFFFF, v8;
	v58 =	vmul.f32 $5.000000000e-01, v15  }
0x118: {  	v10 =	vld [tilespmem:s29+$0xFFFFFFE0];
	v8 =	vadd.f32 $-1.000000000e+00, v9;
	v9 =	vmul.f32 v11, v13;
	v11 =	vmin.f32 v4, $1.000000000e+00  }
0x119: {  	v13 =	vld [tilespmem:s3+$0xFFFFFFE0];
	v15 =	vmul.f32 v58, v15;
	v61 =	vmul.f32 $5.000000000e-01, v11  }
0x11a: {  	v8 =	vadd.f32 v8, v60;
	v62 =	vadd.f32 $-1.000000000e+00, v9;
	v9 =	vld [tilespmem:s24+$0xFFFFFFF0]  }
0x11b: {  	v63 =	vmax.f32 v6, $1.000000000e+00;
	v6 =	vld [tilespmem:s29+$0x0];
	v15 =	vadd.f32 $-1.000000000e+00, v15;
	v16 =	vmul.f32 v61, v11  }
0x11c: {  	v20 =	vadd.f32 v8, v12;
	v18 =	vadd.f32 v62, v63;
	v8 =	vld [tilespmem:s24+$0x0]  }
0x11d: {  	v14 =	vmax.f32 v14, $1.000000000e+00;
	v11 =	vsub.f32 v10, v59;
	v10 =	vadd.f32 $-1.000000000e+00, v16  }
0x11e: {  	s4 =	simm.s32 $0x4;
	s5 =	simm.s32 $0xD4B0;
	v12 =	vmul.f32 v13, v7;
	v7 =	vld [tilespmem:s3+$0x10];
	v14 =	vadd.f32 v15, v14;
	v13 =	vadd.f32 v18, v20  }
.LBB2_10:
0x11f: {  	v15 =	vld [tilespmem:s5+$0xFFFFFFD0];
	v3 =	vmul.f32 v3, v11;
	v5 =	vsub.f32 v5, v9;
	s24 =	sadd.s32 $0x40, s24;
	v4 =	vmax.f32 v4, $1.000000000e+00  }
0x120: {  	v9 =	vld [tilespmem:s24+$0xFFFFFFD0];
	v11 =	vand.u32 $0x7FFFFFFF, v12;
	v12 =	vadd.f32 v14, v13;
	v4 =	vadd.f32 v10, v4  }
0x121: {  	s3 =	sadd.s32 $0x40, s3;
	v10 =	vmin.f32 v11, $1.000000000e+00;
	v5 =	vmul.f32 v2, v5;
	v6 =	vsub.f32 v6, v8  }
0x122: {  	v13 =	vand.u32 $0x7FFFFFFF, v3;
	v2 =	vld [tilespmem:s3+$0x0];
	v8 =	vmul.f32 $5.000000000e-01, v10;
	v12 =	vadd.f32 v4, v12  }
0x123: {  	v14 =	vmin.f32 v13, $1.000000000e+00;
	v3 =	vld [tilespmem:s3+$0xFFFFFFF0];
	v16 =	vand.u32 $0x7FFFFFFF, v5;
	v4 =	vmul.f32 v7, v6  }
0x124: {  	v7 =	vmul.f32 $5.000000000e-01, v14;
	v5 =	vld [tilespmem:s5+$0xFFFFFFF0];
	v6 =	vmul.f32 v8, v10;
	v8 =	vmin.f32 v16, $1.000000000e+00  }
0x125: {  	s4 =	sadd.s32 $0x4, s4;
	v15 =	vsub.f32 v15, v9;
	v10 =	vld [tilespmem:s5+$0xFFFFFFE0];
	v9 =	vmul.f32 $5.000000000e-01, v8;
	v4 =	vand.u32 $0x7FFFFFFF, v4  }
0x126: {  	p0 =	slt.u32 s4, $0xFC;
	v7 =	vmul.f32 v7, v14;
	v17 =	vld [tilespmem:s24+$0xFFFFFFE0];
	v6 =	vadd.f32 $-1.000000000e+00, v6;
	v14 =	vmin.f32 v4, $1.000000000e+00  }
0x127: {  	v11 =	vmax.f32 v11, $1.000000000e+00;
	v18 =	vld [tilespmem:s3+$0xFFFFFFE0];
	v8 =	vmul.f32 v9, v8;
	v19 =	vmul.f32 $5.000000000e-01, v14  }
.Ltmp4:
0x128: {  	v7 =	vadd.f32 $-1.000000000e+00, v7;
	v9 =	vld [tilespmem:s24+$0xFFFFFFF0];
	v11 =	vadd.f32 v6, v11;
	(pc) =	sbr.rel @p0 .LBB2_10-.Ltmp4, $4  }
0x129: {  	v13 =	vmax.f32 v13, $1.000000000e+00;
	v6 =	vld [tilespmem:s5+$0x0];
	v20 =	vadd.f32 $-1.000000000e+00, v8;
	v14 =	vmul.f32 v19, v14  }
0x12a: {  	v13 =	vadd.f32 v7, v13;
	v8 =	vld [tilespmem:s24+$0x0];
	v19 =	vadd.f32 v11, v12  }
0x12b: {  	v16 =	vmax.f32 v16, $1.000000000e+00;
	v11 =	vsub.f32 v10, v17;
	v10 =	vadd.f32 $-1.000000000e+00, v14  }
0x12c: {  	s5 =	sadd.s32 $0x40, s5;
	v14 =	vadd.f32 v20, v16;
	v12 =	vmul.f32 v18, v15;
	v7 =	vld [tilespmem:s3+$0x10];
	v13 =	vadd.f32 v13, v19  }
0x12d: {  	_ =	swait.ge [sflag:s18], $0x1000  }
0x12e: {  	v5 =	vsub.f32 v5, v9;
	[sflag:s18] =	ssyncset.done $0x0  }
0x12f: {  	v3 =	vmul.f32 v3, v11;
	v4 =	vmax.f32 v4, $1.000000000e+00;
	s3 =	simm.s32 $0x0;
	v9 =	vand.u32 $0x7FFFFFFF, v12;
	[sflag:s18] =	ssyncadd.s32 $0xFFFFF000  }
0x130: {  	v11 =	vadd.f32 v14, v13;
	v12 =	vmin.f32 v9, $1.000000000e+00;
	v2 =	vmul.f32 v2, v5;
	v5 =	vld [tilespmem:s3+$0xE400]  }
0x131: {  	v4 =	vadd.f32 v10, v4;
	v3 =	vand.u32 $0x7FFFFFFF, v3;
	v10 =	vmul.f32 $5.000000000e-01, v12;
	v13 =	vld [tilespmem:s3+$0x6400]  }
0x132: {  	v6 =	vsub.f32 v6, v8;
	v8 =	vmin.f32 v3, $1.000000000e+00;
	v14 =	vld [tilespmem:s3+$0x1420];
	v2 =	vand.u32 $0x7FFFFFFF, v2  }
0x133: {  	v16 =	vld [tilespmem:s3+$0x1410];
	v10 =	vmul.f32 v10, v12;
	v12 =	vmul.f32 $5.000000000e-01, v8;
	v15 =	vmin.f32 v2, $1.000000000e+00  }
0x134: {  	v9 =	vmax.f32 v9, $1.000000000e+00;
	v17 =	vld [tilespmem:s3+$0xE420];
	v6 =	vmul.f32 v7, v6;
	v7 =	vmul.f32 $5.000000000e-01, v15  }
0x135: {  	v4 =	vadd.f32 v4, v11;
	v11 =	vld [tilespmem:s3+$0xE410];
	v10 =	vadd.f32 $-1.000000000e+00, v10;
	v8 =	vmul.f32 v12, v8  }
0x136: {  	v3 =	vmax.f32 v3, $1.000000000e+00;
	v6 =	vand.u32 $0x7FFFFFFF, v6;
	v12 =	vld [tilespmem:s3+$0x6410];
	v7 =	vmul.f32 v7, v15  }
0x137: {  	v15 =	vmin.f32 v6, $1.000000000e+00;
	v9 =	vadd.f32 v10, v9;
	v8 =	vadd.f32 $-1.000000000e+00, v8;
	v10 =	vld [tilespmem:s3+$0x1400]  }
0x138: {  	v19 =	vld [tilespmem:s3+$0x6420];
	v5 =	vsub.f32 v5, v13;
	v18 =	vmul.f32 $5.000000000e-01, v15;
	v7 =	vadd.f32 $-1.000000000e+00, v7  }
0x139: {  	v13 =	vld [tilespmem:s3+$0x6430];
	v4 =	vadd.f32 v9, v4;
	v3 =	vadd.f32 v8, v3  }
0x13a: {  	v2 =	vmax.f32 v2, $1.000000000e+00;
	v8 =	vld [tilespmem:s3+$0xE430];
	v9 =	vmul.f32 v18, v15  }
0x13b: {  	v2 =	vadd.f32 v7, v2;
	v3 =	vadd.f32 v3, v4  }
0x13c: {  	s24 =	simm.s32 $0x40;
	v7 =	vsub.f32 v11, v12;
	v4 =	vadd.f32 $-1.000000000e+00, v9;
	v9 =	vld [tilespmem:s3+$0x1430];
	v5 =	vmul.f32 v10, v5  }
0x13d: {  	v6 =	vmax.f32 v6, $1.000000000e+00;
	v10 =	vld [tilespmem:s24+$0xE400];
	v2 =	vadd.f32 v2, v3;
	v3 =	vsub.f32 v17, v19  }
0x13e: {  	v4 =	vadd.f32 v4, v6;
	v6 =	vmul.f32 v16, v7;
	v7 =	vld [tilespmem:s24+$0x6400];
	v11 =	vand.u32 $0x7FFFFFFF, v5  }
0x13f: {  	v8 =	vsub.f32 v8, v13;
	v5 =	vmin.f32 v11, $1.000000000e+00;
	v3 =	vmul.f32 v14, v3  }
0x140: {  	v18 =	vld [tilespmem:s24+$0x6410];
	v13 =	vadd.f32 v4, v2;
	v12 =	vand.u32 $0x7FFFFFFF, v6;
	v4 =	vmul.f32 $5.000000000e-01, v5  }
0x141: {  	v17 =	vld [tilespmem:s24+$0xE410];
	v14 =	vmin.f32 v12, $1.000000000e+00;
	v8 =	vmul.f32 v9, v8;
	v16 =	vand.u32 $0x7FFFFFFF, v3  }
0x142: {  	v2 =	vld [tilespmem:s24+$0x1420];
	v9 =	vmul.f32 $5.000000000e-01, v14;
	v4 =	vmul.f32 v4, v5;
	v15 =	vmin.f32 v16, $1.000000000e+00  }
0x143: {  	v3 =	vld [tilespmem:s24+$0x1410];
	v6 =	vsub.f32 v10, v7;
	v5 =	vand.u32 $0x7FFFFFFF, v8;
	v7 =	vmul.f32 $5.000000000e-01, v15  }
0x144: {  	v10 =	vld [tilespmem:s24+$0x1400];
	v9 =	vmul.f32 v9, v14;
	v14 =	vmin.f32 v5, $1.000000000e+00;
	v8 =	vadd.f32 $-1.000000000e+00, v4  }
0x145: {  	v11 =	vmax.f32 v11, $1.000000000e+00;
	v4 =	vld [tilespmem:s24+$0xE420];
	v7 =	vmul.f32 v7, v15;
	v15 =	vmul.f32 $5.000000000e-01, v14  }
0x146: {  	v8 =	vadd.f32 v8, v11;
	v11 =	vadd.f32 $-1.000000000e+00, v9;
	v9 =	vld [tilespmem:s24+$0x6420]  }
0x147: {  	v19 =	vmax.f32 v12, $1.000000000e+00;
	v12 =	vadd.f32 $-1.000000000e+00, v7;
	v20 =	vmul.f32 v15, v14;
	v7 =	vld [tilespmem:s24+$0xE430]  }
0x148: {  	v14 =	vadd.f32 v8, v13;
	v15 =	vadd.f32 v11, v19;
	v8 =	vld [tilespmem:s24+$0x6430]  }
0x149: {  	s4 =	simm.s32 $0x200;
	s3 =	simm.s32 $0x4;
	v16 =	vmax.f32 v16, $1.000000000e+00;
	v13 =	vsub.f32 v17, v18;
	v11 =	vadd.f32 $-1.000000000e+00, v20  }
.LBB2_12:
0x14a: {  	v6 =	vmul.f32 v10, v6;
	v10 =	vld [tilespmem:s24+$0x1430];
	s24 =	sshra.s32 s4, $0x2;
	v14 =	vadd.f32 v15, v14;
	v12 =	vadd.f32 v12, v16  }
0x14b: {  	v5 =	vmax.f32 v5, $1.000000000e+00;
	v15 =	vld [tilespmem:s24+$0xE400];
	v3 =	vmul.f32 v3, v13;
	v4 =	vsub.f32 v4, v9  }
0x14c: {  	v5 =	vadd.f32 v11, v5;
	v9 =	vld [tilespmem:s24+$0x6400];
	v13 =	vand.u32 $0x7FFFFFFF, v6;
	v6 =	vadd.f32 v12, v14  }
0x14d: {  	v11 =	vmin.f32 v13, $1.000000000e+00;
	v4 =	vmul.f32 v2, v4;
	v7 =	vsub.f32 v7, v8  }
0x14e: {  	v12 =	vand.u32 $0x7FFFFFFF, v3;
	v2 =	vld [tilespmem:s24+$0x1420];
	v8 =	vmul.f32 $5.000000000e-01, v11;
	v14 =	vadd.f32 v5, v6  }
0x14f: {  	v16 =	vmin.f32 v12, $1.000000000e+00;
	v3 =	vld [tilespmem:s24+$0x1410];
	v17 =	vand.u32 $0x7FFFFFFF, v4;
	v5 =	vmul.f32 v10, v7  }
0x150: {  	s3 =	sadd.s32 $0x4, s3;
	v4 =	vld [tilespmem:s24+$0xE420];
	v7 =	vmul.f32 v8, v11;
	v8 =	vmul.f32 $5.000000000e-01, v16;
	v11 =	vmin.f32 v17, $1.000000000e+00  }
0x151: {  	p0 =	slt.u32 s3, $0xFC;
	v6 =	vsub.f32 v15, v9;
	v18 =	vld [tilespmem:s24+$0xE410];
	v9 =	vmul.f32 $5.000000000e-01, v11;
	v5 =	vand.u32 $0x7FFFFFFF, v5  }
0x152: {  	v19 =	vld [tilespmem:s24+$0x6410];
	v7 =	vadd.f32 $-1.000000000e+00, v7;
	v8 =	vmul.f32 v8, v16;
	v15 =	vmin.f32 v5, $1.000000000e+00  }
.Ltmp5:
0x153: {  	v13 =	vmax.f32 v13, $1.000000000e+00;
	v10 =	vld [tilespmem:s24+$0x1400];
	v11 =	vmul.f32 v9, v11;
	v16 =	vmul.f32 $5.000000000e-01, v15;
	(pc) =	sbr.rel @p0 .LBB2_12-.Ltmp5, $4  }
0x154: {  	v9 =	vld [tilespmem:s24+$0x6420];
	v13 =	vadd.f32 v7, v13;
	v20 =	vadd.f32 $-1.000000000e+00, v8  }
0x155: {  	v21 =	vmax.f32 v12, $1.000000000e+00;
	v7 =	vld [tilespmem:s24+$0xE430];
	v12 =	vadd.f32 $-1.000000000e+00, v11;
	v11 =	vmul.f32 v16, v15  }
0x156: {  	v8 =	vld [tilespmem:s24+$0x6430];
	v14 =	vadd.f32 v13, v14;
	v15 =	vadd.f32 v20, v21  }
0x157: {  	s4 =	sadd.s32 $0x100, s4;
	v16 =	vmax.f32 v17, $1.000000000e+00;
	v13 =	vsub.f32 v18, v19;
	v11 =	vadd.f32 $-1.000000000e+00, v11  }
0x158: {  	v17 =	vld [tilespmem:s24+$0x1430];
	v6 =	vmul.f32 v10, v6;
	v10 =	vadd.f32 v15, v14;
	_ =	swait.ge [sflag:s21], $0x1000  }
0x159: {  	v12 =	vadd.f32 v12, v16;
	v4 =	vsub.f32 v4, v9;
	[sflag:s21] =	ssyncset.done $0x0  }
0x15a: {  	v5 =	vmax.f32 v5, $1.000000000e+00;
	s3 =	simm.s32 $0x0;
	v3 =	vmul.f32 v3, v13;
	v6 =	vand.u32 $0x7FFFFFFF, v6;
	[sflag:s21] =	ssyncadd.s32 $0xFFFFF000  }
0x15b: {  	v9 =	vadd.f32 v12, v10;
	v10 =	vmin.f32 v6, $1.000000000e+00;
	v2 =	vmul.f32 v2, v4;
	v4 =	vld [tilespmem:s3+$0xF400]  }
0x15c: {  	v5 =	vadd.f32 v11, v5;
	v3 =	vand.u32 $0x7FFFFFFF, v3;
	v12 =	vld [tilespmem:s3+$0x7400];
	v11 =	vmul.f32 $5.000000000e-01, v10  }
0x15d: {  	v7 =	vsub.f32 v7, v8;
	v13 =	vld [tilespmem:s3+$0x1420];
	v8 =	vmin.f32 v3, $1.000000000e+00;
	v2 =	vand.u32 $0x7FFFFFFF, v2  }
0x15e: {  	v15 =	vld [tilespmem:s3+$0x1410];
	v10 =	vmul.f32 v11, v10;
	v11 =	vmul.f32 $5.000000000e-01, v8;
	v14 =	vmin.f32 v2, $1.000000000e+00  }
0x15f: {  	v6 =	vmax.f32 v6, $1.000000000e+00;
	v19 =	vld [tilespmem:s3+$0x7420];
	v7 =	vmul.f32 v17, v7;
	v16 =	vmul.f32 $5.000000000e-01, v14  }
0x160: {  	v5 =	vadd.f32 v5, v9;
	v9 =	vadd.f32 $-1.000000000e+00, v10;
	v8 =	vmul.f32 v11, v8;
	v10 =	vld [tilespmem:s3+$0xF410]  }
0x161: {  	v3 =	vmax.f32 v3, $1.000000000e+00;
	v7 =	vand.u32 $0x7FFFFFFF, v7;
	v11 =	vmul.f32 v16, v14;
	v14 =	vld [tilespmem:s3+$0x7410]  }
0x162: {  	v16 =	vmin.f32 v7, $1.000000000e+00;
	v6 =	vadd.f32 v9, v6;
	v8 =	vadd.f32 $-1.000000000e+00, v8;
	v9 =	vld [tilespmem:s3+$0x1400]  }
0x163: {  	v17 =	vld [tilespmem:s3+$0xF420];
	v4 =	vsub.f32 v4, v12;
	v18 =	vmul.f32 $5.000000000e-01, v16;
	v11 =	vadd.f32 $-1.000000000e+00, v11  }
0x164: {  	v12 =	vld [tilespmem:s3+$0x7430];
	v5 =	vadd.f32 v6, v5;
	v3 =	vadd.f32 v8, v3  }
0x165: {  	v2 =	vmax.f32 v2, $1.000000000e+00;
	v6 =	vld [tilespmem:s3+$0xF430];
	v8 =	vmul.f32 v18, v16  }
0x166: {  	v2 =	vadd.f32 v11, v2;
	v3 =	vadd.f32 v3, v5  }
0x167: {  	s24 =	simm.s32 $0x40;
	v5 =	vadd.f32 $-1.000000000e+00, v8;
	v8 =	vsub.f32 v10, v14;
	v4 =	vmul.f32 v9, v4;
	v9 =	vld [tilespmem:s3+$0x1430]  }
0x168: {  	v7 =	vmax.f32 v7, $1.000000000e+00;
	v10 =	vld [tilespmem:s24+$0xF400];
	v2 =	vadd.f32 v2, v3;
	v3 =	vsub.f32 v17, v19  }
0x169: {  	v5 =	vadd.f32 v5, v7;
	v7 =	vmul.f32 v15, v8;
	v8 =	vld [tilespmem:s24+$0x7400];
	v11 =	vand.u32 $0x7FFFFFFF, v4  }
0x16a: {  	v6 =	vsub.f32 v6, v12;
	v4 =	vmin.f32 v11, $1.000000000e+00;
	v3 =	vmul.f32 v13, v3  }
0x16b: {  	v18 =	vld [tilespmem:s24+$0x7410];
	v13 =	vadd.f32 v5, v2;
	v7 =	vand.u32 $0x7FFFFFFF, v7;
	v5 =	vmul.f32 $5.000000000e-01, v4  }
0x16c: {  	v17 =	vld [tilespmem:s24+$0xF410];
	v12 =	vmin.f32 v7, $1.000000000e+00;
	v16 =	vand.u32 $0x7FFFFFFF, v3;
	v9 =	vmul.f32 v9, v6  }
0x16d: {  	v2 =	vld [tilespmem:s24+$0x1420];
	v14 =	vmul.f32 $5.000000000e-01, v12;
	v4 =	vmul.f32 v5, v4;
	v15 =	vmin.f32 v16, $1.000000000e+00  }
0x16e: {  	v3 =	vld [tilespmem:s24+$0x1410];
	v6 =	vsub.f32 v10, v8;
	v8 =	vmul.f32 $5.000000000e-01, v15;
	v5 =	vand.u32 $0x7FFFFFFF, v9  }
0x16f: {  	v10 =	vld [tilespmem:s24+$0x1400];
	v12 =	vmul.f32 v14, v12;
	v9 =	vadd.f32 $-1.000000000e+00, v4;
	v14 =	vmin.f32 v5, $1.000000000e+00  }
0x170: {  	v11 =	vmax.f32 v11, $1.000000000e+00;
	v4 =	vld [tilespmem:s24+$0xF420];
	v8 =	vmul.f32 v8, v15;
	v15 =	vmul.f32 $5.000000000e-01, v14  }
0x171: {  	v19 =	vadd.f32 $-1.000000000e+00, v12;
	v11 =	vadd.f32 v9, v11;
	v9 =	vld [tilespmem:s24+$0x7420]  }
0x172: {  	v20 =	vmax.f32 v7, $1.000000000e+00;
	v7 =	vld [tilespmem:s24+$0xF430];
	v12 =	vadd.f32 $-1.000000000e+00, v8;
	v21 =	vmul.f32 v15, v14  }
0x173: {  	v15 =	vadd.f32 v19, v20;
	v8 =	vld [tilespmem:s24+$0x7430];
	v14 =	vadd.f32 v11, v13  }
0x174: {  	s4 =	simm.s32 $0x200;
	s3 =	simm.s32 $0x4;
	v16 =	vmax.f32 v16, $1.000000000e+00;
	v13 =	vsub.f32 v17, v18;
	v11 =	vadd.f32 $-1.000000000e+00, v21  }
.LBB2_14:
0x175: {  	v6 =	vmul.f32 v10, v6;
	v10 =	vld [tilespmem:s24+$0x1430];
	s24 =	sshra.s32 s4, $0x2;
	v14 =	vadd.f32 v15, v14;
	v12 =	vadd.f32 v12, v16  }
0x176: {  	v5 =	vmax.f32 v5, $1.000000000e+00;
	v15 =	vld [tilespmem:s24+$0xF400];
	v3 =	vmul.f32 v3, v13;
	v4 =	vsub.f32 v4, v9  }
0x177: {  	v5 =	vadd.f32 v11, v5;
	v9 =	vld [tilespmem:s24+$0x7400];
	v13 =	vand.u32 $0x7FFFFFFF, v6;
	v6 =	vadd.f32 v12, v14  }
0x178: {  	v11 =	vmin.f32 v13, $1.000000000e+00;
	v4 =	vmul.f32 v2, v4;
	v7 =	vsub.f32 v7, v8  }
0x179: {  	v12 =	vand.u32 $0x7FFFFFFF, v3;
	v2 =	vld [tilespmem:s24+$0x1420];
	v8 =	vmul.f32 $5.000000000e-01, v11;
	v14 =	vadd.f32 v5, v6  }
0x17a: {  	v16 =	vmin.f32 v12, $1.000000000e+00;
	v3 =	vld [tilespmem:s24+$0x1410];
	v17 =	vand.u32 $0x7FFFFFFF, v4;
	v5 =	vmul.f32 v10, v7  }
0x17b: {  	s3 =	sadd.s32 $0x4, s3;
	v4 =	vld [tilespmem:s24+$0xF420];
	v7 =	vmul.f32 v8, v11;
	v8 =	vmul.f32 $5.000000000e-01, v16;
	v11 =	vmin.f32 v17, $1.000000000e+00  }
0x17c: {  	p0 =	slt.u32 s3, $0xFC;
	v6 =	vsub.f32 v15, v9;
	v18 =	vld [tilespmem:s24+$0xF410];
	v9 =	vmul.f32 $5.000000000e-01, v11;
	v5 =	vand.u32 $0x7FFFFFFF, v5  }
0x17d: {  	v19 =	vld [tilespmem:s24+$0x7410];
	v7 =	vadd.f32 $-1.000000000e+00, v7;
	v8 =	vmul.f32 v8, v16;
	v15 =	vmin.f32 v5, $1.000000000e+00  }
.Ltmp6:
0x17e: {  	v13 =	vmax.f32 v13, $1.000000000e+00;
	v10 =	vld [tilespmem:s24+$0x1400];
	v11 =	vmul.f32 v9, v11;
	v16 =	vmul.f32 $5.000000000e-01, v15;
	(pc) =	sbr.rel @p0 .LBB2_14-.Ltmp6, $4  }
0x17f: {  	v9 =	vld [tilespmem:s24+$0x7420];
	v13 =	vadd.f32 v7, v13;
	v20 =	vadd.f32 $-1.000000000e+00, v8  }
0x180: {  	v21 =	vmax.f32 v12, $1.000000000e+00;
	v7 =	vld [tilespmem:s24+$0xF430];
	v12 =	vadd.f32 $-1.000000000e+00, v11;
	v11 =	vmul.f32 v16, v15  }
0x181: {  	v8 =	vld [tilespmem:s24+$0x7430];
	v14 =	vadd.f32 v13, v14;
	v15 =	vadd.f32 v20, v21  }
0x182: {  	s4 =	sadd.s32 $0x100, s4;
	v16 =	vmax.f32 v17, $1.000000000e+00;
	v13 =	vsub.f32 v18, v19;
	v11 =	vadd.f32 $-1.000000000e+00, v11  }
0x183: {  	v17 =	vld [tilespmem:s24+$0x1430];
	v6 =	vmul.f32 v10, v6;
	v10 =	vadd.f32 v15, v14;
	_ =	swait.ge [sflag:s22], $0x1000  }
0x184: {  	v12 =	vadd.f32 v12, v16;
	v4 =	vsub.f32 v4, v9;
	[sflag:s22] =	ssyncset.done $0x0  }
0x185: {  	v5 =	vmax.f32 v5, $1.000000000e+00;
	s3 =	simm.s32 $0x0;
	v3 =	vmul.f32 v3, v13;
	v6 =	vand.u32 $0x7FFFFFFF, v6;
	[sflag:s22] =	ssyncadd.s32 $0xFFFFF000  }
0x186: {  	v9 =	vadd.f32 v12, v10;
	v10 =	vmin.f32 v6, $1.000000000e+00;
	v2 =	vmul.f32 v2, v4;
	v4 =	vld [tilespmem:s3+$0x10400]  }
0x187: {  	v5 =	vadd.f32 v11, v5;
	v3 =	vand.u32 $0x7FFFFFFF, v3;
	v12 =	vld [tilespmem:s3+$0x8400];
	v11 =	vmul.f32 $5.000000000e-01, v10  }
0x188: {  	v7 =	vsub.f32 v7, v8;
	v13 =	vld [tilespmem:s3+$0x1420];
	v8 =	vmin.f32 v3, $1.000000000e+00;
	v2 =	vand.u32 $0x7FFFFFFF, v2  }
0x189: {  	v15 =	vld [tilespmem:s3+$0x1410];
	v10 =	vmul.f32 v11, v10;
	v11 =	vmul.f32 $5.000000000e-01, v8;
	v14 =	vmin.f32 v2, $1.000000000e+00  }
0x18a: {  	v6 =	vmax.f32 v6, $1.000000000e+00;
	v19 =	vld [tilespmem:s3+$0x8420];
	v7 =	vmul.f32 v17, v7;
	v16 =	vmul.f32 $5.000000000e-01, v14  }
0x18b: {  	v5 =	vadd.f32 v5, v9;
	v9 =	vadd.f32 $-1.000000000e+00, v10;
	v8 =	vmul.f32 v11, v8;
	v10 =	vld [tilespmem:s3+$0x10410]  }
0x18c: {  	v3 =	vmax.f32 v3, $1.000000000e+00;
	v7 =	vand.u32 $0x7FFFFFFF, v7;
	v11 =	vmul.f32 v16, v14;
	v14 =	vld [tilespmem:s3+$0x8410]  }
0x18d: {  	v16 =	vmin.f32 v7, $1.000000000e+00;
	v6 =	vadd.f32 v9, v6;
	v8 =	vadd.f32 $-1.000000000e+00, v8;
	v9 =	vld [tilespmem:s3+$0x1400]  }
0x18e: {  	v17 =	vld [tilespmem:s3+$0x10420];
	v4 =	vsub.f32 v4, v12;
	v18 =	vmul.f32 $5.000000000e-01, v16;
	v11 =	vadd.f32 $-1.000000000e+00, v11  }
0x18f: {  	v12 =	vld [tilespmem:s3+$0x8430];
	v5 =	vadd.f32 v6, v5;
	v3 =	vadd.f32 v8, v3  }
0x190: {  	v2 =	vmax.f32 v2, $1.000000000e+00;
	v6 =	vld [tilespmem:s3+$0x10430];
	v8 =	vmul.f32 v18, v16  }
0x191: {  	v2 =	vadd.f32 v11, v2;
	v3 =	vadd.f32 v3, v5  }
0x192: {  	s24 =	simm.s32 $0x40;
	v5 =	vadd.f32 $-1.000000000e+00, v8;
	v8 =	vsub.f32 v10, v14;
	v4 =	vmul.f32 v9, v4;
	v9 =	vld [tilespmem:s3+$0x1430]  }
0x193: {  	v7 =	vmax.f32 v7, $1.000000000e+00;
	v10 =	vld [tilespmem:s24+$0x10400];
	v2 =	vadd.f32 v2, v3;
	v3 =	vsub.f32 v17, v19  }
0x194: {  	v5 =	vadd.f32 v5, v7;
	v7 =	vmul.f32 v15, v8;
	v8 =	vld [tilespmem:s24+$0x8400];
	v11 =	vand.u32 $0x7FFFFFFF, v4  }
0x195: {  	v6 =	vsub.f32 v6, v12;
	v4 =	vmin.f32 v11, $1.000000000e+00;
	v3 =	vmul.f32 v13, v3  }
0x196: {  	v18 =	vld [tilespmem:s24+$0x8410];
	v13 =	vadd.f32 v5, v2;
	v7 =	vand.u32 $0x7FFFFFFF, v7;
	v5 =	vmul.f32 $5.000000000e-01, v4  }
0x197: {  	v17 =	vld [tilespmem:s24+$0x10410];
	v12 =	vmin.f32 v7, $1.000000000e+00;
	v16 =	vand.u32 $0x7FFFFFFF, v3;
	v9 =	vmul.f32 v9, v6  }
0x198: {  	v2 =	vld [tilespmem:s24+$0x1420];
	v14 =	vmul.f32 $5.000000000e-01, v12;
	v4 =	vmul.f32 v5, v4;
	v15 =	vmin.f32 v16, $1.000000000e+00  }
0x199: {  	v3 =	vld [tilespmem:s24+$0x1410];
	v6 =	vsub.f32 v10, v8;
	v8 =	vmul.f32 $5.000000000e-01, v15;
	v5 =	vand.u32 $0x7FFFFFFF, v9  }
0x19a: {  	v10 =	vld [tilespmem:s24+$0x1400];
	v12 =	vmul.f32 v14, v12;
	v9 =	vadd.f32 $-1.000000000e+00, v4;
	v14 =	vmin.f32 v5, $1.000000000e+00  }
0x19b: {  	v11 =	vmax.f32 v11, $1.000000000e+00;
	v4 =	vld [tilespmem:s24+$0x10420];
	v8 =	vmul.f32 v8, v15;
	v15 =	vmul.f32 $5.000000000e-01, v14  }
0x19c: {  	v19 =	vadd.f32 $-1.000000000e+00, v12;
	v11 =	vadd.f32 v9, v11;
	v9 =	vld [tilespmem:s24+$0x8420]  }
0x19d: {  	v20 =	vmax.f32 v7, $1.000000000e+00;
	v7 =	vld [tilespmem:s24+$0x10430];
	v12 =	vadd.f32 $-1.000000000e+00, v8;
	v21 =	vmul.f32 v15, v14  }
0x19e: {  	v15 =	vadd.f32 v19, v20;
	v8 =	vld [tilespmem:s24+$0x8430];
	v14 =	vadd.f32 v11, v13  }
0x19f: {  	s4 =	simm.s32 $0x200;
	s3 =	simm.s32 $0x4;
	v16 =	vmax.f32 v16, $1.000000000e+00;
	v13 =	vsub.f32 v17, v18;
	v11 =	vadd.f32 $-1.000000000e+00, v21  }
.LBB2_16:
0x1a0: {  	v6 =	vmul.f32 v10, v6;
	v10 =	vld [tilespmem:s24+$0x1430];
	s24 =	sshra.s32 s4, $0x2;
	v14 =	vadd.f32 v15, v14;
	v12 =	vadd.f32 v12, v16  }
0x1a1: {  	v5 =	vmax.f32 v5, $1.000000000e+00;
	v15 =	vld [tilespmem:s24+$0x10400];
	v3 =	vmul.f32 v3, v13;
	v4 =	vsub.f32 v4, v9  }
0x1a2: {  	v5 =	vadd.f32 v11, v5;
	v9 =	vld [tilespmem:s24+$0x8400];
	v13 =	vand.u32 $0x7FFFFFFF, v6;
	v6 =	vadd.f32 v12, v14  }
0x1a3: {  	v11 =	vmin.f32 v13, $1.000000000e+00;
	v4 =	vmul.f32 v2, v4;
	v7 =	vsub.f32 v7, v8  }
0x1a4: {  	v12 =	vand.u32 $0x7FFFFFFF, v3;
	v2 =	vld [tilespmem:s24+$0x1420];
	v8 =	vmul.f32 $5.000000000e-01, v11;
	v14 =	vadd.f32 v5, v6  }
0x1a5: {  	v16 =	vmin.f32 v12, $1.000000000e+00;
	v3 =	vld [tilespmem:s24+$0x1410];
	v17 =	vand.u32 $0x7FFFFFFF, v4;
	v5 =	vmul.f32 v10, v7  }
0x1a6: {  	s3 =	sadd.s32 $0x4, s3;
	v4 =	vld [tilespmem:s24+$0x10420];
	v7 =	vmul.f32 v8, v11;
	v8 =	vmul.f32 $5.000000000e-01, v16;
	v11 =	vmin.f32 v17, $1.000000000e+00  }
0x1a7: {  	p0 =	slt.u32 s3, $0xFC;
	v6 =	vsub.f32 v15, v9;
	v18 =	vld [tilespmem:s24+$0x10410];
	v9 =	vmul.f32 $5.000000000e-01, v11;
	v5 =	vand.u32 $0x7FFFFFFF, v5  }
0x1a8: {  	v19 =	vld [tilespmem:s24+$0x8410];
	v7 =	vadd.f32 $-1.000000000e+00, v7;
	v8 =	vmul.f32 v8, v16;
	v15 =	vmin.f32 v5, $1.000000000e+00  }
.Ltmp7:
0x1a9: {  	v13 =	vmax.f32 v13, $1.000000000e+00;
	v10 =	vld [tilespmem:s24+$0x1400];
	v11 =	vmul.f32 v9, v11;
	v16 =	vmul.f32 $5.000000000e-01, v15;
	(pc) =	sbr.rel @p0 .LBB2_16-.Ltmp7, $4  }
0x1aa: {  	v9 =	vld [tilespmem:s24+$0x8420];
	v13 =	vadd.f32 v7, v13;
	v20 =	vadd.f32 $-1.000000000e+00, v8  }
0x1ab: {  	v21 =	vmax.f32 v12, $1.000000000e+00;
	v7 =	vld [tilespmem:s24+$0x10430];
	v12 =	vadd.f32 $-1.000000000e+00, v11;
	v11 =	vmul.f32 v16, v15  }
0x1ac: {  	v8 =	vld [tilespmem:s24+$0x8430];
	v14 =	vadd.f32 v13, v14;
	v15 =	vadd.f32 v20, v21  }
0x1ad: {  	s4 =	sadd.s32 $0x100, s4;
	v16 =	vmax.f32 v17, $1.000000000e+00;
	v13 =	vsub.f32 v18, v19;
	v11 =	vadd.f32 $-1.000000000e+00, v11  }
0x1ae: {  	v17 =	vld [tilespmem:s24+$0x1430];
	v6 =	vmul.f32 v10, v6;
	v10 =	vadd.f32 v15, v14;
	_ =	swait.ge [sflag:s23], $0x1000  }
0x1af: {  	v12 =	vadd.f32 v12, v16;
	v4 =	vsub.f32 v4, v9;
	[sflag:s23] =	ssyncset.done $0x0  }
0x1b0: {  	v5 =	vmax.f32 v5, $1.000000000e+00;
	s3 =	simm.s32 $0x0;
	v3 =	vmul.f32 v3, v13;
	v6 =	vand.u32 $0x7FFFFFFF, v6;
	[sflag:s23] =	ssyncadd.s32 $0xFFFFF000  }
0x1b1: {  	v9 =	vadd.f32 v12, v10;
	v10 =	vmin.f32 v6, $1.000000000e+00;
	v2 =	vmul.f32 v2, v4;
	v4 =	vld [tilespmem:s3+$0x11400]  }
0x1b2: {  	v5 =	vadd.f32 v11, v5;
	v3 =	vand.u32 $0x7FFFFFFF, v3;
	v12 =	vld [tilespmem:s3+$0x9400];
	v11 =	vmul.f32 $5.000000000e-01, v10  }
0x1b3: {  	v7 =	vsub.f32 v7, v8;
	v13 =	vld [tilespmem:s3+$0x1420];
	v8 =	vmin.f32 v3, $1.000000000e+00;
	v2 =	vand.u32 $0x7FFFFFFF, v2  }
0x1b4: {  	v15 =	vld [tilespmem:s3+$0x1410];
	v10 =	vmul.f32 v11, v10;
	v11 =	vmul.f32 $5.000000000e-01, v8;
	v14 =	vmin.f32 v2, $1.000000000e+00  }
0x1b5: {  	v6 =	vmax.f32 v6, $1.000000000e+00;
	v19 =	vld [tilespmem:s3+$0x9420];
	v7 =	vmul.f32 v17, v7;
	v16 =	vmul.f32 $5.000000000e-01, v14  }
0x1b6: {  	v5 =	vadd.f32 v5, v9;
	v9 =	vadd.f32 $-1.000000000e+00, v10;
	v8 =	vmul.f32 v11, v8;
	v10 =	vld [tilespmem:s3+$0x11410]  }
0x1b7: {  	v3 =	vmax.f32 v3, $1.000000000e+00;
	v7 =	vand.u32 $0x7FFFFFFF, v7;
	v11 =	vmul.f32 v16, v14;
	v14 =	vld [tilespmem:s3+$0x9410]  }
0x1b8: {  	v16 =	vmin.f32 v7, $1.000000000e+00;
	v6 =	vadd.f32 v9, v6;
	v8 =	vadd.f32 $-1.000000000e+00, v8;
	v9 =	vld [tilespmem:s3+$0x1400]  }
0x1b9: {  	v17 =	vld [tilespmem:s3+$0x11420];
	v4 =	vsub.f32 v4, v12;
	v18 =	vmul.f32 $5.000000000e-01, v16;
	v11 =	vadd.f32 $-1.000000000e+00, v11  }
0x1ba: {  	v12 =	vld [tilespmem:s3+$0x9430];
	v5 =	vadd.f32 v6, v5;
	v3 =	vadd.f32 v8, v3  }
0x1bb: {  	v2 =	vmax.f32 v2, $1.000000000e+00;
	v6 =	vld [tilespmem:s3+$0x11430];
	v8 =	vmul.f32 v18, v16  }
0x1bc: {  	v2 =	vadd.f32 v11, v2;
	v3 =	vadd.f32 v3, v5  }
0x1bd: {  	s24 =	simm.s32 $0x40;
	v5 =	vadd.f32 $-1.000000000e+00, v8;
	v8 =	vsub.f32 v10, v14;
	v4 =	vmul.f32 v9, v4;
	v9 =	vld [tilespmem:s3+$0x1430]  }
0x1be: {  	v7 =	vmax.f32 v7, $1.000000000e+00;
	v10 =	vld [tilespmem:s24+$0x11400];
	v2 =	vadd.f32 v2, v3;
	v3 =	vsub.f32 v17, v19  }
0x1bf: {  	v5 =	vadd.f32 v5, v7;
	v7 =	vmul.f32 v15, v8;
	v8 =	vld [tilespmem:s24+$0x9400];
	v11 =	vand.u32 $0x7FFFFFFF, v4  }
0x1c0: {  	v6 =	vsub.f32 v6, v12;
	v4 =	vmin.f32 v11, $1.000000000e+00;
	v3 =	vmul.f32 v13, v3  }
0x1c1: {  	v18 =	vld [tilespmem:s24+$0x9410];
	v12 =	vadd.f32 v5, v2;
	v7 =	vand.u32 $0x7FFFFFFF, v7;
	v5 =	vmul.f32 $5.000000000e-01, v4  }
0x1c2: {  	v17 =	vld [tilespmem:s24+$0x11410];
	v13 =	vmin.f32 v7, $1.000000000e+00;
	v16 =	vand.u32 $0x7FFFFFFF, v3;
	v9 =	vmul.f32 v9, v6  }
0x1c3: {  	v2 =	vld [tilespmem:s24+$0x1420];
	v14 =	vmul.f32 $5.000000000e-01, v13;
	v4 =	vmul.f32 v5, v4;
	v15 =	vmin.f32 v16, $1.000000000e+00  }
0x1c4: {  	v3 =	vld [tilespmem:s24+$0x1410];
	v6 =	vsub.f32 v10, v8;
	v8 =	vmul.f32 $5.000000000e-01, v15;
	v5 =	vand.u32 $0x7FFFFFFF, v9  }
0x1c5: {  	v10 =	vld [tilespmem:s24+$0x1400];
	v13 =	vmul.f32 v14, v13;
	v9 =	vadd.f32 $-1.000000000e+00, v4;
	v14 =	vmin.f32 v5, $1.000000000e+00  }
0x1c6: {  	v11 =	vmax.f32 v11, $1.000000000e+00;
	v4 =	vld [tilespmem:s24+$0x11420];
	v15 =	vmul.f32 v8, v15;
	v19 =	vmul.f32 $5.000000000e-01, v14  }
0x1c7: {  	v20 =	vadd.f32 $-1.000000000e+00, v13;
	v8 =	vld [tilespmem:s24+$0x9420];
	v9 =	vadd.f32 v9, v11  }
0x1c8: {  	v21 =	vmax.f32 v7, $1.000000000e+00;
	v7 =	vld [tilespmem:s24+$0x11430];
	v11 =	vadd.f32 $-1.000000000e+00, v15;
	v19 =	vmul.f32 v19, v14  }
0x1c9: {  	v15 =	vadd.f32 v20, v21;
	v13 =	vadd.f32 v9, v12;
	v9 =	vld [tilespmem:s24+$0x9430]  }
0x1ca: {  	s4 =	simm.s32 $0x200;
	s3 =	simm.s32 $0x4;
	v16 =	vmax.f32 v16, $1.000000000e+00;
	v14 =	vsub.f32 v17, v18;
	v12 =	vadd.f32 $-1.000000000e+00, v19  }
.LBB2_18:
0x1cb: {  	v6 =	vmul.f32 v10, v6;
	v10 =	vld [tilespmem:s24+$0x1430];
	s24 =	sshra.s32 s4, $0x2;
	v13 =	vadd.f32 v15, v13;
	v11 =	vadd.f32 v11, v16  }
0x1cc: {  	v5 =	vmax.f32 v5, $1.000000000e+00;
	v15 =	vld [tilespmem:s24+$0x11400];
	v3 =	vmul.f32 v3, v14;
	v4 =	vsub.f32 v4, v8  }
0x1cd: {  	v5 =	vadd.f32 v12, v5;
	v8 =	vld [tilespmem:s24+$0x9400];
	v14 =	vand.u32 $0x7FFFFFFF, v6;
	v6 =	vadd.f32 v11, v13  }
0x1ce: {  	v11 =	vmin.f32 v14, $1.000000000e+00;
	v4 =	vmul.f32 v2, v4;
	v7 =	vsub.f32 v7, v9  }
0x1cf: {  	v12 =	vand.u32 $0x7FFFFFFF, v3;
	v2 =	vld [tilespmem:s24+$0x1420];
	v9 =	vmul.f32 $5.000000000e-01, v11;
	v13 =	vadd.f32 v5, v6  }
0x1d0: {  	v16 =	vmin.f32 v12, $1.000000000e+00;
	v3 =	vld [tilespmem:s24+$0x1410];
	v17 =	vand.u32 $0x7FFFFFFF, v4;
	v5 =	vmul.f32 v10, v7  }
0x1d1: {  	s3 =	sadd.s32 $0x4, s3;
	v4 =	vld [tilespmem:s24+$0x11420];
	v7 =	vmul.f32 v9, v11;
	v9 =	vmul.f32 $5.000000000e-01, v16;
	v11 =	vmin.f32 v17, $1.000000000e+00  }
0x1d2: {  	p0 =	slt.u32 s3, $0xFC;
	v6 =	vsub.f32 v15, v8;
	v18 =	vld [tilespmem:s24+$0x11410];
	v8 =	vmul.f32 $5.000000000e-01, v11;
	v5 =	vand.u32 $0x7FFFFFFF, v5  }
0x1d3: {  	v19 =	vld [tilespmem:s24+$0x9410];
	v7 =	vadd.f32 $-1.000000000e+00, v7;
	v9 =	vmul.f32 v9, v16;
	v15 =	vmin.f32 v5, $1.000000000e+00  }
.Ltmp8:
0x1d4: {  	v14 =	vmax.f32 v14, $1.000000000e+00;
	v10 =	vld [tilespmem:s24+$0x1400];
	v11 =	vmul.f32 v8, v11;
	v16 =	vmul.f32 $5.000000000e-01, v15;
	(pc) =	sbr.rel @p0 .LBB2_18-.Ltmp8, $4  }
0x1d5: {  	v8 =	vld [tilespmem:s24+$0x9420];
	v14 =	vadd.f32 v7, v14;
	v20 =	vadd.f32 $-1.000000000e+00, v9  }
0x1d6: {  	v12 =	vmax.f32 v12, $1.000000000e+00;
	v7 =	vld [tilespmem:s24+$0x11430];
	v11 =	vadd.f32 $-1.000000000e+00, v11;
	v21 =	vmul.f32 v16, v15  }
0x1d7: {  	v9 =	vld [tilespmem:s24+$0x9430];
	v13 =	vadd.f32 v14, v13;
	v15 =	vadd.f32 v20, v12  }
0x1d8: {  	s4 =	sadd.s32 $0x100, s4;
	v16 =	vmax.f32 v17, $1.000000000e+00;
	v14 =	vsub.f32 v18, v19;
	v12 =	vadd.f32 $-1.000000000e+00, v21  }
0x1d9: {  	v6 =	vmul.f32 v10, v6;
	v50 =	vld [tilespmem:s24+$0x1430];
	v13 =	vadd.f32 v15, v13  }
0x1da: {  	v11 =	vadd.f32 v11, v16;
	v5 =	vmax.f32 v5, $1.000000000e+00;
	v4 =	vsub.f32 v4, v8  }
0x1db: {  	v3 =	vmul.f32 v3, v14;
	v5 =	vadd.f32 v12, v5;
	v6 =	vand.u32 $0x7FFFFFFF, v6  }
0x1dc: {  	v52 =	vmin.f32 v6, $1.000000000e+00;
	v2 =	vmul.f32 v2, v4;
	v53 =	vsub.f32 v7, v9  }
0x1dd: {  	v51 =	vadd.f32 v11, v13;
	v3 =	vand.u32 $0x7FFFFFFF, v3;
	v54 =	vmul.f32 $5.000000000e-01, v52  }
0x1de: {  	v55 =	vmin.f32 v3, $1.000000000e+00;
	v2 =	vand.u32 $0x7FFFFFFF, v2;
	v4 =	vmul.f32 v50, v53  }
0x1df: {  	v56 =	vmul.f32 $5.000000000e-01, v55;
	v7 =	vmul.f32 v54, v52;
	v57 =	vmin.f32 v2, $1.000000000e+00  }
0x1e0: {  	v6 =	vmax.f32 v6, $1.000000000e+00;
	v58 =	vmul.f32 $5.000000000e-01, v57;
	v4 =	vand.u32 $0x7FFFFFFF, v4  }
0x1e1: {  	v9 =	vmul.f32 v56, v55;
	v7 =	vadd.f32 $-1.000000000e+00, v7;
	v59 =	vmin.f32 v4, $1.000000000e+00  }
0x1e2: {  	v5 =	vadd.f32 v5, v51;
	v8 =	vmul.f32 v58, v57;
	v60 =	vmul.f32 $5.000000000e-01, v59  }
0x1e3: {  	v61 =	vadd.f32 $-1.000000000e+00, v9;
	v6 =	vadd.f32 v7, v6  }
0x1e4: {  	v3 =	vmax.f32 v3, $1.000000000e+00;
	v8 =	vadd.f32 $-1.000000000e+00, v8;
	v62 =	vmul.f32 v60, v59  }
0x1e5: {  	v3 =	vadd.f32 v61, v3;
	v5 =	vadd.f32 v6, v5  }
0x1e6: {  	v2 =	vmax.f32 v2, $1.000000000e+00;
	v63 =	vadd.f32 $-1.000000000e+00, v62  }
0x1e7: {  	v2 =	vadd.f32 v8, v2;
	v3 =	vadd.f32 v3, v5  }
0x1e8: {  	v4 =	vmax.f32 v4, $1.000000000e+00  }
0x1e9: {  	v2 =	vadd.f32 v2, v3;
	v3 =	vadd.f32 v63, v4;
	_ =	sdelay $0x1  }
0x1ea: {  	s25 =	sadd.s32 $0x1, s25;
	v2 =	vadd.f32 v3, v2  }
0x1eb: {  	[tilespmem:$0x12410] =	vst v1;
	p0 =	sne.s32 s25, s15  }
.Ltmp9:
0x1ec: {  	s3 =	simm.s32 $0x12400;
	[tilespmem:$0x12400] =	vst v2;
	(pc) =	sbr.rel @p0 .LBB2_1-.Ltmp9, $4  }
0x1ed: {  	[hbm4b:s14+s2] =	stream.linear.scatter [tilespmem:s3], [sflag:$0xA], $0x20, $0x38;
	[tilespmem:$0x12420] =	vst v63  }
0x1ee: {  	_ =	swait.ge [sflag:s17], $0x20  }
0x1ef: {  	[sflag:s17] =	ssyncset.done $0x0  }
0x1f0: {  	[sflag:s17] =	ssyncadd.s32 $0xFFFFFFE0  }
0x1f1: {  	_ =	sfence.sel $0x180000  }
0x1f2: {  	[bflag:$0x0] =	sbarrier.arrive $0xFFFF  }
0x1f3: {  	_ =	strace $0x90000047  }
0x1f4: {  	s0 =	stileid.u32;
	[bflag:$0x2] =	sbarrier.arrive $0xFFFF  }
0x1f5: {  	p0 =	sne.s32 s0, $0x0;
	s0 =	rddreg [dreg:$0x2]  }
0x1f6: {  	s0 =	sadd.s32 @!p0 $0x100000, s0  }
0x1f7: {  	[sflag:s0] =	ssyncadd.tile.s32 @!p0 $0x1;
	_ =	shalt  }
.Lfunc_end2:
_tile_overlayer_lowered:
.L_overlay_start_2:
0x1f8: {  	(tag) =	ssettag $0x2  }
0x1f9: {  	s0 =	rddreg [dreg:$0x0];
	s2 =	stileid.u32  }
0x1fa: {  	s1 =	rddreg [dreg:$0x1];
	p0 =	sne.s32 s2, $0x0  }
0x1fb: {  	s3 =	rddreg [dreg:$0x2];
	[bflag:$0x3] =	sbarrier.arrive $0xFFFF;
	s2 =	simm.s32 @!p0 $0x1C0A  }
0x1fc: {  	[timem:s3], [sflag:s2] =	dma.local @!p0 [hbm:s0], s1  }
0x1fd: {  	s0 =	simm.s32 @!p0 $0xA  }
0x1fe: {  	_ =	swait.ge @!p0 [sflag:s0], s1  }
0x1ff: {  	s1 =	ssub.s32 @!p0 $0x0, s1;
	[sflag:s0] =	ssyncset.done @!p0 $0x0  }
0x200: {  	[sflag:s0] =	ssyncadd.s32 @!p0 s1  }
0x201: {  	[bflag:$0x3] =	sbarrier.arrive $0xFFFF  }
0x202: {  	_ =	shalt  }

</sc_bundles>
